<compile_context>
chip_gen: v7x
topology: tpu7x:2x2x1
jax: 0.10.2.dev20260603
libtpu: 0.0.44.dev20260713+nightly
codegen_flags: <defaults>
</compile_context>

<pallas_src>
import functools

import jax
import jax.numpy as jnp
from jax import lax
from jax.experimental import pallas as pl
from jax.experimental.pallas import tpu as pltpu
from jax.experimental.pallas import tpu_sc as plsc

N = 10000
G = 100
NPG = 100
E = 320000
D = 128
H = 128
RH = 128
B = 4
MAXLEN = 30

NC = 2
NS = 16
NW = NC * NS

K = 128
CH = 158
EPAD = NS * CH * K
KD = 128
CHD = 80
NPAD = 10240
STRIPE = NPAD // NS
SEQ = B * MAXLEN
SEQP = 128

_mesh = plsc.VectorSubcoreMesh(core_axis_name="c", subcore_axis_name="s",
                               num_cores=NC, num_subcores=NS)


@functools.partial(
    pl.kernel,
    out_type=jax.ShapeDtypeStruct((NC, NPAD), jnp.float32),
    mesh=_mesh,
    scratch_types=[
        pltpu.VMEM((CHD, KD), jnp.int32),
        pltpu.VMEM((KD,), jnp.float32),
        pltpu.VMEM_SHARED((NPAD,), jnp.float32),
    ],
)
def _sc_degree(dst_hbm, zdeg_hbm, ones_hbm, out_hbm, didxs, ones_v, sdeg):
    cid = lax.axis_index("c")
    sid = lax.axis_index("s")
    w = cid * NS + sid
    base = sid * STRIPE
    pltpu.sync_copy(zdeg_hbm.at[pl.ds(base, STRIPE)], sdeg.at[pl.ds(base, STRIPE)])
    pltpu.sync_copy(ones_hbm, ones_v)
    pltpu.sync_copy(dst_hbm.at[w], didxs)
    plsc.subcore_barrier()

    def body(j, carry):
        pltpu.sync_copy(ones_v, sdeg.at[didxs.at[j]], add=True)
        return carry

    lax.fori_loop(0, CHD, body, 0)
    plsc.subcore_barrier()
    pltpu.sync_copy(sdeg.at[pl.ds(base, STRIPE)], out_hbm.at[cid, pl.ds(base, STRIPE)])


def _make_sc_scatter(with_gather: bool):
    outs = [jax.ShapeDtypeStruct((NPAD, H), jnp.float32)]
    scratch = [
        [pltpu.VMEM((2, K), jnp.int32)] * 2,
        [pltpu.VMEM((K, H), jnp.float32)] * 2,
        pltpu.VMEM_SHARED((NPAD, H), jnp.float32),
        [pltpu.SemaphoreType.DMA] * 2,
        [pltpu.SemaphoreType.DMA] * 2,
    ]
    if with_gather:
        outs += [
            jax.ShapeDtypeStruct((SEQP, H), jnp.float32),
            jax.ShapeDtypeStruct((SEQP, H), jnp.float32),
            jax.ShapeDtypeStruct((SEQP,), jnp.float32),
        ]
        scratch += [
            pltpu.VMEM((SEQP,), jnp.int32),
            pltpu.VMEM((SEQP,), jnp.float32),
        ]

    def body(edges_hbm, u_hbm, zrows_hbm, *rest):
        if with_gather:
            (gid_hbm, dtot_hbm, out_hbm, pg_hbm, ug_hbm, dg_hbm,
             idxb, rowsb, acc, isem, gsem, gidx, gwords) = rest
        else:
            (out_hbm, idxb, rowsb, acc, isem, gsem) = rest
        cid = lax.axis_index("c")
        sid = lax.axis_index("s")
        base = sid * STRIPE

        @pl.when(cid == 0)
        def _():
            w = sid
            pltpu.sync_copy(zrows_hbm.at[pl.ds(base, STRIPE)],
                            acc.at[pl.ds(base, STRIPE)])
            plsc.subcore_barrier()

            pltpu.sync_copy(edges_hbm.at[w, 0], idxb[0])
            pltpu.async_copy(edges_hbm.at[w, 1], idxb[1], isem[1])
            pltpu.async_copy(u_hbm.at[idxb[0].at[0]], rowsb[0], gsem[0])

            def step(jj, carry):
                for b in range(2):
                    j = 2 * jj + b

                    @pl.when(j + 1 < CH)
                    def _():
                        pltpu.make_async_copy(edges_hbm.at[w, j + 1],
                                              idxb[1 - b], isem[1 - b]).wait()
                        pltpu.async_copy(u_hbm.at[idxb[1 - b].at[0]],
                                         rowsb[1 - b], gsem[1 - b])

                    pltpu.make_async_copy(u_hbm.at[idxb[b].at[0]],
                                          rowsb[b], gsem[b]).wait()
                    pltpu.sync_copy(rowsb[b], acc.at[idxb[b].at[1]], add=True)

                    @pl.when(j + 2 < CH)
                    def _():
                        pltpu.async_copy(edges_hbm.at[w, j + 2],
                                         idxb[b], isem[b])
                return carry

            lax.fori_loop(0, CH // 2, step, 0)
            plsc.subcore_barrier()
            pltpu.sync_copy(acc.at[pl.ds(base, STRIPE)],
                            out_hbm.at[pl.ds(base, STRIPE)])
            if with_gather:
                @pl.when(sid == 0)
                def _():
                    pltpu.sync_copy(gid_hbm, gidx)
                    pltpu.sync_copy(acc.at[gidx], rowsb[0])
                    pltpu.sync_copy(rowsb[0], pg_hbm)
                    pltpu.sync_copy(u_hbm.at[gidx], rowsb[0])
                    pltpu.sync_copy(rowsb[0], ug_hbm)
                    pltpu.sync_copy(dtot_hbm.at[gidx], gwords)
                    pltpu.sync_copy(gwords, dg_hbm)

    return pl.kernel(body, out_type=outs, mesh=_mesh, scratch_types=scratch)


_sc_scatter = _make_sc_scatter(False)
_sc_scatter_gather = _make_sc_scatter(True)


_RB = 512
_GRID = NPAD // _RB


def _tc_b_body(x_ref, w1_ref, d0_ref, d1_ref, u1_ref, dt_ref):
    dt = d0_ref[...] + d1_ref[...] + 1.0
    dinv = lax.rsqrt(dt)
    u1_ref[...] = jnp.dot(x_ref[...], w1_ref[...],
                          preferred_element_type=jnp.float32) * dinv
    dt_ref[...] = dt


def _tc_b(xp, W1, d0, d1):
    return pl.pallas_call(
        _tc_b_body,
        grid=(_GRID,),
        in_specs=[
            pl.BlockSpec((_RB, D), lambda i: (i, 0)),
            pl.BlockSpec((D, H), lambda i: (0, 0)),
            pl.BlockSpec((_RB, 1), lambda i: (i, 0)),
            pl.BlockSpec((_RB, 1), lambda i: (i, 0)),
        ],
        out_specs=[
            pl.BlockSpec((_RB, H), lambda i: (i, 0)),
            pl.BlockSpec((_RB, 1), lambda i: (i, 0)),
        ],
        out_shape=[
            jax.ShapeDtypeStruct((NPAD, H), jnp.float32),
            jax.ShapeDtypeStruct((NPAD, 1), jnp.float32),
        ],
    )(xp, W1, d0, d1)


def _tc_d_body(u1_ref, p1_ref, dt_ref, b1_ref, w2_ref, u2_ref):
    dinv = lax.rsqrt(dt_ref[...])
    h1 = jnp.maximum(dinv * (p1_ref[...] + u1_ref[...]) + b1_ref[...], 0.0)
    u2_ref[...] = jnp.dot(h1, w2_ref[...],
                          preferred_element_type=jnp.float32) * dinv


def _tc_d(u1, p1, dt, b1, W2):
    return pl.pallas_call(
        _tc_d_body,
        grid=(_GRID,),
        in_specs=[
            pl.BlockSpec((_RB, H), lambda i: (i, 0)),
            pl.BlockSpec((_RB, H), lambda i: (i, 0)),
            pl.BlockSpec((_RB, 1), lambda i: (i, 0)),
            pl.BlockSpec((1, H), lambda i: (0, 0)),
            pl.BlockSpec((H, H), lambda i: (0, 0)),
        ],
        out_specs=pl.BlockSpec((_RB, H), lambda i: (i, 0)),
        out_shape=jax.ShapeDtypeStruct((NPAD, H), jnp.float32),
    )(u1, p1, dt, b1, W2)


def _tc_f_body(q0_ref, ug_ref, dg_ref, mask_ref, b2_ref,
               wih_ref, bih_ref, whh_ref, bhh_ref, wp_ref, bp_ref, out_ref):
    dinv = lax.rsqrt(dg_ref[...])
    mask = mask_ref[...]
    seq = jnp.maximum(dinv * (q0_ref[...] + ug_ref[...])
                      + b2_ref[...], 0.0) * mask
    dn = (((1,), (1,)), ((), ()))
    gi_all = lax.dot_general(seq, wih_ref[...], dn,
                             preferred_element_type=jnp.float32) + bih_ref[...]
    whh = whh_ref[...]
    bhh = bhh_ref[...]
    h = jnp.zeros((B, RH), jnp.float32)
    outs = []
    for t in range(MAXLEN):
        gi = gi_all[t * B:(t + 1) * B, :]
        gh = lax.dot_general(h, whh, dn,
                             preferred_element_type=jnp.float32) + bhh
        r = jax.nn.sigmoid(gi[:, :RH] + gh[:, :RH])
        z = jax.nn.sigmoid(gi[:, RH:2 * RH] + gh[:, RH:2 * RH])
        n = jnp.tanh(gi[:, 2 * RH:] + r * gh[:, 2 * RH:])
        h = (1.0 - z) * n + z * h
        outs.append(h)
    outs.append(jnp.zeros((SEQP - SEQ, RH), jnp.float32))
    hs = jnp.concatenate(outs, axis=0) * mask
    out_ref[...] = jnp.dot(hs, wp_ref[...],
                           preferred_element_type=jnp.float32) + bp_ref[...]


def _tc_f(q0, ug, dg, maskcol, b2, W_ih, b_ih, W_hh, b_hh, Wp, bp):
    return pl.pallas_call(
        _tc_f_body,
        out_shape=jax.ShapeDtypeStruct((SEQP, 2), jnp.float32),
    )(q0, ug, dg, maskcol, b2, W_ih, b_ih, W_hh, b_hh, Wp, bp)


def kernel(x, edge_index, batch_vec, runner_idx, lengths,
           W1, b1, W2, b2, W_ih, W_hh, b_ih, b_hh, Wp, bp):
    f32 = jnp.float32
    i32 = jnp.int32

    pad = EPAD - E
    srcp = jnp.concatenate([edge_index[0], jnp.zeros((pad,), i32)])
    dstp = jnp.concatenate([edge_index[1], jnp.full((pad,), N, i32)])
    srcp = srcp.reshape(NS, CH, K)
    dstp = dstp.reshape(NS, CH, K)
    edges = jnp.stack([srcp, dstp], axis=2)
    padd = NW * CHD * KD - E
    dstp_deg = jnp.concatenate([edge_index[1], jnp.full((padd,), N, i32)])
    dstp_deg = dstp_deg.reshape(NW, CHD, KD)

    xp = jnp.concatenate([x, jnp.zeros((NPAD - N, D), f32)], axis=0)
    zrows = jnp.zeros((NPAD, H), f32)
    zdeg = jnp.zeros((NPAD,), f32)
    ones_k = jnp.ones((KD,), f32)

    starts = jnp.concatenate([jnp.zeros((1,), lengths.dtype),
                              jnp.cumsum(lengths)[:-1]])
    t = jnp.arange(MAXLEN, dtype=i32)
    cidx = jnp.clip(starts[:, None].astype(i32) + t[None, :], 0, G - 1)
    ctm = cidx.T.reshape(-1)
    gid = ctm * NPG + runner_idx[ctm]
    gidp = jnp.concatenate([gid, jnp.zeros((SEQP - SEQ,), i32)])
    maskcol = (t[None, :] < lengths[:, None]).astype(f32).T.reshape(SEQ, 1)
    maskcol = jnp.concatenate([maskcol, jnp.zeros((SEQP - SEQ, 1), f32)])

    deg = _sc_degree(dstp_deg, zdeg, ones_k)
    d0 = deg[0].reshape(NPAD, 1)
    d1 = deg[1].reshape(NPAD, 1)

    u1, dt = _tc_b(xp, W1, d0, d1)

    (p1,) = _sc_scatter(edges, u1, zrows)
    u2 = _tc_d(u1, p1, dt, b1.reshape(1, H), W2)

    _, pg, ug, dg = _sc_scatter_gather(edges, u2, zrows, gidp,
                                       dt.reshape(NPAD))

    out = _tc_f(pg, ug, dg.reshape(SEQP, 1), maskcol,
                b2.reshape(1, H), W_ih, b_ih.reshape(1, 3 * RH),
                W_hh, b_hh.reshape(1, 3 * RH), Wp, bp.reshape(1, 2))

    return out[:SEQ].reshape(MAXLEN, B, 2).transpose(1, 0, 2)

# --- scband reference (transcript-rebuilt; emitter-appended) ---
"""Pipeline reference for scband-temporal-runner-gnn-12893491823124 (READ-ONLY COPY).

The authoritative reference and input builder live on the scoring server;
editing this copy changes nothing except your own understanding.
"""

import jax, jax.numpy as jnp
import numpy as np

N = 10000   # total nodes across all snapshot graphs
G = 100     # total snapshot graphs in the batch
NPG = 100   # nodes per graph (batch_vec is sorted, contiguous blocks)
E = 320000  # edges
D = 128     # node_feat_dim
H = 128     # gnn_hidden_dim
RH = 128    # rnn_hidden_dim
B = 4       # number of runs (sequences of graphs)


def setup_inputs(seed: int = 0) -> dict:
    key = jax.random.key(seed)
    ks = jax.random.split(key, 16)
    s = 0.05
    return {
        "x": jax.random.normal(ks[0], (N, D), jnp.float32),
        "edge_index": jax.random.randint(ks[1], (2, E), 0, N, dtype=jnp.int32),
        "batch_vec": jnp.repeat(jnp.arange(G, dtype=jnp.int32), NPG),
        "runner_idx": jax.random.randint(ks[2], (G,), 0, NPG, dtype=jnp.int32),
        "lengths": jnp.array([30, 25, 25, 20], dtype=jnp.int32),  # sums to G
        "W1": jax.random.normal(ks[3], (D, H), jnp.float32) * s,
        "b1": jnp.zeros((H,), jnp.float32),
        "W2": jax.random.normal(ks[4], (H, H), jnp.float32) * s,
        "b2": jnp.zeros((H,), jnp.float32),
        "W_ih": jax.random.normal(ks[5], (3 * RH, H), jnp.float32) * s,
        "W_hh": jax.random.normal(ks[6], (3 * RH, RH), jnp.float32) * s,
        "b_ih": jnp.zeros((3 * RH,), jnp.float32),
        "b_hh": jnp.zeros((3 * RH,), jnp.float32),
        "Wp": jax.random.normal(ks[7], (RH, 2), jnp.float32) * s,
        "bp": jnp.zeros((2,), jnp.float32),
    }


def _gcn(x, edge_index, W, b):
    # torch_geometric GCNConv: add self-loops, symmetric deg^-1/2 normalization
    n = x.shape[0]
    loop = jnp.arange(n, dtype=edge_index.dtype)
    src = jnp.concatenate([edge_index[0], loop])
    dst = jnp.concatenate([edge_index[1], loop])
    deg = jnp.zeros((n,), jnp.float32).at[dst].add(1.0)
    dinv = jnp.where(deg > 0, jax.lax.rsqrt(deg), 0.0)
    norm = dinv[src] * dinv[dst]
    h = x @ W
    out = jnp.zeros((n, W.shape[1]), jnp.float32).at[dst].add(h[src] * norm[:, None])
    return out + b


def reference(x, edge_index, batch_vec, runner_idx, lengths,
              W1, b1, W2, b2, W_ih, W_hh, b_ih, b_hh, Wp, bp):
    h1 = jax.nn.relu(_gcn(x, edge_index, W1, b1))
    h2 = jax.nn.relu(_gcn(h1, edge_index, W2, b2))

    # per-graph runner node: batch_vec is sorted, so node_indices for graph t
    # is the contiguous block starting at offsets[t]
    counts = jnp.bincount(batch_vec, length=G)
    offsets = jnp.concatenate([jnp.zeros((1,), counts.dtype), jnp.cumsum(counts)[:-1]])
    g_idx = offsets + runner_idx
    r_emb = h2[g_idx]  # [G, H]

    # pad per-run sequences of runner embeddings to max_len
    max_len = 30
    starts = jnp.concatenate([jnp.zeros((1,), lengths.dtype), jnp.cumsum(lengths)[:-1]])
    t = jnp.arange(max_len)
    idx = jnp.clip(starts[:, None] + t[None, :], 0, G - 1)  # [B, max_len]
    mask = (t[None, :] < lengths[:, None]).astype(jnp.float32)
    seq = r_emb[idx] * mask[:, :, None]  # [B, max_len, H], zero padded

    # GRU (PyTorch gate convention), packed-sequence semantics: outputs past
    # each run's length are zero (matches pad_packed_sequence)
    def step(h, xt):
        gi = xt @ W_ih.T + b_ih
        gh = h @ W_hh.T + b_hh
        i_r, i_z, i_n = jnp.split(gi, 3, axis=-1)
        h_r, h_z, h_n = jnp.split(gh, 3, axis=-1)
        r = jax.nn.sigmoid(i_r + h_r)
        z = jax.nn.sigmoid(i_z + h_z)
        n = jnp.tanh(i_n + r * h_n)
        hn = (1.0 - z) * n + z * h
        return hn, hn

    h0 = jnp.zeros((seq.shape[0], RH), jnp.float32)
    _, outs = jax.lax.scan(step, h0, jnp.transpose(seq, (1, 0, 2)))
    out = jnp.transpose(outs, (1, 0, 2)) * mask[:, :, None]  # [B, max_len, RH]

    pred_path = out @ Wp + bp  # [B, max_len, 2]
    return pred_path

if __name__ == "__main__":
    import jax
    _d = setup_inputs()
    print(jax.jit(kernel)(*tuple(_d.values())))

</pallas_src>

<mosaic_0001>
#map = affine_map<(d0, d1) -> (0, 0, 0)>
#map1 = affine_map<(d0, d1) -> (0)>
#map2 = affine_map<(d0, d1) -> (0, 0)>
module attributes {stable_mosaic.version = 14 : i64} {
  func.func @_sc_degree(%arg0: i32, %arg1: i32, %arg2: memref<32x80x128xi32, #tpu.memory_space<hbm>>, %arg3: memref<10240xf32, #tpu.memory_space<hbm>>, %arg4: memref<128xf32, #tpu.memory_space<hbm>>, %arg5: memref<2x10240xf32, #tpu.memory_space<hbm>>, %arg6: memref<80x128xi32, #tpu.memory_space<vmem>>, %arg7: memref<128xf32, #tpu.memory_space<vmem>>, %arg8: memref<10240xf32, #tpu.memory_space<vmem_shared>>) attributes {dimension_semantics = [#tpu.dimension_semantics<core_parallel>, #tpu.dimension_semantics<subcore_parallel>], iteration_bounds = array<i64: 2, 16>, scalar_prefetch = 0 : i64, scratch_operands = 3 : i64, tpu.core_type = #tpu.core_type<sc_vector_subcore>, window_params = [{transform_indices = #map}, {transform_indices = #map1}, {transform_indices = #map1}, {transform_indices = #map2}]} {
    %mul3A = arith.constant 16 : i32
    %mul3A_0 = arith.muli %arg0, %mul3A : i32
    %add3A = arith.addi %mul3A_0, %arg1 : i32
    %mul3A_1 = arith.constant 640 : i32
    %mul3A_2 = arith.muli %arg1, %mul3A_1 : i32
    "tpu.region"() ({
      %run_scoped3A = tpu.sem_alloc : memref<!tpu.dma_semaphore, #tpu.memory_space<semaphore_mem>>
      %dma_start3A = tpu.memref_slice %arg8[%mul3A_2] : memref<10240xf32, #tpu.memory_space<vmem_shared>> -> memref<640xf32, #tpu.memory_space<vmem_shared>>
      %dma_start3A_9 = tpu.memref_slice %arg3[%mul3A_2] : memref<10240xf32, #tpu.memory_space<hbm>> -> memref<640xf32, #tpu.memory_space<hbm>>
      tpu.enqueue_dma source(%dma_start3A_9 : memref<640xf32, #tpu.memory_space<hbm>>) target(%dma_start3A : memref<640xf32, #tpu.memory_space<vmem_shared>>) target_semaphore(%run_scoped3A : memref<!tpu.dma_semaphore, #tpu.memory_space<semaphore_mem>>)
      %dma_wait3A = tpu.memref_slice %arg8[%mul3A_2] : memref<10240xf32, #tpu.memory_space<vmem_shared>> -> memref<640xf32, #tpu.memory_space<vmem_shared>>
      %dma_wait3A_10 = tpu.memref_slice %arg3[%mul3A_2] : memref<10240xf32, #tpu.memory_space<hbm>> -> memref<640xf32, #tpu.memory_space<hbm>>
      tpu.wait_dma2 semaphore(%run_scoped3A : memref<!tpu.dma_semaphore, #tpu.memory_space<semaphore_mem>>) src(%dma_wait3A_10 : memref<640xf32, #tpu.memory_space<hbm>>) dst(%dma_wait3A : memref<640xf32, #tpu.memory_space<vmem_shared>>)
      tpu.yield
    }) : () -> ()
    "tpu.region"() ({
      %run_scoped3A = tpu.sem_alloc : memref<!tpu.dma_semaphore, #tpu.memory_space<semaphore_mem>>
      tpu.enqueue_dma source(%arg4 : memref<128xf32, #tpu.memory_space<hbm>>) target(%arg7 : memref<128xf32, #tpu.memory_space<vmem>>) target_semaphore(%run_scoped3A : memref<!tpu.dma_semaphore, #tpu.memory_space<semaphore_mem>>)
      tpu.wait_dma2 semaphore(%run_scoped3A : memref<!tpu.dma_semaphore, #tpu.memory_space<semaphore_mem>>) src(%arg4 : memref<128xf32, #tpu.memory_space<hbm>>) dst(%arg7 : memref<128xf32, #tpu.memory_space<vmem>>)
      tpu.yield
    }) : () -> ()
    "tpu.region"() ({
      %run_scoped3A = tpu.sem_alloc : memref<!tpu.dma_semaphore, #tpu.memory_space<semaphore_mem>>
      %dma_start3A = arith.constant 0 : i32
      %dma_start3A_9 = arith.constant 0 : i32
      %dma_start3A_10 = tpu.memref_slice %arg2[%add3A, %dma_start3A, %dma_start3A_9] : memref<32x80x128xi32, #tpu.memory_space<hbm>> -> memref<1x80x128xi32, #tpu.memory_space<hbm>>
      %dma_start3A_11 = tpu.memref_squeeze %dma_start3A_10 : memref<1x80x128xi32, #tpu.memory_space<hbm>> -> memref<80x128xi32, #tpu.memory_space<hbm>>
      %dma_start3A_12 = arith.constant 0 : i32
      %dma_start3A_13 = arith.constant 0 : i32
      %dma_start3A_14 = tpu.memref_slice %arg2[%add3A, %dma_start3A_12, %dma_start3A_13] : memref<32x80x128xi32, #tpu.memory_space<hbm>> -> memref<1x80x128xi32, #tpu.memory_space<hbm>>
      %dma_start3A_15 = tpu.memref_squeeze %dma_start3A_14 : memref<1x80x128xi32, #tpu.memory_space<hbm>> -> memref<80x128xi32, #tpu.memory_space<hbm>>
      tpu.enqueue_dma source(%dma_start3A_15 : memref<80x128xi32, #tpu.memory_space<hbm>>) target(%arg6 : memref<80x128xi32, #tpu.memory_space<vmem>>) target_semaphore(%run_scoped3A : memref<!tpu.dma_semaphore, #tpu.memory_space<semaphore_mem>>)
      %dma_wait3A = arith.constant 0 : i32
      %dma_wait3A_16 = arith.constant 0 : i32
      %dma_wait3A_17 = tpu.memref_slice %arg2[%add3A, %dma_wait3A, %dma_wait3A_16] : memref<32x80x128xi32, #tpu.memory_space<hbm>> -> memref<1x80x128xi32, #tpu.memory_space<hbm>>
      %dma_wait3A_18 = tpu.memref_squeeze %dma_wait3A_17 : memref<1x80x128xi32, #tpu.memory_space<hbm>> -> memref<80x128xi32, #tpu.memory_space<hbm>>
      %dma_wait3A_19 = arith.constant 0 : i32
      %dma_wait3A_20 = arith.constant 0 : i32
      %dma_wait3A_21 = tpu.memref_slice %arg2[%add3A, %dma_wait3A_19, %dma_wait3A_20] : memref<32x80x128xi32, #tpu.memory_space<hbm>> -> memref<1x80x128xi32, #tpu.memory_space<hbm>>
      %dma_wait3A_22 = tpu.memref_squeeze %dma_wait3A_21 : memref<1x80x128xi32, #tpu.memory_space<hbm>> -> memref<80x128xi32, #tpu.memory_space<hbm>>
      tpu.wait_dma2 semaphore(%run_scoped3A : memref<!tpu.dma_semaphore, #tpu.memory_space<semaphore_mem>>) src(%dma_wait3A_22 : memref<80x128xi32, #tpu.memory_space<hbm>>) dst(%arg6 : memref<80x128xi32, #tpu.memory_space<vmem>>)
      tpu.yield
    }) : () -> ()
    %barrier3A = arith.constant 0 : index
    tpu.barrier barrier_id(%barrier3A)
    %scan3A = arith.constant 0 : i32
    %scan3A_3 = arith.constant 0 : i32
    %scan3A_4 = arith.constant 80 : i32
    %scan3A_5 = arith.addi %scan3A_3, %scan3A_4 : i32
    %scan3A_6 = arith.constant 1 : i32
    scf.for %scan3A_9 = %scan3A_3 to %scan3A_5 step %scan3A_6  : i32 {
      "tpu.region"() ({
        %run_scoped3A = tpu.sem_alloc : memref<!tpu.dma_semaphore, #tpu.memory_space<semaphore_mem>>
        %dma_start3A = arith.constant 0 : i32
        %dma_start3A_10 = tpu.memref_slice %arg6[%scan3A_9, %dma_start3A] : memref<80x128xi32, #tpu.memory_space<vmem>> -> memref<1x128xi32, #tpu.memory_space<vmem>>
        %dma_start3A_11 = tpu.memref_squeeze %dma_start3A_10 : memref<1x128xi32, #tpu.memory_space<vmem>> -> memref<128xi32, #tpu.memory_space<vmem>>
        %dma_start3A_12 = arith.constant 0 : i32
        %dma_start3A_13 = tpu.memref_slice %arg8[%dma_start3A_12] : memref<10240xf32, #tpu.memory_space<vmem_shared>> -> memref<10240xf32, #tpu.memory_space<vmem_shared>>
        tpu.enqueue_indirect_dma source(%arg7 : memref<128xf32, #tpu.memory_space<vmem>>) target(%dma_start3A_13 : memref<10240xf32, #tpu.memory_space<vmem_shared>>) offsets(%dma_start3A_11 : memref<128xi32, #tpu.memory_space<vmem>>) semaphore(%run_scoped3A : memref<!tpu.dma_semaphore, #tpu.memory_space<semaphore_mem>>) {add = true}
        %dma_wait3A = arith.constant 0 : i32
        %dma_wait3A_14 = tpu.memref_slice %arg6[%scan3A_9, %dma_wait3A] : memref<80x128xi32, #tpu.memory_space<vmem>> -> memref<1x128xi32, #tpu.memory_space<vmem>>
        %dma_wait3A_15 = tpu.memref_squeeze %dma_wait3A_14 : memref<1x128xi32, #tpu.memory_space<vmem>> -> memref<128xi32, #tpu.memory_space<vmem>>
        %dma_wait3A_16 = arith.constant 0 : i32
        %dma_wait3A_17 = tpu.memref_slice %arg8[%dma_wait3A_16] : memref<10240xf32, #tpu.memory_space<vmem_shared>> -> memref<10240xf32, #tpu.memory_space<vmem_shared>>
        tpu.wait_indirect_dma semaphore(%run_scoped3A : memref<!tpu.dma_semaphore, #tpu.memory_space<semaphore_mem>>) src(%arg7 : memref<128xf32, #tpu.memory_space<vmem>>) dst(%dma_wait3A_17 : memref<10240xf32, #tpu.memory_space<vmem_shared>>)
        tpu.yield
      }) : () -> ()
    }
    %scan3A_7 = arith.constant 80 : i32
    %barrier3A_8 = arith.constant 0 : index
    tpu.barrier barrier_id(%barrier3A_8)
    "tpu.region"() ({
      %run_scoped3A = tpu.sem_alloc : memref<!tpu.dma_semaphore, #tpu.memory_space<semaphore_mem>>
      %dma_start3A = tpu.memref_slice %arg5[%arg0, %mul3A_2] : memref<2x10240xf32, #tpu.memory_space<hbm>> -> memref<1x640xf32, #tpu.memory_space<hbm>>
      %dma_start3A_9 = tpu.memref_squeeze %dma_start3A : memref<1x640xf32, #tpu.memory_space<hbm>> -> memref<640xf32, #tpu.memory_space<hbm>>
      %dma_start3A_10 = tpu.memref_slice %arg8[%mul3A_2] : memref<10240xf32, #tpu.memory_space<vmem_shared>> -> memref<640xf32, #tpu.memory_space<vmem_shared>>
      tpu.enqueue_dma source(%dma_start3A_10 : memref<640xf32, #tpu.memory_space<vmem_shared>>) target(%dma_start3A_9 : memref<640xf32, #tpu.memory_space<hbm>>) target_semaphore(%run_scoped3A : memref<!tpu.dma_semaphore, #tpu.memory_space<semaphore_mem>>)
      %dma_wait3A = tpu.memref_slice %arg5[%arg0, %mul3A_2] : memref<2x10240xf32, #tpu.memory_space<hbm>> -> memref<1x640xf32, #tpu.memory_space<hbm>>
      %dma_wait3A_11 = tpu.memref_squeeze %dma_wait3A : memref<1x640xf32, #tpu.memory_space<hbm>> -> memref<640xf32, #tpu.memory_space<hbm>>
      %dma_wait3A_12 = tpu.memref_slice %arg8[%mul3A_2] : memref<10240xf32, #tpu.memory_space<vmem_shared>> -> memref<640xf32, #tpu.memory_space<vmem_shared>>
      tpu.wait_dma2 semaphore(%run_scoped3A : memref<!tpu.dma_semaphore, #tpu.memory_space<semaphore_mem>>) src(%dma_wait3A_12 : memref<640xf32, #tpu.memory_space<vmem_shared>>) dst(%dma_wait3A_11 : memref<640xf32, #tpu.memory_space<hbm>>)
      tpu.yield
    }) : () -> ()
    return
  }
}

#map = affine_map<(d0, d1) -> (0, 0, 0, 0)>
#map1 = affine_map<(d0, d1) -> (0, 0)>
#map2 = affine_map<(d0, d1) -> (0)>
module attributes {stable_mosaic.version = 14 : i64} {
  func.func @body(%arg0: i32, %arg1: i32, %arg2: memref<16x158x2x128xi32, #tpu.memory_space<hbm>>, %arg3: memref<10240x128xf32, #tpu.memory_space<hbm>>, %arg4: memref<10240x128xf32, #tpu.memory_space<hbm>>, %arg5: memref<128xi32, #tpu.memory_space<hbm>>, %arg6: memref<10240xf32, #tpu.memory_space<hbm>>, %arg7: memref<10240x128xf32, #tpu.memory_space<hbm>>, %arg8: memref<128x128xf32, #tpu.memory_space<hbm>>, %arg9: memref<128x128xf32, #tpu.memory_space<hbm>>, %arg10: memref<128xf32, #tpu.memory_space<hbm>>, %arg11: memref<2x128xi32, #tpu.memory_space<vmem>>, %arg12: memref<2x128xi32, #tpu.memory_space<vmem>>, %arg13: memref<128x128xf32, #tpu.memory_space<vmem>>, %arg14: memref<128x128xf32, #tpu.memory_space<vmem>>, %arg15: memref<10240x128xf32, #tpu.memory_space<vmem_shared>>, %arg16: memref<!tpu.dma_semaphore, #tpu.memory_space<semaphore_mem>>, %arg17: memref<!tpu.dma_semaphore, #tpu.memory_space<semaphore_mem>>, %arg18: memref<!tpu.dma_semaphore, #tpu.memory_space<semaphore_mem>>, %arg19: memref<!tpu.dma_semaphore, #tpu.memory_space<semaphore_mem>>, %arg20: memref<128xi32, #tpu.memory_space<vmem>>, %arg21: memref<128xf32, #tpu.memory_space<vmem>>) attributes {dimension_semantics = [#tpu.dimension_semantics<core_parallel>, #tpu.dimension_semantics<subcore_parallel>], iteration_bounds = array<i64: 2, 16>, scalar_prefetch = 0 : i64, scratch_operands = 11 : i64, tpu.core_type = #tpu.core_type<sc_vector_subcore>, window_params = [{transform_indices = #map}, {transform_indices = #map1}, {transform_indices = #map1}, {transform_indices = #map2}, {transform_indices = #map2}, {transform_indices = #map1}, {transform_indices = #map1}, {transform_indices = #map1}, {transform_indices = #map2}]} {
    %mul3A = arith.constant 640 : i32
    %mul3A_0 = arith.muli %arg1, %mul3A : i32
    %eq3A = arith.constant 0 : i32
    %eq3A_1 = arith.cmpi eq, %arg0, %eq3A : i32
    %convert_element_type3A = arith.extui %eq3A_1 : i1 to i32
    %cond3A = arith.constant 0 : i32
    %cond3A_2 = arith.cmpi ne, %convert_element_type3A, %cond3A : i32
    scf.if %cond3A_2 {
      "tpu.region"() ({
        %run_scoped3A_29 = tpu.sem_alloc : memref<!tpu.dma_semaphore, #tpu.memory_space<semaphore_mem>>
        %dma_start3A_30 = arith.constant 0 : i32
        %dma_start3A_31 = tpu.memref_slice %arg15[%mul3A_0, %dma_start3A_30] : memref<10240x128xf32, #tpu.memory_space<vmem_shared>> -> memref<640x128xf32, #tpu.memory_space<vmem_shared>>
        %dma_start3A_32 = arith.constant 0 : i32
        %dma_start3A_33 = tpu.memref_slice %arg4[%mul3A_0, %dma_start3A_32] : memref<10240x128xf32, #tpu.memory_space<hbm>> -> memref<640x128xf32, #tpu.memory_space<hbm>>
        tpu.enqueue_dma source(%dma_start3A_33 : memref<640x128xf32, #tpu.memory_space<hbm>>) target(%dma_start3A_31 : memref<640x128xf32, #tpu.memory_space<vmem_shared>>) target_semaphore(%run_scoped3A_29 : memref<!tpu.dma_semaphore, #tpu.memory_space<semaphore_mem>>)
        %dma_wait3A = arith.constant 0 : i32
        %dma_wait3A_34 = tpu.memref_slice %arg15[%mul3A_0, %dma_wait3A] : memref<10240x128xf32, #tpu.memory_space<vmem_shared>> -> memref<640x128xf32, #tpu.memory_space<vmem_shared>>
        %dma_wait3A_35 = arith.constant 0 : i32
        %dma_wait3A_36 = tpu.memref_slice %arg4[%mul3A_0, %dma_wait3A_35] : memref<10240x128xf32, #tpu.memory_space<hbm>> -> memref<640x128xf32, #tpu.memory_space<hbm>>
        tpu.wait_dma2 semaphore(%run_scoped3A_29 : memref<!tpu.dma_semaphore, #tpu.memory_space<semaphore_mem>>) src(%dma_wait3A_36 : memref<640x128xf32, #tpu.memory_space<hbm>>) dst(%dma_wait3A_34 : memref<640x128xf32, #tpu.memory_space<vmem_shared>>)
        tpu.yield
      }) : () -> ()
      %barrier3A = arith.constant 0 : index
      tpu.barrier barrier_id(%barrier3A)
      %run_scoped3A = arith.constant 0 : i32
      "tpu.region"() ({
        %run_scoped3A_29 = tpu.sem_alloc : memref<!tpu.dma_semaphore, #tpu.memory_space<semaphore_mem>>
        %dma_start3A_30 = arith.constant 0 : i32
        %dma_start3A_31 = arith.constant 0 : i32
        %dma_start3A_32 = tpu.memref_slice %arg2[%arg1, %run_scoped3A, %dma_start3A_30, %dma_start3A_31] : memref<16x158x2x128xi32, #tpu.memory_space<hbm>> -> memref<1x1x2x128xi32, #tpu.memory_space<hbm>>
        %dma_start3A_33 = tpu.memref_squeeze %dma_start3A_32 : memref<1x1x2x128xi32, #tpu.memory_space<hbm>> -> memref<2x128xi32, #tpu.memory_space<hbm>>
        %dma_start3A_34 = arith.constant 0 : i32
        %dma_start3A_35 = arith.constant 0 : i32
        %dma_start3A_36 = tpu.memref_slice %arg2[%arg1, %run_scoped3A, %dma_start3A_34, %dma_start3A_35] : memref<16x158x2x128xi32, #tpu.memory_space<hbm>> -> memref<1x1x2x128xi32, #tpu.memory_space<hbm>>
        %dma_start3A_37 = tpu.memref_squeeze %dma_start3A_36 : memref<1x1x2x128xi32, #tpu.memory_space<hbm>> -> memref<2x128xi32, #tpu.memory_space<hbm>>
        tpu.enqueue_dma source(%dma_start3A_37 : memref<2x128xi32, #tpu.memory_space<hbm>>) target(%arg11 : memref<2x128xi32, #tpu.memory_space<vmem>>) target_semaphore(%run_scoped3A_29 : memref<!tpu.dma_semaphore, #tpu.memory_space<semaphore_mem>>)
        %dma_wait3A = arith.constant 0 : i32
        %dma_wait3A_38 = arith.constant 0 : i32
        %dma_wait3A_39 = tpu.memref_slice %arg2[%arg1, %run_scoped3A, %dma_wait3A, %dma_wait3A_38] : memref<16x158x2x128xi32, #tpu.memory_space<hbm>> -> memref<1x1x2x128xi32, #tpu.memory_space<hbm>>
        %dma_wait3A_40 = tpu.memref_squeeze %dma_wait3A_39 : memref<1x1x2x128xi32, #tpu.memory_space<hbm>> -> memref<2x128xi32, #tpu.memory_space<hbm>>
        %dma_wait3A_41 = arith.constant 0 : i32
        %dma_wait3A_42 = arith.constant 0 : i32
        %dma_wait3A_43 = tpu.memref_slice %arg2[%arg1, %run_scoped3A, %dma_wait3A_41, %dma_wait3A_42] : memref<16x158x2x128xi32, #tpu.memory_space<hbm>> -> memref<1x1x2x128xi32, #tpu.memory_space<hbm>>
        %dma_wait3A_44 = tpu.memref_squeeze %dma_wait3A_43 : memref<1x1x2x128xi32, #tpu.memory_space<hbm>> -> memref<2x128xi32, #tpu.memory_space<hbm>>
        tpu.wait_dma2 semaphore(%run_scoped3A_29 : memref<!tpu.dma_semaphore, #tpu.memory_space<semaphore_mem>>) src(%dma_wait3A_44 : memref<2x128xi32, #tpu.memory_space<hbm>>) dst(%arg11 : memref<2x128xi32, #tpu.memory_space<vmem>>)
        tpu.yield
      }) : () -> ()
      %dma_start3A = arith.constant 1 : i32
      %dma_start3A_3 = arith.constant 0 : i32
      %dma_start3A_4 = arith.constant 0 : i32
      %dma_start3A_5 = tpu.memref_slice %arg2[%arg1, %dma_start3A, %dma_start3A_3, %dma_start3A_4] : memref<16x158x2x128xi32, #tpu.memory_space<hbm>> -> memref<1x1x2x128xi32, #tpu.memory_space<hbm>>
      %dma_start3A_6 = tpu.memref_squeeze %dma_start3A_5 : memref<1x1x2x128xi32, #tpu.memory_space<hbm>> -> memref<2x128xi32, #tpu.memory_space<hbm>>
      %dma_start3A_7 = arith.constant 0 : i32
      %dma_start3A_8 = arith.constant 0 : i32
      %dma_start3A_9 = tpu.memref_slice %arg2[%arg1, %dma_start3A, %dma_start3A_7, %dma_start3A_8] : memref<16x158x2x128xi32, #tpu.memory_space<hbm>> -> memref<1x1x2x128xi32, #tpu.memory_space<hbm>>
      %dma_start3A_10 = tpu.memref_squeeze %dma_start3A_9 : memref<1x1x2x128xi32, #tpu.memory_space<hbm>> -> memref<2x128xi32, #tpu.memory_space<hbm>>
      tpu.enqueue_dma source(%dma_start3A_10 : memref<2x128xi32, #tpu.memory_space<hbm>>) target(%arg12 : memref<2x128xi32, #tpu.memory_space<vmem>>) target_semaphore(%arg17 : memref<!tpu.dma_semaphore, #tpu.memory_space<semaphore_mem>>)
      %dma_start3A_11 = arith.constant 0 : i32
      %dma_start3A_12 = arith.constant 0 : i32
      %dma_start3A_13 = tpu.memref_slice %arg11[%dma_start3A_11, %dma_start3A_12] : memref<2x128xi32, #tpu.memory_space<vmem>> -> memref<1x128xi32, #tpu.memory_space<vmem>>
      %dma_start3A_14 = tpu.memref_squeeze %dma_start3A_13 : memref<1x128xi32, #tpu.memory_space<vmem>> -> memref<128xi32, #tpu.memory_space<vmem>>
      %dma_start3A_15 = arith.constant 0 : i32
      %dma_start3A_16 = arith.constant 0 : i32
      %dma_start3A_17 = tpu.memref_slice %arg3[%dma_start3A_15, %dma_start3A_16] : memref<10240x128xf32, #tpu.memory_space<hbm>> -> memref<10240x128xf32, #tpu.memory_space<hbm>>
      tpu.enqueue_indirect_dma source(%dma_start3A_17 : memref<10240x128xf32, #tpu.memory_space<hbm>>) target(%arg13 : memref<128x128xf32, #tpu.memory_space<vmem>>) offsets(%dma_start3A_14 : memref<128xi32, #tpu.memory_space<vmem>>) semaphore(%arg18 : memref<!tpu.dma_semaphore, #tpu.memory_space<semaphore_mem>>)
      %scan3A = arith.constant 0 : i32
      %scan3A_18 = arith.constant 0 : i32
      %scan3A_19 = arith.constant 79 : i32
      %scan3A_20 = arith.addi %scan3A_18, %scan3A_19 : i32
      %scan3A_21 = arith.constant 1 : i32
      scf.for %scan3A_29 = %scan3A_18 to %scan3A_20 step %scan3A_21  : i32 {
        %mul3A_30 = arith.constant 2 : i32
        %mul3A_31 = arith.muli %mul3A_30, %scan3A_29 : i32
        %add3A = arith.constant 0 : i32
        %add3A_32 = arith.addi %mul3A_31, %add3A : i32
        %add3A_33 = arith.constant 1 : i32
        %add3A_34 = arith.addi %add3A_32, %add3A_33 : i32
        %lt3A = arith.constant 158 : i32
        %lt3A_35 = arith.cmpi slt, %add3A_34, %lt3A : i32
        %convert_element_type3A_36 = arith.extui %lt3A_35 : i1 to i32
        %cond3A_37 = arith.constant 0 : i32
        %cond3A_38 = arith.cmpi ne, %convert_element_type3A_36, %cond3A_37 : i32
        scf.if %cond3A_38 {
          %add3A_79 = arith.constant 1 : i32
          %add3A_80 = arith.addi %add3A_32, %add3A_79 : i32
          %dma_wait3A_81 = arith.constant 0 : i32
          %dma_wait3A_82 = arith.constant 0 : i32
          %dma_wait3A_83 = tpu.memref_slice %arg2[%arg1, %add3A_80, %dma_wait3A_81, %dma_wait3A_82] : memref<16x158x2x128xi32, #tpu.memory_space<hbm>> -> memref<1x1x2x128xi32, #tpu.memory_space<hbm>>
          %dma_wait3A_84 = tpu.memref_squeeze %dma_wait3A_83 : memref<1x1x2x128xi32, #tpu.memory_space<hbm>> -> memref<2x128xi32, #tpu.memory_space<hbm>>
          %dma_wait3A_85 = arith.constant 0 : i32
          %dma_wait3A_86 = arith.constant 0 : i32
          %dma_wait3A_87 = tpu.memref_slice %arg2[%arg1, %add3A_80, %dma_wait3A_85, %dma_wait3A_86] : memref<16x158x2x128xi32, #tpu.memory_space<hbm>> -> memref<1x1x2x128xi32, #tpu.memory_space<hbm>>
          %dma_wait3A_88 = tpu.memref_squeeze %dma_wait3A_87 : memref<1x1x2x128xi32, #tpu.memory_space<hbm>> -> memref<2x128xi32, #tpu.memory_space<hbm>>
          tpu.wait_dma2 semaphore(%arg17 : memref<!tpu.dma_semaphore, #tpu.memory_space<semaphore_mem>>) src(%dma_wait3A_88 : memref<2x128xi32, #tpu.memory_space<hbm>>) dst(%arg12 : memref<2x128xi32, #tpu.memory_space<vmem>>)
          %dma_start3A_89 = arith.constant 0 : i32
          %dma_start3A_90 = arith.constant 0 : i32
          %dma_start3A_91 = tpu.memref_slice %arg12[%dma_start3A_89, %dma_start3A_90] : memref<2x128xi32, #tpu.memory_space<vmem>> -> memref<1x128xi32, #tpu.memory_space<vmem>>
          %dma_start3A_92 = tpu.memref_squeeze %dma_start3A_91 : memref<1x128xi32, #tpu.memory_space<vmem>> -> memref<128xi32, #tpu.memory_space<vmem>>
          %dma_start3A_93 = arith.constant 0 : i32
          %dma_start3A_94 = arith.constant 0 : i32
          %dma_start3A_95 = tpu.memref_slice %arg3[%dma_start3A_93, %dma_start3A_94] : memref<10240x128xf32, #tpu.memory_space<hbm>> -> memref<10240x128xf32, #tpu.memory_space<hbm>>
          tpu.enqueue_indirect_dma source(%dma_start3A_95 : memref<10240x128xf32, #tpu.memory_space<hbm>>) target(%arg14 : memref<128x128xf32, #tpu.memory_space<vmem>>) offsets(%dma_start3A_92 : memref<128xi32, #tpu.memory_space<vmem>>) semaphore(%arg19 : memref<!tpu.dma_semaphore, #tpu.memory_space<semaphore_mem>>)
        } else {
        }
        %dma_wait3A = arith.constant 0 : i32
        %dma_wait3A_39 = arith.constant 0 : i32
        %dma_wait3A_40 = tpu.memref_slice %arg11[%dma_wait3A, %dma_wait3A_39] : memref<2x128xi32, #tpu.memory_space<vmem>> -> memref<1x128xi32, #tpu.memory_space<vmem>>
        %dma_wait3A_41 = tpu.memref_squeeze %dma_wait3A_40 : memref<1x128xi32, #tpu.memory_space<vmem>> -> memref<128xi32, #tpu.memory_space<vmem>>
        %dma_wait3A_42 = arith.constant 0 : i32
        %dma_wait3A_43 = arith.constant 0 : i32
        %dma_wait3A_44 = tpu.memref_slice %arg3[%dma_wait3A_42, %dma_wait3A_43] : memref<10240x128xf32, #tpu.memory_space<hbm>> -> memref<10240x128xf32, #tpu.memory_space<hbm>>
        tpu.wait_indirect_dma semaphore(%arg18 : memref<!tpu.dma_semaphore, #tpu.memory_space<semaphore_mem>>) src(%dma_wait3A_44 : memref<10240x128xf32, #tpu.memory_space<hbm>>) dst(%arg13 : memref<128x128xf32, #tpu.memory_space<vmem>>)
        %run_scoped3A_45 = arith.constant 1 : i32
        "tpu.region"() ({
          %run_scoped3A_79 = tpu.sem_alloc : memref<!tpu.dma_semaphore, #tpu.memory_space<semaphore_mem>>
          %dma_start3A_80 = arith.constant 0 : i32
          %dma_start3A_81 = tpu.memref_slice %arg11[%run_scoped3A_45, %dma_start3A_80] : memref<2x128xi32, #tpu.memory_space<vmem>> -> memref<1x128xi32, #tpu.memory_space<vmem>>
          %dma_start3A_82 = tpu.memref_squeeze %dma_start3A_81 : memref<1x128xi32, #tpu.memory_space<vmem>> -> memref<128xi32, #tpu.memory_space<vmem>>
          %dma_start3A_83 = arith.constant 0 : i32
          %dma_start3A_84 = arith.constant 0 : i32
          %dma_start3A_85 = tpu.memref_slice %arg15[%dma_start3A_83, %dma_start3A_84] : memref<10240x128xf32, #tpu.memory_space<vmem_shared>> -> memref<10240x128xf32, #tpu.memory_space<vmem_shared>>
          tpu.enqueue_indirect_dma source(%arg13 : memref<128x128xf32, #tpu.memory_space<vmem>>) target(%dma_start3A_85 : memref<10240x128xf32, #tpu.memory_space<vmem_shared>>) offsets(%dma_start3A_82 : memref<128xi32, #tpu.memory_space<vmem>>) semaphore(%run_scoped3A_79 : memref<!tpu.dma_semaphore, #tpu.memory_space<semaphore_mem>>) {add = true}
          %dma_wait3A_86 = arith.constant 0 : i32
          %dma_wait3A_87 = tpu.memref_slice %arg11[%run_scoped3A_45, %dma_wait3A_86] : memref<2x128xi32, #tpu.memory_space<vmem>> -> memref<1x128xi32, #tpu.memory_space<vmem>>
          %dma_wait3A_88 = tpu.memref_squeeze %dma_wait3A_87 : memref<1x128xi32, #tpu.memory_space<vmem>> -> memref<128xi32, #tpu.memory_space<vmem>>
          %dma_wait3A_89 = arith.constant 0 : i32
          %dma_wait3A_90 = arith.constant 0 : i32
          %dma_wait3A_91 = tpu.memref_slice %arg15[%dma_wait3A_89, %dma_wait3A_90] : memref<10240x128xf32, #tpu.memory_space<vmem_shared>> -> memref<10240x128xf32, #tpu.memory_space<vmem_shared>>
          tpu.wait_indirect_dma semaphore(%run_scoped3A_79 : memref<!tpu.dma_semaphore, #tpu.memory_space<semaphore_mem>>) src(%arg13 : memref<128x128xf32, #tpu.memory_space<vmem>>) dst(%dma_wait3A_91 : memref<10240x128xf32, #tpu.memory_space<vmem_shared>>)
          tpu.yield
        }) : () -> ()
        %add3A_46 = arith.constant 2 : i32
        %add3A_47 = arith.addi %add3A_32, %add3A_46 : i32
        %lt3A_48 = arith.constant 158 : i32
        %lt3A_49 = arith.cmpi slt, %add3A_47, %lt3A_48 : i32
        %convert_element_type3A_50 = arith.extui %lt3A_49 : i1 to i32
        %cond3A_51 = arith.constant 0 : i32
        %cond3A_52 = arith.cmpi ne, %convert_element_type3A_50, %cond3A_51 : i32
        scf.if %cond3A_52 {
          %add3A_79 = arith.constant 2 : i32
          %add3A_80 = arith.addi %add3A_32, %add3A_79 : i32
          %dma_start3A_81 = arith.constant 0 : i32
          %dma_start3A_82 = arith.constant 0 : i32
          %dma_start3A_83 = tpu.memref_slice %arg2[%arg1, %add3A_80, %dma_start3A_81, %dma_start3A_82] : memref<16x158x2x128xi32, #tpu.memory_space<hbm>> -> memref<1x1x2x128xi32, #tpu.memory_space<hbm>>
          %dma_start3A_84 = tpu.memref_squeeze %dma_start3A_83 : memref<1x1x2x128xi32, #tpu.memory_space<hbm>> -> memref<2x128xi32, #tpu.memory_space<hbm>>
          %dma_start3A_85 = arith.constant 0 : i32
          %dma_start3A_86 = arith.constant 0 : i32
          %dma_start3A_87 = tpu.memref_slice %arg2[%arg1, %add3A_80, %dma_start3A_85, %dma_start3A_86] : memref<16x158x2x128xi32, #tpu.memory_space<hbm>> -> memref<1x1x2x128xi32, #tpu.memory_space<hbm>>
          %dma_start3A_88 = tpu.memref_squeeze %dma_start3A_87 : memref<1x1x2x128xi32, #tpu.memory_space<hbm>> -> memref<2x128xi32, #tpu.memory_space<hbm>>
          tpu.enqueue_dma source(%dma_start3A_88 : memref<2x128xi32, #tpu.memory_space<hbm>>) target(%arg11 : memref<2x128xi32, #tpu.memory_space<vmem>>) target_semaphore(%arg16 : memref<!tpu.dma_semaphore, #tpu.memory_space<semaphore_mem>>)
        } else {
        }
        %mul3A_53 = arith.constant 2 : i32
        %mul3A_54 = arith.muli %mul3A_53, %scan3A_29 : i32
        %add3A_55 = arith.constant 1 : i32
        %add3A_56 = arith.addi %mul3A_54, %add3A_55 : i32
        %add3A_57 = arith.constant 1 : i32
        %add3A_58 = arith.addi %add3A_56, %add3A_57 : i32
        %lt3A_59 = arith.constant 158 : i32
        %lt3A_60 = arith.cmpi slt, %add3A_58, %lt3A_59 : i32
        %convert_element_type3A_61 = arith.extui %lt3A_60 : i1 to i32
        %cond3A_62 = arith.constant 0 : i32
        %cond3A_63 = arith.cmpi ne, %convert_element_type3A_61, %cond3A_62 : i32
        scf.if %cond3A_63 {
          %add3A_79 = arith.constant 1 : i32
          %add3A_80 = arith.addi %add3A_56, %add3A_79 : i32
          %dma_wait3A_81 = arith.constant 0 : i32
          %dma_wait3A_82 = arith.constant 0 : i32
          %dma_wait3A_83 = tpu.memref_slice %arg2[%arg1, %add3A_80, %dma_wait3A_81, %dma_wait3A_82] : memref<16x158x2x128xi32, #tpu.memory_space<hbm>> -> memref<1x1x2x128xi32, #tpu.memory_space<hbm>>
          %dma_wait3A_84 = tpu.memref_squeeze %dma_wait3A_83 : memref<1x1x2x128xi32, #tpu.memory_space<hbm>> -> memref<2x128xi32, #tpu.memory_space<hbm>>
          %dma_wait3A_85 = arith.constant 0 : i32
          %dma_wait3A_86 = arith.constant 0 : i32
          %dma_wait3A_87 = tpu.memref_slice %arg2[%arg1, %add3A_80, %dma_wait3A_85, %dma_wait3A_86] : memref<16x158x2x128xi32, #tpu.memory_space<hbm>> -> memref<1x1x2x128xi32, #tpu.memory_space<hbm>>
          %dma_wait3A_88 = tpu.memref_squeeze %dma_wait3A_87 : memref<1x1x2x128xi32, #tpu.memory_space<hbm>> -> memref<2x128xi32, #tpu.memory_space<hbm>>
          tpu.wait_dma2 semaphore(%arg16 : memref<!tpu.dma_semaphore, #tpu.memory_space<semaphore_mem>>) src(%dma_wait3A_88 : memref<2x128xi32, #tpu.memory_space<hbm>>) dst(%arg11 : memref<2x128xi32, #tpu.memory_space<vmem>>)
          %dma_start3A_89 = arith.constant 0 : i32
          %dma_start3A_90 = arith.constant 0 : i32
          %dma_start3A_91 = tpu.memref_slice %arg11[%dma_start3A_89, %dma_start3A_90] : memref<2x128xi32, #tpu.memory_space<vmem>> -> memref<1x128xi32, #tpu.memory_space<vmem>>
          %dma_start3A_92 = tpu.memref_squeeze %dma_start3A_91 : memref<1x128xi32, #tpu.memory_space<vmem>> -> memref<128xi32, #tpu.memory_space<vmem>>
          %dma_start3A_93 = arith.constant 0 : i32
          %dma_start3A_94 = arith.constant 0 : i32
          %dma_start3A_95 = tpu.memref_slice %arg3[%dma_start3A_93, %dma_start3A_94] : memref<10240x128xf32, #tpu.memory_space<hbm>> -> memref<10240x128xf32, #tpu.memory_space<hbm>>
          tpu.enqueue_indirect_dma source(%dma_start3A_95 : memref<10240x128xf32, #tpu.memory_space<hbm>>) target(%arg13 : memref<128x128xf32, #tpu.memory_space<vmem>>) offsets(%dma_start3A_92 : memref<128xi32, #tpu.memory_space<vmem>>) semaphore(%arg18 : memref<!tpu.dma_semaphore, #tpu.memory_space<semaphore_mem>>)
        } else {
        }
        %dma_wait3A_64 = arith.constant 0 : i32
        %dma_wait3A_65 = arith.constant 0 : i32
        %dma_wait3A_66 = tpu.memref_slice %arg12[%dma_wait3A_64, %dma_wait3A_65] : memref<2x128xi32, #tpu.memory_space<vmem>> -> memref<1x128xi32, #tpu.memory_space<vmem>>
        %dma_wait3A_67 = tpu.memref_squeeze %dma_wait3A_66 : memref<1x128xi32, #tpu.memory_space<vmem>> -> memref<128xi32, #tpu.memory_space<vmem>>
        %dma_wait3A_68 = arith.constant 0 : i32
        %dma_wait3A_69 = arith.constant 0 : i32
        %dma_wait3A_70 = tpu.memref_slice %arg3[%dma_wait3A_68, %dma_wait3A_69] : memref<10240x128xf32, #tpu.memory_space<hbm>> -> memref<10240x128xf32, #tpu.memory_space<hbm>>
        tpu.wait_indirect_dma semaphore(%arg19 : memref<!tpu.dma_semaphore, #tpu.memory_space<semaphore_mem>>) src(%dma_wait3A_70 : memref<10240x128xf32, #tpu.memory_space<hbm>>) dst(%arg14 : memref<128x128xf32, #tpu.memory_space<vmem>>)
        %run_scoped3A_71 = arith.constant 1 : i32
        "tpu.region"() ({
          %run_scoped3A_79 = tpu.sem_alloc : memref<!tpu.dma_semaphore, #tpu.memory_space<semaphore_mem>>
          %dma_start3A_80 = arith.constant 0 : i32
          %dma_start3A_81 = tpu.memref_slice %arg12[%run_scoped3A_71, %dma_start3A_80] : memref<2x128xi32, #tpu.memory_space<vmem>> -> memref<1x128xi32, #tpu.memory_space<vmem>>
          %dma_start3A_82 = tpu.memref_squeeze %dma_start3A_81 : memref<1x128xi32, #tpu.memory_space<vmem>> -> memref<128xi32, #tpu.memory_space<vmem>>
          %dma_start3A_83 = arith.constant 0 : i32
          %dma_start3A_84 = arith.constant 0 : i32
          %dma_start3A_85 = tpu.memref_slice %arg15[%dma_start3A_83, %dma_start3A_84] : memref<10240x128xf32, #tpu.memory_space<vmem_shared>> -> memref<10240x128xf32, #tpu.memory_space<vmem_shared>>
          tpu.enqueue_indirect_dma source(%arg14 : memref<128x128xf32, #tpu.memory_space<vmem>>) target(%dma_start3A_85 : memref<10240x128xf32, #tpu.memory_space<vmem_shared>>) offsets(%dma_start3A_82 : memref<128xi32, #tpu.memory_space<vmem>>) semaphore(%run_scoped3A_79 : memref<!tpu.dma_semaphore, #tpu.memory_space<semaphore_mem>>) {add = true}
          %dma_wait3A_86 = arith.constant 0 : i32
          %dma_wait3A_87 = tpu.memref_slice %arg12[%run_scoped3A_71, %dma_wait3A_86] : memref<2x128xi32, #tpu.memory_space<vmem>> -> memref<1x128xi32, #tpu.memory_space<vmem>>
          %dma_wait3A_88 = tpu.memref_squeeze %dma_wait3A_87 : memref<1x128xi32, #tpu.memory_space<vmem>> -> memref<128xi32, #tpu.memory_space<vmem>>
          %dma_wait3A_89 = arith.constant 0 : i32
          %dma_wait3A_90 = arith.constant 0 : i32
          %dma_wait3A_91 = tpu.memref_slice %arg15[%dma_wait3A_89, %dma_wait3A_90] : memref<10240x128xf32, #tpu.memory_space<vmem_shared>> -> memref<10240x128xf32, #tpu.memory_space<vmem_shared>>
          tpu.wait_indirect_dma semaphore(%run_scoped3A_79 : memref<!tpu.dma_semaphore, #tpu.memory_space<semaphore_mem>>) src(%arg14 : memref<128x128xf32, #tpu.memory_space<vmem>>) dst(%dma_wait3A_91 : memref<10240x128xf32, #tpu.memory_space<vmem_shared>>)
          tpu.yield
        }) : () -> ()
        %add3A_72 = arith.constant 2 : i32
        %add3A_73 = arith.addi %add3A_56, %add3A_72 : i32
        %lt3A_74 = arith.constant 158 : i32
        %lt3A_75 = arith.cmpi slt, %add3A_73, %lt3A_74 : i32
        %convert_element_type3A_76 = arith.extui %lt3A_75 : i1 to i32
        %cond3A_77 = arith.constant 0 : i32
        %cond3A_78 = arith.cmpi ne, %convert_element_type3A_76, %cond3A_77 : i32
        scf.if %cond3A_78 {
          %add3A_79 = arith.constant 2 : i32
          %add3A_80 = arith.addi %add3A_56, %add3A_79 : i32
          %dma_start3A_81 = arith.constant 0 : i32
          %dma_start3A_82 = arith.constant 0 : i32
          %dma_start3A_83 = tpu.memref_slice %arg2[%arg1, %add3A_80, %dma_start3A_81, %dma_start3A_82] : memref<16x158x2x128xi32, #tpu.memory_space<hbm>> -> memref<1x1x2x128xi32, #tpu.memory_space<hbm>>
          %dma_start3A_84 = tpu.memref_squeeze %dma_start3A_83 : memref<1x1x2x128xi32, #tpu.memory_space<hbm>> -> memref<2x128xi32, #tpu.memory_space<hbm>>
          %dma_start3A_85 = arith.constant 0 : i32
          %dma_start3A_86 = arith.constant 0 : i32
          %dma_start3A_87 = tpu.memref_slice %arg2[%arg1, %add3A_80, %dma_start3A_85, %dma_start3A_86] : memref<16x158x2x128xi32, #tpu.memory_space<hbm>> -> memref<1x1x2x128xi32, #tpu.memory_space<hbm>>
          %dma_start3A_88 = tpu.memref_squeeze %dma_start3A_87 : memref<1x1x2x128xi32, #tpu.memory_space<hbm>> -> memref<2x128xi32, #tpu.memory_space<hbm>>
          tpu.enqueue_dma source(%dma_start3A_88 : memref<2x128xi32, #tpu.memory_space<hbm>>) target(%arg12 : memref<2x128xi32, #tpu.memory_space<vmem>>) target_semaphore(%arg17 : memref<!tpu.dma_semaphore, #tpu.memory_space<semaphore_mem>>)
        } else {
        }
      }
      %scan3A_22 = arith.constant 79 : i32
      %barrier3A_23 = arith.constant 0 : index
      tpu.barrier barrier_id(%barrier3A_23)
      "tpu.region"() ({
        %run_scoped3A_29 = tpu.sem_alloc : memref<!tpu.dma_semaphore, #tpu.memory_space<semaphore_mem>>
        %dma_start3A_30 = arith.constant 0 : i32
        %dma_start3A_31 = tpu.memref_slice %arg7[%mul3A_0, %dma_start3A_30] : memref<10240x128xf32, #tpu.memory_space<hbm>> -> memref<640x128xf32, #tpu.memory_space<hbm>>
        %dma_start3A_32 = arith.constant 0 : i32
        %dma_start3A_33 = tpu.memref_slice %arg15[%mul3A_0, %dma_start3A_32] : memref<10240x128xf32, #tpu.memory_space<vmem_shared>> -> memref<640x128xf32, #tpu.memory_space<vmem_shared>>
        tpu.enqueue_dma source(%dma_start3A_33 : memref<640x128xf32, #tpu.memory_space<vmem_shared>>) target(%dma_start3A_31 : memref<640x128xf32, #tpu.memory_space<hbm>>) target_semaphore(%run_scoped3A_29 : memref<!tpu.dma_semaphore, #tpu.memory_space<semaphore_mem>>)
        %dma_wait3A = arith.constant 0 : i32
        %dma_wait3A_34 = tpu.memref_slice %arg7[%mul3A_0, %dma_wait3A] : memref<10240x128xf32, #tpu.memory_space<hbm>> -> memref<640x128xf32, #tpu.memory_space<hbm>>
        %dma_wait3A_35 = arith.constant 0 : i32
        %dma_wait3A_36 = tpu.memref_slice %arg15[%mul3A_0, %dma_wait3A_35] : memref<10240x128xf32, #tpu.memory_space<vmem_shared>> -> memref<640x128xf32, #tpu.memory_space<vmem_shared>>
        tpu.wait_dma2 semaphore(%run_scoped3A_29 : memref<!tpu.dma_semaphore, #tpu.memory_space<semaphore_mem>>) src(%dma_wait3A_36 : memref<640x128xf32, #tpu.memory_space<vmem_shared>>) dst(%dma_wait3A_34 : memref<640x128xf32, #tpu.memory_space<hbm>>)
        tpu.yield
      }) : () -> ()
      %eq3A_24 = arith.constant 0 : i32
      %eq3A_25 = arith.cmpi eq, %arg1, %eq3A_24 : i32
      %convert_element_type3A_26 = arith.extui %eq3A_25 : i1 to i32
      %cond3A_27 = arith.constant 0 : i32
      %cond3A_28 = arith.cmpi ne, %convert_element_type3A_26, %cond3A_27 : i32
      scf.if %cond3A_28 {
        "tpu.region"() ({
          %run_scoped3A_29 = tpu.sem_alloc : memref<!tpu.dma_semaphore, #tpu.memory_space<semaphore_mem>>
          tpu.enqueue_dma source(%arg5 : memref<128xi32, #tpu.memory_space<hbm>>) target(%arg20 : memref<128xi32, #tpu.memory_space<vmem>>) target_semaphore(%run_scoped3A_29 : memref<!tpu.dma_semaphore, #tpu.memory_space<semaphore_mem>>)
          tpu.wait_dma2 semaphore(%run_scoped3A_29 : memref<!tpu.dma_semaphore, #tpu.memory_space<semaphore_mem>>) src(%arg5 : memref<128xi32, #tpu.memory_space<hbm>>) dst(%arg20 : memref<128xi32, #tpu.memory_space<vmem>>)
          tpu.yield
        }) : () -> ()
        "tpu.region"() ({
          %run_scoped3A_29 = tpu.sem_alloc : memref<!tpu.dma_semaphore, #tpu.memory_space<semaphore_mem>>
          %dma_start3A_30 = arith.constant 0 : i32
          %dma_start3A_31 = arith.constant 0 : i32
          %dma_start3A_32 = tpu.memref_slice %arg15[%dma_start3A_30, %dma_start3A_31] : memref<10240x128xf32, #tpu.memory_space<vmem_shared>> -> memref<10240x128xf32, #tpu.memory_space<vmem_shared>>
          tpu.enqueue_indirect_dma source(%dma_start3A_32 : memref<10240x128xf32, #tpu.memory_space<vmem_shared>>) target(%arg13 : memref<128x128xf32, #tpu.memory_space<vmem>>) offsets(%arg20 : memref<128xi32, #tpu.memory_space<vmem>>) semaphore(%run_scoped3A_29 : memref<!tpu.dma_semaphore, #tpu.memory_space<semaphore_mem>>)
          %dma_wait3A = arith.constant 0 : i32
          %dma_wait3A_33 = arith.constant 0 : i32
          %dma_wait3A_34 = tpu.memref_slice %arg15[%dma_wait3A, %dma_wait3A_33] : memref<10240x128xf32, #tpu.memory_space<vmem_shared>> -> memref<10240x128xf32, #tpu.memory_space<vmem_shared>>
          tpu.wait_indirect_dma semaphore(%run_scoped3A_29 : memref<!tpu.dma_semaphore, #tpu.memory_space<semaphore_mem>>) src(%dma_wait3A_34 : memref<10240x128xf32, #tpu.memory_space<vmem_shared>>) dst(%arg13 : memref<128x128xf32, #tpu.memory_space<vmem>>)
          tpu.yield
        }) : () -> ()
        "tpu.region"() ({
          %run_scoped3A_29 = tpu.sem_alloc : memref<!tpu.dma_semaphore, #tpu.memory_space<semaphore_mem>>
          tpu.enqueue_dma source(%arg13 : memref<128x128xf32, #tpu.memory_space<vmem>>) target(%arg8 : memref<128x128xf32, #tpu.memory_space<hbm>>) target_semaphore(%run_scoped3A_29 : memref<!tpu.dma_semaphore, #tpu.memory_space<semaphore_mem>>)
          tpu.wait_dma2 semaphore(%run_scoped3A_29 : memref<!tpu.dma_semaphore, #tpu.memory_space<semaphore_mem>>) src(%arg13 : memref<128x128xf32, #tpu.memory_space<vmem>>) dst(%arg8 : memref<128x128xf32, #tpu.memory_space<hbm>>)
          tpu.yield
        }) : () -> ()
        "tpu.region"() ({
          %run_scoped3A_29 = tpu.sem_alloc : memref<!tpu.dma_semaphore, #tpu.memory_space<semaphore_mem>>
          %dma_start3A_30 = arith.constant 0 : i32
          %dma_start3A_31 = arith.constant 0 : i32
          %dma_start3A_32 = tpu.memref_slice %arg3[%dma_start3A_30, %dma_start3A_31] : memref<10240x128xf32, #tpu.memory_space<hbm>> -> memref<10240x128xf32, #tpu.memory_space<hbm>>
          tpu.enqueue_indirect_dma source(%dma_start3A_32 : memref<10240x128xf32, #tpu.memory_space<hbm>>) target(%arg13 : memref<128x128xf32, #tpu.memory_space<vmem>>) offsets(%arg20 : memref<128xi32, #tpu.memory_space<vmem>>) semaphore(%run_scoped3A_29 : memref<!tpu.dma_semaphore, #tpu.memory_space<semaphore_mem>>)
          %dma_wait3A = arith.constant 0 : i32
          %dma_wait3A_33 = arith.constant 0 : i32
          %dma_wait3A_34 = tpu.memref_slice %arg3[%dma_wait3A, %dma_wait3A_33] : memref<10240x128xf32, #tpu.memory_space<hbm>> -> memref<10240x128xf32, #tpu.memory_space<hbm>>
          tpu.wait_indirect_dma semaphore(%run_scoped3A_29 : memref<!tpu.dma_semaphore, #tpu.memory_space<semaphore_mem>>) src(%dma_wait3A_34 : memref<10240x128xf32, #tpu.memory_space<hbm>>) dst(%arg13 : memref<128x128xf32, #tpu.memory_space<vmem>>)
          tpu.yield
        }) : () -> ()
        "tpu.region"() ({
          %run_scoped3A_29 = tpu.sem_alloc : memref<!tpu.dma_semaphore, #tpu.memory_space<semaphore_mem>>
          tpu.enqueue_dma source(%arg13 : memref<128x128xf32, #tpu.memory_space<vmem>>) target(%arg9 : memref<128x128xf32, #tpu.memory_space<hbm>>) target_semaphore(%run_scoped3A_29 : memref<!tpu.dma_semaphore, #tpu.memory_space<semaphore_mem>>)
          tpu.wait_dma2 semaphore(%run_scoped3A_29 : memref<!tpu.dma_semaphore, #tpu.memory_space<semaphore_mem>>) src(%arg13 : memref<128x128xf32, #tpu.memory_space<vmem>>) dst(%arg9 : memref<128x128xf32, #tpu.memory_space<hbm>>)
          tpu.yield
        }) : () -> ()
        "tpu.region"() ({
          %run_scoped3A_29 = tpu.sem_alloc : memref<!tpu.dma_semaphore, #tpu.memory_space<semaphore_mem>>
          %dma_start3A_30 = arith.constant 0 : i32
          %dma_start3A_31 = tpu.memref_slice %arg6[%dma_start3A_30] : memref<10240xf32, #tpu.memory_space<hbm>> -> memref<10240xf32, #tpu.memory_space<hbm>>
          tpu.enqueue_indirect_dma source(%dma_start3A_31 : memref<10240xf32, #tpu.memory_space<hbm>>) target(%arg21 : memref<128xf32, #tpu.memory_space<vmem>>) offsets(%arg20 : memref<128xi32, #tpu.memory_space<vmem>>) semaphore(%run_scoped3A_29 : memref<!tpu.dma_semaphore, #tpu.memory_space<semaphore_mem>>)
          %dma_wait3A = arith.constant 0 : i32
          %dma_wait3A_32 = tpu.memref_slice %arg6[%dma_wait3A] : memref<10240xf32, #tpu.memory_space<hbm>> -> memref<10240xf32, #tpu.memory_space<hbm>>
          tpu.wait_indirect_dma semaphore(%run_scoped3A_29 : memref<!tpu.dma_semaphore, #tpu.memory_space<semaphore_mem>>) src(%dma_wait3A_32 : memref<10240xf32, #tpu.memory_space<hbm>>) dst(%arg21 : memref<128xf32, #tpu.memory_space<vmem>>)
          tpu.yield
        }) : () -> ()
        "tpu.region"() ({
          %run_scoped3A_29 = tpu.sem_alloc : memref<!tpu.dma_semaphore, #tpu.memory_space<semaphore_mem>>
          tpu.enqueue_dma source(%arg21 : memref<128xf32, #tpu.memory_space<vmem>>) target(%arg10 : memref<128xf32, #tpu.memory_space<hbm>>) target_semaphore(%run_scoped3A_29 : memref<!tpu.dma_semaphore, #tpu.memory_space<semaphore_mem>>)
          tpu.wait_dma2 semaphore(%run_scoped3A_29 : memref<!tpu.dma_semaphore, #tpu.memory_space<semaphore_mem>>) src(%arg21 : memref<128xf32, #tpu.memory_space<vmem>>) dst(%arg10 : memref<128xf32, #tpu.memory_space<hbm>>)
          tpu.yield
        }) : () -> ()
      } else {
      }
    } else {
    }
    return
  }
}

#map = affine_map<(d0, d1) -> (0, 0, 0, 0)>
#map1 = affine_map<(d0, d1) -> (0, 0)>
module attributes {stable_mosaic.version = 14 : i64} {
  func.func @body(%arg0: i32, %arg1: i32, %arg2: memref<16x158x2x128xi32, #tpu.memory_space<hbm>>, %arg3: memref<10240x128xf32, #tpu.memory_space<hbm>>, %arg4: memref<10240x128xf32, #tpu.memory_space<hbm>>, %arg5: memref<10240x128xf32, #tpu.memory_space<hbm>>, %arg6: memref<2x128xi32, #tpu.memory_space<vmem>>, %arg7: memref<2x128xi32, #tpu.memory_space<vmem>>, %arg8: memref<128x128xf32, #tpu.memory_space<vmem>>, %arg9: memref<128x128xf32, #tpu.memory_space<vmem>>, %arg10: memref<10240x128xf32, #tpu.memory_space<vmem_shared>>, %arg11: memref<!tpu.dma_semaphore, #tpu.memory_space<semaphore_mem>>, %arg12: memref<!tpu.dma_semaphore, #tpu.memory_space<semaphore_mem>>, %arg13: memref<!tpu.dma_semaphore, #tpu.memory_space<semaphore_mem>>, %arg14: memref<!tpu.dma_semaphore, #tpu.memory_space<semaphore_mem>>) attributes {dimension_semantics = [#tpu.dimension_semantics<core_parallel>, #tpu.dimension_semantics<subcore_parallel>], iteration_bounds = array<i64: 2, 16>, scalar_prefetch = 0 : i64, scratch_operands = 9 : i64, tpu.core_type = #tpu.core_type<sc_vector_subcore>, window_params = [{transform_indices = #map}, {transform_indices = #map1}, {transform_indices = #map1}, {transform_indices = #map1}]} {
    %mul3A = arith.constant 640 : i32
    %mul3A_0 = arith.muli %arg1, %mul3A : i32
    %eq3A = arith.constant 0 : i32
    %eq3A_1 = arith.cmpi eq, %arg0, %eq3A : i32
    %convert_element_type3A = arith.extui %eq3A_1 : i1 to i32
    %cond3A = arith.constant 0 : i32
    %cond3A_2 = arith.cmpi ne, %convert_element_type3A, %cond3A : i32
    scf.if %cond3A_2 {
      "tpu.region"() ({
        %run_scoped3A_24 = tpu.sem_alloc : memref<!tpu.dma_semaphore, #tpu.memory_space<semaphore_mem>>
        %dma_start3A_25 = arith.constant 0 : i32
        %dma_start3A_26 = tpu.memref_slice %arg10[%mul3A_0, %dma_start3A_25] : memref<10240x128xf32, #tpu.memory_space<vmem_shared>> -> memref<640x128xf32, #tpu.memory_space<vmem_shared>>
        %dma_start3A_27 = arith.constant 0 : i32
        %dma_start3A_28 = tpu.memref_slice %arg4[%mul3A_0, %dma_start3A_27] : memref<10240x128xf32, #tpu.memory_space<hbm>> -> memref<640x128xf32, #tpu.memory_space<hbm>>
        tpu.enqueue_dma source(%dma_start3A_28 : memref<640x128xf32, #tpu.memory_space<hbm>>) target(%dma_start3A_26 : memref<640x128xf32, #tpu.memory_space<vmem_shared>>) target_semaphore(%run_scoped3A_24 : memref<!tpu.dma_semaphore, #tpu.memory_space<semaphore_mem>>)
        %dma_wait3A = arith.constant 0 : i32
        %dma_wait3A_29 = tpu.memref_slice %arg10[%mul3A_0, %dma_wait3A] : memref<10240x128xf32, #tpu.memory_space<vmem_shared>> -> memref<640x128xf32, #tpu.memory_space<vmem_shared>>
        %dma_wait3A_30 = arith.constant 0 : i32
        %dma_wait3A_31 = tpu.memref_slice %arg4[%mul3A_0, %dma_wait3A_30] : memref<10240x128xf32, #tpu.memory_space<hbm>> -> memref<640x128xf32, #tpu.memory_space<hbm>>
        tpu.wait_dma2 semaphore(%run_scoped3A_24 : memref<!tpu.dma_semaphore, #tpu.memory_space<semaphore_mem>>) src(%dma_wait3A_31 : memref<640x128xf32, #tpu.memory_space<hbm>>) dst(%dma_wait3A_29 : memref<640x128xf32, #tpu.memory_space<vmem_shared>>)
        tpu.yield
      }) : () -> ()
      %barrier3A = arith.constant 0 : index
      tpu.barrier barrier_id(%barrier3A)
      %run_scoped3A = arith.constant 0 : i32
      "tpu.region"() ({
        %run_scoped3A_24 = tpu.sem_alloc : memref<!tpu.dma_semaphore, #tpu.memory_space<semaphore_mem>>
        %dma_start3A_25 = arith.constant 0 : i32
        %dma_start3A_26 = arith.constant 0 : i32
        %dma_start3A_27 = tpu.memref_slice %arg2[%arg1, %run_scoped3A, %dma_start3A_25, %dma_start3A_26] : memref<16x158x2x128xi32, #tpu.memory_space<hbm>> -> memref<1x1x2x128xi32, #tpu.memory_space<hbm>>
        %dma_start3A_28 = tpu.memref_squeeze %dma_start3A_27 : memref<1x1x2x128xi32, #tpu.memory_space<hbm>> -> memref<2x128xi32, #tpu.memory_space<hbm>>
        %dma_start3A_29 = arith.constant 0 : i32
        %dma_start3A_30 = arith.constant 0 : i32
        %dma_start3A_31 = tpu.memref_slice %arg2[%arg1, %run_scoped3A, %dma_start3A_29, %dma_start3A_30] : memref<16x158x2x128xi32, #tpu.memory_space<hbm>> -> memref<1x1x2x128xi32, #tpu.memory_space<hbm>>
        %dma_start3A_32 = tpu.memref_squeeze %dma_start3A_31 : memref<1x1x2x128xi32, #tpu.memory_space<hbm>> -> memref<2x128xi32, #tpu.memory_space<hbm>>
        tpu.enqueue_dma source(%dma_start3A_32 : memref<2x128xi32, #tpu.memory_space<hbm>>) target(%arg6 : memref<2x128xi32, #tpu.memory_space<vmem>>) target_semaphore(%run_scoped3A_24 : memref<!tpu.dma_semaphore, #tpu.memory_space<semaphore_mem>>)
        %dma_wait3A = arith.constant 0 : i32
        %dma_wait3A_33 = arith.constant 0 : i32
        %dma_wait3A_34 = tpu.memref_slice %arg2[%arg1, %run_scoped3A, %dma_wait3A, %dma_wait3A_33] : memref<16x158x2x128xi32, #tpu.memory_space<hbm>> -> memref<1x1x2x128xi32, #tpu.memory_space<hbm>>
        %dma_wait3A_35 = tpu.memref_squeeze %dma_wait3A_34 : memref<1x1x2x128xi32, #tpu.memory_space<hbm>> -> memref<2x128xi32, #tpu.memory_space<hbm>>
        %dma_wait3A_36 = arith.constant 0 : i32
        %dma_wait3A_37 = arith.constant 0 : i32
        %dma_wait3A_38 = tpu.memref_slice %arg2[%arg1, %run_scoped3A, %dma_wait3A_36, %dma_wait3A_37] : memref<16x158x2x128xi32, #tpu.memory_space<hbm>> -> memref<1x1x2x128xi32, #tpu.memory_space<hbm>>
        %dma_wait3A_39 = tpu.memref_squeeze %dma_wait3A_38 : memref<1x1x2x128xi32, #tpu.memory_space<hbm>> -> memref<2x128xi32, #tpu.memory_space<hbm>>
        tpu.wait_dma2 semaphore(%run_scoped3A_24 : memref<!tpu.dma_semaphore, #tpu.memory_space<semaphore_mem>>) src(%dma_wait3A_39 : memref<2x128xi32, #tpu.memory_space<hbm>>) dst(%arg6 : memref<2x128xi32, #tpu.memory_space<vmem>>)
        tpu.yield
      }) : () -> ()
      %dma_start3A = arith.constant 1 : i32
      %dma_start3A_3 = arith.constant 0 : i32
      %dma_start3A_4 = arith.constant 0 : i32
      %dma_start3A_5 = tpu.memref_slice %arg2[%arg1, %dma_start3A, %dma_start3A_3, %dma_start3A_4] : memref<16x158x2x128xi32, #tpu.memory_space<hbm>> -> memref<1x1x2x128xi32, #tpu.memory_space<hbm>>
      %dma_start3A_6 = tpu.memref_squeeze %dma_start3A_5 : memref<1x1x2x128xi32, #tpu.memory_space<hbm>> -> memref<2x128xi32, #tpu.memory_space<hbm>>
      %dma_start3A_7 = arith.constant 0 : i32
      %dma_start3A_8 = arith.constant 0 : i32
      %dma_start3A_9 = tpu.memref_slice %arg2[%arg1, %dma_start3A, %dma_start3A_7, %dma_start3A_8] : memref<16x158x2x128xi32, #tpu.memory_space<hbm>> -> memref<1x1x2x128xi32, #tpu.memory_space<hbm>>
      %dma_start3A_10 = tpu.memref_squeeze %dma_start3A_9 : memref<1x1x2x128xi32, #tpu.memory_space<hbm>> -> memref<2x128xi32, #tpu.memory_space<hbm>>
      tpu.enqueue_dma source(%dma_start3A_10 : memref<2x128xi32, #tpu.memory_space<hbm>>) target(%arg7 : memref<2x128xi32, #tpu.memory_space<vmem>>) target_semaphore(%arg12 : memref<!tpu.dma_semaphore, #tpu.memory_space<semaphore_mem>>)
      %dma_start3A_11 = arith.constant 0 : i32
      %dma_start3A_12 = arith.constant 0 : i32
      %dma_start3A_13 = tpu.memref_slice %arg6[%dma_start3A_11, %dma_start3A_12] : memref<2x128xi32, #tpu.memory_space<vmem>> -> memref<1x128xi32, #tpu.memory_space<vmem>>
      %dma_start3A_14 = tpu.memref_squeeze %dma_start3A_13 : memref<1x128xi32, #tpu.memory_space<vmem>> -> memref<128xi32, #tpu.memory_space<vmem>>
      %dma_start3A_15 = arith.constant 0 : i32
      %dma_start3A_16 = arith.constant 0 : i32
      %dma_start3A_17 = tpu.memref_slice %arg3[%dma_start3A_15, %dma_start3A_16] : memref<10240x128xf32, #tpu.memory_space<hbm>> -> memref<10240x128xf32, #tpu.memory_space<hbm>>
      tpu.enqueue_indirect_dma source(%dma_start3A_17 : memref<10240x128xf32, #tpu.memory_space<hbm>>) target(%arg8 : memref<128x128xf32, #tpu.memory_space<vmem>>) offsets(%dma_start3A_14 : memref<128xi32, #tpu.memory_space<vmem>>) semaphore(%arg13 : memref<!tpu.dma_semaphore, #tpu.memory_space<semaphore_mem>>)
      %scan3A = arith.constant 0 : i32
      %scan3A_18 = arith.constant 0 : i32
      %scan3A_19 = arith.constant 79 : i32
      %scan3A_20 = arith.addi %scan3A_18, %scan3A_19 : i32
      %scan3A_21 = arith.constant 1 : i32
      scf.for %scan3A_24 = %scan3A_18 to %scan3A_20 step %scan3A_21  : i32 {
        %mul3A_25 = arith.constant 2 : i32
        %mul3A_26 = arith.muli %mul3A_25, %scan3A_24 : i32
        %add3A = arith.constant 0 : i32
        %add3A_27 = arith.addi %mul3A_26, %add3A : i32
        %add3A_28 = arith.constant 1 : i32
        %add3A_29 = arith.addi %add3A_27, %add3A_28 : i32
        %lt3A = arith.constant 158 : i32
        %lt3A_30 = arith.cmpi slt, %add3A_29, %lt3A : i32
        %convert_element_type3A_31 = arith.extui %lt3A_30 : i1 to i32
        %cond3A_32 = arith.constant 0 : i32
        %cond3A_33 = arith.cmpi ne, %convert_element_type3A_31, %cond3A_32 : i32
        scf.if %cond3A_33 {
          %add3A_74 = arith.constant 1 : i32
          %add3A_75 = arith.addi %add3A_27, %add3A_74 : i32
          %dma_wait3A_76 = arith.constant 0 : i32
          %dma_wait3A_77 = arith.constant 0 : i32
          %dma_wait3A_78 = tpu.memref_slice %arg2[%arg1, %add3A_75, %dma_wait3A_76, %dma_wait3A_77] : memref<16x158x2x128xi32, #tpu.memory_space<hbm>> -> memref<1x1x2x128xi32, #tpu.memory_space<hbm>>
          %dma_wait3A_79 = tpu.memref_squeeze %dma_wait3A_78 : memref<1x1x2x128xi32, #tpu.memory_space<hbm>> -> memref<2x128xi32, #tpu.memory_space<hbm>>
          %dma_wait3A_80 = arith.constant 0 : i32
          %dma_wait3A_81 = arith.constant 0 : i32
          %dma_wait3A_82 = tpu.memref_slice %arg2[%arg1, %add3A_75, %dma_wait3A_80, %dma_wait3A_81] : memref<16x158x2x128xi32, #tpu.memory_space<hbm>> -> memref<1x1x2x128xi32, #tpu.memory_space<hbm>>
          %dma_wait3A_83 = tpu.memref_squeeze %dma_wait3A_82 : memref<1x1x2x128xi32, #tpu.memory_space<hbm>> -> memref<2x128xi32, #tpu.memory_space<hbm>>
          tpu.wait_dma2 semaphore(%arg12 : memref<!tpu.dma_semaphore, #tpu.memory_space<semaphore_mem>>) src(%dma_wait3A_83 : memref<2x128xi32, #tpu.memory_space<hbm>>) dst(%arg7 : memref<2x128xi32, #tpu.memory_space<vmem>>)
          %dma_start3A_84 = arith.constant 0 : i32
          %dma_start3A_85 = arith.constant 0 : i32
          %dma_start3A_86 = tpu.memref_slice %arg7[%dma_start3A_84, %dma_start3A_85] : memref<2x128xi32, #tpu.memory_space<vmem>> -> memref<1x128xi32, #tpu.memory_space<vmem>>
          %dma_start3A_87 = tpu.memref_squeeze %dma_start3A_86 : memref<1x128xi32, #tpu.memory_space<vmem>> -> memref<128xi32, #tpu.memory_space<vmem>>
          %dma_start3A_88 = arith.constant 0 : i32
          %dma_start3A_89 = arith.constant 0 : i32
          %dma_start3A_90 = tpu.memref_slice %arg3[%dma_start3A_88, %dma_start3A_89] : memref<10240x128xf32, #tpu.memory_space<hbm>> -> memref<10240x128xf32, #tpu.memory_space<hbm>>
          tpu.enqueue_indirect_dma source(%dma_start3A_90 : memref<10240x128xf32, #tpu.memory_space<hbm>>) target(%arg9 : memref<128x128xf32, #tpu.memory_space<vmem>>) offsets(%dma_start3A_87 : memref<128xi32, #tpu.memory_space<vmem>>) semaphore(%arg14 : memref<!tpu.dma_semaphore, #tpu.memory_space<semaphore_mem>>)
        } else {
        }
        %dma_wait3A = arith.constant 0 : i32
        %dma_wait3A_34 = arith.constant 0 : i32
        %dma_wait3A_35 = tpu.memref_slice %arg6[%dma_wait3A, %dma_wait3A_34] : memref<2x128xi32, #tpu.memory_space<vmem>> -> memref<1x128xi32, #tpu.memory_space<vmem>>
        %dma_wait3A_36 = tpu.memref_squeeze %dma_wait3A_35 : memref<1x128xi32, #tpu.memory_space<vmem>> -> memref<128xi32, #tpu.memory_space<vmem>>
        %dma_wait3A_37 = arith.constant 0 : i32
        %dma_wait3A_38 = arith.constant 0 : i32
        %dma_wait3A_39 = tpu.memref_slice %arg3[%dma_wait3A_37, %dma_wait3A_38] : memref<10240x128xf32, #tpu.memory_space<hbm>> -> memref<10240x128xf32, #tpu.memory_space<hbm>>
        tpu.wait_indirect_dma semaphore(%arg13 : memref<!tpu.dma_semaphore, #tpu.memory_space<semaphore_mem>>) src(%dma_wait3A_39 : memref<10240x128xf32, #tpu.memory_space<hbm>>) dst(%arg8 : memref<128x128xf32, #tpu.memory_space<vmem>>)
        %run_scoped3A_40 = arith.constant 1 : i32
        "tpu.region"() ({
          %run_scoped3A_74 = tpu.sem_alloc : memref<!tpu.dma_semaphore, #tpu.memory_space<semaphore_mem>>
          %dma_start3A_75 = arith.constant 0 : i32
          %dma_start3A_76 = tpu.memref_slice %arg6[%run_scoped3A_40, %dma_start3A_75] : memref<2x128xi32, #tpu.memory_space<vmem>> -> memref<1x128xi32, #tpu.memory_space<vmem>>
          %dma_start3A_77 = tpu.memref_squeeze %dma_start3A_76 : memref<1x128xi32, #tpu.memory_space<vmem>> -> memref<128xi32, #tpu.memory_space<vmem>>
          %dma_start3A_78 = arith.constant 0 : i32
          %dma_start3A_79 = arith.constant 0 : i32
          %dma_start3A_80 = tpu.memref_slice %arg10[%dma_start3A_78, %dma_start3A_79] : memref<10240x128xf32, #tpu.memory_space<vmem_shared>> -> memref<10240x128xf32, #tpu.memory_space<vmem_shared>>
          tpu.enqueue_indirect_dma source(%arg8 : memref<128x128xf32, #tpu.memory_space<vmem>>) target(%dma_start3A_80 : memref<10240x128xf32, #tpu.memory_space<vmem_shared>>) offsets(%dma_start3A_77 : memref<128xi32, #tpu.memory_space<vmem>>) semaphore(%run_scoped3A_74 : memref<!tpu.dma_semaphore, #tpu.memory_space<semaphore_mem>>) {add = true}
          %dma_wait3A_81 = arith.constant 0 : i32
          %dma_wait3A_82 = tpu.memref_slice %arg6[%run_scoped3A_40, %dma_wait3A_81] : memref<2x128xi32, #tpu.memory_space<vmem>> -> memref<1x128xi32, #tpu.memory_space<vmem>>
          %dma_wait3A_83 = tpu.memref_squeeze %dma_wait3A_82 : memref<1x128xi32, #tpu.memory_space<vmem>> -> memref<128xi32, #tpu.memory_space<vmem>>
          %dma_wait3A_84 = arith.constant 0 : i32
          %dma_wait3A_85 = arith.constant 0 : i32
          %dma_wait3A_86 = tpu.memref_slice %arg10[%dma_wait3A_84, %dma_wait3A_85] : memref<10240x128xf32, #tpu.memory_space<vmem_shared>> -> memref<10240x128xf32, #tpu.memory_space<vmem_shared>>
          tpu.wait_indirect_dma semaphore(%run_scoped3A_74 : memref<!tpu.dma_semaphore, #tpu.memory_space<semaphore_mem>>) src(%arg8 : memref<128x128xf32, #tpu.memory_space<vmem>>) dst(%dma_wait3A_86 : memref<10240x128xf32, #tpu.memory_space<vmem_shared>>)
          tpu.yield
        }) : () -> ()
        %add3A_41 = arith.constant 2 : i32
        %add3A_42 = arith.addi %add3A_27, %add3A_41 : i32
        %lt3A_43 = arith.constant 158 : i32
        %lt3A_44 = arith.cmpi slt, %add3A_42, %lt3A_43 : i32
        %convert_element_type3A_45 = arith.extui %lt3A_44 : i1 to i32
        %cond3A_46 = arith.constant 0 : i32
        %cond3A_47 = arith.cmpi ne, %convert_element_type3A_45, %cond3A_46 : i32
        scf.if %cond3A_47 {
          %add3A_74 = arith.constant 2 : i32
          %add3A_75 = arith.addi %add3A_27, %add3A_74 : i32
          %dma_start3A_76 = arith.constant 0 : i32
          %dma_start3A_77 = arith.constant 0 : i32
          %dma_start3A_78 = tpu.memref_slice %arg2[%arg1, %add3A_75, %dma_start3A_76, %dma_start3A_77] : memref<16x158x2x128xi32, #tpu.memory_space<hbm>> -> memref<1x1x2x128xi32, #tpu.memory_space<hbm>>
          %dma_start3A_79 = tpu.memref_squeeze %dma_start3A_78 : memref<1x1x2x128xi32, #tpu.memory_space<hbm>> -> memref<2x128xi32, #tpu.memory_space<hbm>>
          %dma_start3A_80 = arith.constant 0 : i32
          %dma_start3A_81 = arith.constant 0 : i32
          %dma_start3A_82 = tpu.memref_slice %arg2[%arg1, %add3A_75, %dma_start3A_80, %dma_start3A_81] : memref<16x158x2x128xi32, #tpu.memory_space<hbm>> -> memref<1x1x2x128xi32, #tpu.memory_space<hbm>>
          %dma_start3A_83 = tpu.memref_squeeze %dma_start3A_82 : memref<1x1x2x128xi32, #tpu.memory_space<hbm>> -> memref<2x128xi32, #tpu.memory_space<hbm>>
          tpu.enqueue_dma source(%dma_start3A_83 : memref<2x128xi32, #tpu.memory_space<hbm>>) target(%arg6 : memref<2x128xi32, #tpu.memory_space<vmem>>) target_semaphore(%arg11 : memref<!tpu.dma_semaphore, #tpu.memory_space<semaphore_mem>>)
        } else {
        }
        %mul3A_48 = arith.constant 2 : i32
        %mul3A_49 = arith.muli %mul3A_48, %scan3A_24 : i32
        %add3A_50 = arith.constant 1 : i32
        %add3A_51 = arith.addi %mul3A_49, %add3A_50 : i32
        %add3A_52 = arith.constant 1 : i32
        %add3A_53 = arith.addi %add3A_51, %add3A_52 : i32
        %lt3A_54 = arith.constant 158 : i32
        %lt3A_55 = arith.cmpi slt, %add3A_53, %lt3A_54 : i32
        %convert_element_type3A_56 = arith.extui %lt3A_55 : i1 to i32
        %cond3A_57 = arith.constant 0 : i32
        %cond3A_58 = arith.cmpi ne, %convert_element_type3A_56, %cond3A_57 : i32
        scf.if %cond3A_58 {
          %add3A_74 = arith.constant 1 : i32
          %add3A_75 = arith.addi %add3A_51, %add3A_74 : i32
          %dma_wait3A_76 = arith.constant 0 : i32
          %dma_wait3A_77 = arith.constant 0 : i32
          %dma_wait3A_78 = tpu.memref_slice %arg2[%arg1, %add3A_75, %dma_wait3A_76, %dma_wait3A_77] : memref<16x158x2x128xi32, #tpu.memory_space<hbm>> -> memref<1x1x2x128xi32, #tpu.memory_space<hbm>>
          %dma_wait3A_79 = tpu.memref_squeeze %dma_wait3A_78 : memref<1x1x2x128xi32, #tpu.memory_space<hbm>> -> memref<2x128xi32, #tpu.memory_space<hbm>>
          %dma_wait3A_80 = arith.constant 0 : i32
          %dma_wait3A_81 = arith.constant 0 : i32
          %dma_wait3A_82 = tpu.memref_slice %arg2[%arg1, %add3A_75, %dma_wait3A_80, %dma_wait3A_81] : memref<16x158x2x128xi32, #tpu.memory_space<hbm>> -> memref<1x1x2x128xi32, #tpu.memory_space<hbm>>
          %dma_wait3A_83 = tpu.memref_squeeze %dma_wait3A_82 : memref<1x1x2x128xi32, #tpu.memory_space<hbm>> -> memref<2x128xi32, #tpu.memory_space<hbm>>
          tpu.wait_dma2 semaphore(%arg11 : memref<!tpu.dma_semaphore, #tpu.memory_space<semaphore_mem>>) src(%dma_wait3A_83 : memref<2x128xi32, #tpu.memory_space<hbm>>) dst(%arg6 : memref<2x128xi32, #tpu.memory_space<vmem>>)
          %dma_start3A_84 = arith.constant 0 : i32
          %dma_start3A_85 = arith.constant 0 : i32
          %dma_start3A_86 = tpu.memref_slice %arg6[%dma_start3A_84, %dma_start3A_85] : memref<2x128xi32, #tpu.memory_space<vmem>> -> memref<1x128xi32, #tpu.memory_space<vmem>>
          %dma_start3A_87 = tpu.memref_squeeze %dma_start3A_86 : memref<1x128xi32, #tpu.memory_space<vmem>> -> memref<128xi32, #tpu.memory_space<vmem>>
          %dma_start3A_88 = arith.constant 0 : i32
          %dma_start3A_89 = arith.constant 0 : i32
          %dma_start3A_90 = tpu.memref_slice %arg3[%dma_start3A_88, %dma_start3A_89] : memref<10240x128xf32, #tpu.memory_space<hbm>> -> memref<10240x128xf32, #tpu.memory_space<hbm>>
          tpu.enqueue_indirect_dma source(%dma_start3A_90 : memref<10240x128xf32, #tpu.memory_space<hbm>>) target(%arg8 : memref<128x128xf32, #tpu.memory_space<vmem>>) offsets(%dma_start3A_87 : memref<128xi32, #tpu.memory_space<vmem>>) semaphore(%arg13 : memref<!tpu.dma_semaphore, #tpu.memory_space<semaphore_mem>>)
        } else {
        }
        %dma_wait3A_59 = arith.constant 0 : i32
        %dma_wait3A_60 = arith.constant 0 : i32
        %dma_wait3A_61 = tpu.memref_slice %arg7[%dma_wait3A_59, %dma_wait3A_60] : memref<2x128xi32, #tpu.memory_space<vmem>> -> memref<1x128xi32, #tpu.memory_space<vmem>>
        %dma_wait3A_62 = tpu.memref_squeeze %dma_wait3A_61 : memref<1x128xi32, #tpu.memory_space<vmem>> -> memref<128xi32, #tpu.memory_space<vmem>>
        %dma_wait3A_63 = arith.constant 0 : i32
        %dma_wait3A_64 = arith.constant 0 : i32
        %dma_wait3A_65 = tpu.memref_slice %arg3[%dma_wait3A_63, %dma_wait3A_64] : memref<10240x128xf32, #tpu.memory_space<hbm>> -> memref<10240x128xf32, #tpu.memory_space<hbm>>
        tpu.wait_indirect_dma semaphore(%arg14 : memref<!tpu.dma_semaphore, #tpu.memory_space<semaphore_mem>>) src(%dma_wait3A_65 : memref<10240x128xf32, #tpu.memory_space<hbm>>) dst(%arg9 : memref<128x128xf32, #tpu.memory_space<vmem>>)
        %run_scoped3A_66 = arith.constant 1 : i32
        "tpu.region"() ({
          %run_scoped3A_74 = tpu.sem_alloc : memref<!tpu.dma_semaphore, #tpu.memory_space<semaphore_mem>>
          %dma_start3A_75 = arith.constant 0 : i32
          %dma_start3A_76 = tpu.memref_slice %arg7[%run_scoped3A_66, %dma_start3A_75] : memref<2x128xi32, #tpu.memory_space<vmem>> -> memref<1x128xi32, #tpu.memory_space<vmem>>
          %dma_start3A_77 = tpu.memref_squeeze %dma_start3A_76 : memref<1x128xi32, #tpu.memory_space<vmem>> -> memref<128xi32, #tpu.memory_space<vmem>>
          %dma_start3A_78 = arith.constant 0 : i32
          %dma_start3A_79 = arith.constant 0 : i32
          %dma_start3A_80 = tpu.memref_slice %arg10[%dma_start3A_78, %dma_start3A_79] : memref<10240x128xf32, #tpu.memory_space<vmem_shared>> -> memref<10240x128xf32, #tpu.memory_space<vmem_shared>>
          tpu.enqueue_indirect_dma source(%arg9 : memref<128x128xf32, #tpu.memory_space<vmem>>) target(%dma_start3A_80 : memref<10240x128xf32, #tpu.memory_space<vmem_shared>>) offsets(%dma_start3A_77 : memref<128xi32, #tpu.memory_space<vmem>>) semaphore(%run_scoped3A_74 : memref<!tpu.dma_semaphore, #tpu.memory_space<semaphore_mem>>) {add = true}
          %dma_wait3A_81 = arith.constant 0 : i32
          %dma_wait3A_82 = tpu.memref_slice %arg7[%run_scoped3A_66, %dma_wait3A_81] : memref<2x128xi32, #tpu.memory_space<vmem>> -> memref<1x128xi32, #tpu.memory_space<vmem>>
          %dma_wait3A_83 = tpu.memref_squeeze %dma_wait3A_82 : memref<1x128xi32, #tpu.memory_space<vmem>> -> memref<128xi32, #tpu.memory_space<vmem>>
          %dma_wait3A_84 = arith.constant 0 : i32
          %dma_wait3A_85 = arith.constant 0 : i32
          %dma_wait3A_86 = tpu.memref_slice %arg10[%dma_wait3A_84, %dma_wait3A_85] : memref<10240x128xf32, #tpu.memory_space<vmem_shared>> -> memref<10240x128xf32, #tpu.memory_space<vmem_shared>>
          tpu.wait_indirect_dma semaphore(%run_scoped3A_74 : memref<!tpu.dma_semaphore, #tpu.memory_space<semaphore_mem>>) src(%arg9 : memref<128x128xf32, #tpu.memory_space<vmem>>) dst(%dma_wait3A_86 : memref<10240x128xf32, #tpu.memory_space<vmem_shared>>)
          tpu.yield
        }) : () -> ()
        %add3A_67 = arith.constant 2 : i32
        %add3A_68 = arith.addi %add3A_51, %add3A_67 : i32
        %lt3A_69 = arith.constant 158 : i32
        %lt3A_70 = arith.cmpi slt, %add3A_68, %lt3A_69 : i32
        %convert_element_type3A_71 = arith.extui %lt3A_70 : i1 to i32
        %cond3A_72 = arith.constant 0 : i32
        %cond3A_73 = arith.cmpi ne, %convert_element_type3A_71, %cond3A_72 : i32
        scf.if %cond3A_73 {
          %add3A_74 = arith.constant 2 : i32
          %add3A_75 = arith.addi %add3A_51, %add3A_74 : i32
          %dma_start3A_76 = arith.constant 0 : i32
          %dma_start3A_77 = arith.constant 0 : i32
          %dma_start3A_78 = tpu.memref_slice %arg2[%arg1, %add3A_75, %dma_start3A_76, %dma_start3A_77] : memref<16x158x2x128xi32, #tpu.memory_space<hbm>> -> memref<1x1x2x128xi32, #tpu.memory_space<hbm>>
          %dma_start3A_79 = tpu.memref_squeeze %dma_start3A_78 : memref<1x1x2x128xi32, #tpu.memory_space<hbm>> -> memref<2x128xi32, #tpu.memory_space<hbm>>
          %dma_start3A_80 = arith.constant 0 : i32
          %dma_start3A_81 = arith.constant 0 : i32
          %dma_start3A_82 = tpu.memref_slice %arg2[%arg1, %add3A_75, %dma_start3A_80, %dma_start3A_81] : memref<16x158x2x128xi32, #tpu.memory_space<hbm>> -> memref<1x1x2x128xi32, #tpu.memory_space<hbm>>
          %dma_start3A_83 = tpu.memref_squeeze %dma_start3A_82 : memref<1x1x2x128xi32, #tpu.memory_space<hbm>> -> memref<2x128xi32, #tpu.memory_space<hbm>>
          tpu.enqueue_dma source(%dma_start3A_83 : memref<2x128xi32, #tpu.memory_space<hbm>>) target(%arg7 : memref<2x128xi32, #tpu.memory_space<vmem>>) target_semaphore(%arg12 : memref<!tpu.dma_semaphore, #tpu.memory_space<semaphore_mem>>)
        } else {
        }
      }
      %scan3A_22 = arith.constant 79 : i32
      %barrier3A_23 = arith.constant 0 : index
      tpu.barrier barrier_id(%barrier3A_23)
      "tpu.region"() ({
        %run_scoped3A_24 = tpu.sem_alloc : memref<!tpu.dma_semaphore, #tpu.memory_space<semaphore_mem>>
        %dma_start3A_25 = arith.constant 0 : i32
        %dma_start3A_26 = tpu.memref_slice %arg5[%mul3A_0, %dma_start3A_25] : memref<10240x128xf32, #tpu.memory_space<hbm>> -> memref<640x128xf32, #tpu.memory_space<hbm>>
        %dma_start3A_27 = arith.constant 0 : i32
        %dma_start3A_28 = tpu.memref_slice %arg10[%mul3A_0, %dma_start3A_27] : memref<10240x128xf32, #tpu.memory_space<vmem_shared>> -> memref<640x128xf32, #tpu.memory_space<vmem_shared>>
        tpu.enqueue_dma source(%dma_start3A_28 : memref<640x128xf32, #tpu.memory_space<vmem_shared>>) target(%dma_start3A_26 : memref<640x128xf32, #tpu.memory_space<hbm>>) target_semaphore(%run_scoped3A_24 : memref<!tpu.dma_semaphore, #tpu.memory_space<semaphore_mem>>)
        %dma_wait3A = arith.constant 0 : i32
        %dma_wait3A_29 = tpu.memref_slice %arg5[%mul3A_0, %dma_wait3A] : memref<10240x128xf32, #tpu.memory_space<hbm>> -> memref<640x128xf32, #tpu.memory_space<hbm>>
        %dma_wait3A_30 = arith.constant 0 : i32
        %dma_wait3A_31 = tpu.memref_slice %arg10[%mul3A_0, %dma_wait3A_30] : memref<10240x128xf32, #tpu.memory_space<vmem_shared>> -> memref<640x128xf32, #tpu.memory_space<vmem_shared>>
        tpu.wait_dma2 semaphore(%run_scoped3A_24 : memref<!tpu.dma_semaphore, #tpu.memory_space<semaphore_mem>>) src(%dma_wait3A_31 : memref<640x128xf32, #tpu.memory_space<vmem_shared>>) dst(%dma_wait3A_29 : memref<640x128xf32, #tpu.memory_space<hbm>>)
        tpu.yield
      }) : () -> ()
    } else {
    }
    return
  }
}

module attributes {stable_mosaic.version = 14 : i64} {
  func.func @_tc_b_body(%arg0: i32, %arg1: memref<512x128xf32, #tpu.memory_space<vmem>>, %arg2: memref<128x128xf32, #tpu.memory_space<vmem>>, %arg3: memref<512x1xf32, #tpu.memory_space<vmem>>, %arg4: memref<512x1xf32, #tpu.memory_space<vmem>>, %arg5: memref<512x128xf32, #tpu.memory_space<vmem>>, %arg6: memref<512x1xf32, #tpu.memory_space<vmem>>) attributes {dimension_semantics = [#tpu.dimension_semantics<arbitrary>], iteration_bounds = array<i64: 20>, scalar_prefetch = 0 : i64, scratch_operands = 0 : i64, tpu.core_type = #tpu.core_type<tc>, window_params = [{transform_indices = @transform_0, window_bounds = array<i64: 512, 128>}, {pipeline_mode = #tpu.pipeline_mode<synchronous>, transform_indices = @transform_1, window_bounds = array<i64: 128, 128>}, {transform_indices = @transform_2, window_bounds = array<i64: 512, 1>}, {transform_indices = @transform_3, window_bounds = array<i64: 512, 1>}, {transform_indices = @transform_4, window_bounds = array<i64: 512, 128>}, {transform_indices = @transform_5, window_bounds = array<i64: 512, 1>}]} {
    %get3A = arith.constant 0 : index
    %get3A_0 = arith.constant 0 : index
    %get3A_1 = vector.load %arg3[%get3A, %get3A_0] : memref<512x1xf32, #tpu.memory_space<vmem>>, vector<512x1xf32>
    %get3A_2 = arith.constant 0 : index
    %get3A_3 = arith.constant 0 : index
    %get3A_4 = vector.load %arg4[%get3A_2, %get3A_3] : memref<512x1xf32, #tpu.memory_space<vmem>>, vector<512x1xf32>
    %add3A = arith.addf %get3A_1, %get3A_4 : vector<512x1xf32>
    %add3A_5 = arith.constant 1.000000e+00 : f32
    %add3A_6 = vector.broadcast %add3A_5 : f32 to vector<512x1xf32>
    %add3A_7 = arith.addf %add3A, %add3A_6 : vector<512x1xf32>
    %rsqrt3A = math.rsqrt %add3A_7 : vector<512x1xf32>
    %get3A_8 = arith.constant 0 : index
    %get3A_9 = arith.constant 0 : index
    %get3A_10 = vector.load %arg1[%get3A_8, %get3A_9] : memref<512x128xf32, #tpu.memory_space<vmem>>, vector<512x128xf32>
    %get3A_11 = arith.constant 0 : index
    %get3A_12 = arith.constant 0 : index
    %get3A_13 = vector.load %arg2[%get3A_11, %get3A_12] : memref<128x128xf32, #tpu.memory_space<vmem>>, vector<128x128xf32>
    %dot_general3A = arith.constant dense<0.000000e+00> : vector<512x128xf32>
    %dot_general3A_14 = tpu.matmul %get3A_10, %get3A_13, %dot_general3A {dimension_numbers = #tpu.dot_dimension_numbers<[1], [0], [0], [1], [0, 0, 1, 1], [], []>, transpose_lhs_hint = false} : vector<512x128xf32>, vector<128x128xf32>, vector<512x128xf32> -> vector<512x128xf32>
    %mul3A = vector.broadcast %rsqrt3A : vector<512x1xf32> to vector<512x128xf32>
    %mul3A_15 = arith.mulf %dot_general3A_14, %mul3A : vector<512x128xf32>
    %swap3A = arith.constant 0 : index
    %swap3A_16 = arith.constant 0 : index
    %swap3A_17 = vector.load %arg5[%swap3A, %swap3A_16] : memref<512x128xf32, #tpu.memory_space<vmem>>, vector<512x128xf32>
    tpu.vector_store %arg5[%swap3A, %swap3A_16], %mul3A_15 {strides = array<i32>} : memref<512x128xf32, #tpu.memory_space<vmem>>, vector<512x128xf32>,
    %swap3A_18 = arith.constant 0 : index
    %swap3A_19 = arith.constant 0 : index
    %swap3A_20 = vector.load %arg6[%swap3A_18, %swap3A_19] : memref<512x1xf32, #tpu.memory_space<vmem>>, vector<512x1xf32>
    tpu.vector_store %arg6[%swap3A_18, %swap3A_19], %add3A_7 {strides = array<i32>} : memref<512x1xf32, #tpu.memory_space<vmem>>, vector<512x1xf32>,
    return
  }
  func.func @transform_0(%arg0: i32) -> (i32, i32) {
    %c0_i32 = arith.constant 0 : i32
    %c0_i32_0 = arith.constant 0 : i32
    return %arg0, %c0_i32 : i32, i32
  }
  func.func @transform_1(%arg0: i32) -> (i32, i32) {
    %c0_i32 = arith.constant 0 : i32
    %c0_i32_0 = arith.constant 0 : i32
    %c0_i32_1 = arith.constant 0 : i32
    return %c0_i32, %c0_i32_0 : i32, i32
  }
  func.func @transform_2(%arg0: i32) -> (i32, i32) {
    %c0_i32 = arith.constant 0 : i32
    %c0_i32_0 = arith.constant 0 : i32
    return %arg0, %c0_i32 : i32, i32
  }
  func.func @transform_3(%arg0: i32) -> (i32, i32) {
    %c0_i32 = arith.constant 0 : i32
    %c0_i32_0 = arith.constant 0 : i32
    return %arg0, %c0_i32 : i32, i32
  }
  func.func @transform_4(%arg0: i32) -> (i32, i32) {
    %c0_i32 = arith.constant 0 : i32
    %c0_i32_0 = arith.constant 0 : i32
    return %arg0, %c0_i32 : i32, i32
  }
  func.func @transform_5(%arg0: i32) -> (i32, i32) {
    %c0_i32 = arith.constant 0 : i32
    %c0_i32_0 = arith.constant 0 : i32
    return %arg0, %c0_i32 : i32, i32
  }
}

module attributes {stable_mosaic.version = 14 : i64} {
  func.func @_tc_d_body(%arg0: i32, %arg1: memref<512x128xf32, #tpu.memory_space<vmem>>, %arg2: memref<512x128xf32, #tpu.memory_space<vmem>>, %arg3: memref<512x1xf32, #tpu.memory_space<vmem>>, %arg4: memref<1x128xf32, #tpu.memory_space<vmem>>, %arg5: memref<128x128xf32, #tpu.memory_space<vmem>>, %arg6: memref<512x128xf32, #tpu.memory_space<vmem>>) attributes {dimension_semantics = [#tpu.dimension_semantics<arbitrary>], iteration_bounds = array<i64: 20>, scalar_prefetch = 0 : i64, scratch_operands = 0 : i64, tpu.core_type = #tpu.core_type<tc>, window_params = [{transform_indices = @transform_0, window_bounds = array<i64: 512, 128>}, {transform_indices = @transform_1, window_bounds = array<i64: 512, 128>}, {transform_indices = @transform_2, window_bounds = array<i64: 512, 1>}, {pipeline_mode = #tpu.pipeline_mode<synchronous>, transform_indices = @transform_3, window_bounds = array<i64: 1, 128>}, {pipeline_mode = #tpu.pipeline_mode<synchronous>, transform_indices = @transform_4, window_bounds = array<i64: 128, 128>}, {transform_indices = @transform_5, window_bounds = array<i64: 512, 128>}]} {
    %get3A = arith.constant 0 : index
    %get3A_0 = arith.constant 0 : index
    %get3A_1 = vector.load %arg3[%get3A, %get3A_0] : memref<512x1xf32, #tpu.memory_space<vmem>>, vector<512x1xf32>
    %rsqrt3A = math.rsqrt %get3A_1 : vector<512x1xf32>
    %get3A_2 = arith.constant 0 : index
    %get3A_3 = arith.constant 0 : index
    %get3A_4 = vector.load %arg2[%get3A_2, %get3A_3] : memref<512x128xf32, #tpu.memory_space<vmem>>, vector<512x128xf32>
    %get3A_5 = arith.constant 0 : index
    %get3A_6 = arith.constant 0 : index
    %get3A_7 = vector.load %arg1[%get3A_5, %get3A_6] : memref<512x128xf32, #tpu.memory_space<vmem>>, vector<512x128xf32>
    %add3A = arith.addf %get3A_4, %get3A_7 : vector<512x128xf32>
    %mul3A = vector.broadcast %rsqrt3A : vector<512x1xf32> to vector<512x128xf32>
    %mul3A_8 = arith.mulf %mul3A, %add3A : vector<512x128xf32>
    %get3A_9 = arith.constant 0 : index
    %get3A_10 = arith.constant 0 : index
    %get3A_11 = vector.load %arg4[%get3A_9, %get3A_10] : memref<1x128xf32, #tpu.memory_space<vmem>>, vector<1x128xf32>
    %add3A_12 = vector.broadcast %get3A_11 : vector<1x128xf32> to vector<512x128xf32>
    %add3A_13 = arith.addf %mul3A_8, %add3A_12 : vector<512x128xf32>
    %max3A = arith.constant 0.000000e+00 : f32
    %max3A_14 = vector.broadcast %max3A : f32 to vector<512x128xf32>
    %max3A_15 = arith.maximumf %add3A_13, %max3A_14 : vector<512x128xf32>
    %get3A_16 = arith.constant 0 : index
    %get3A_17 = arith.constant 0 : index
    %get3A_18 = vector.load %arg5[%get3A_16, %get3A_17] : memref<128x128xf32, #tpu.memory_space<vmem>>, vector<128x128xf32>
    %dot_general3A = arith.constant dense<0.000000e+00> : vector<512x128xf32>
    %dot_general3A_19 = tpu.matmul %max3A_15, %get3A_18, %dot_general3A {dimension_numbers = #tpu.dot_dimension_numbers<[1], [0], [0], [1], [0, 0, 1, 1], [], []>, transpose_lhs_hint = false} : vector<512x128xf32>, vector<128x128xf32>, vector<512x128xf32> -> vector<512x128xf32>
    %mul3A_20 = vector.broadcast %rsqrt3A : vector<512x1xf32> to vector<512x128xf32>
    %mul3A_21 = arith.mulf %dot_general3A_19, %mul3A_20 : vector<512x128xf32>
    %swap3A = arith.constant 0 : index
    %swap3A_22 = arith.constant 0 : index
    %swap3A_23 = vector.load %arg6[%swap3A, %swap3A_22] : memref<512x128xf32, #tpu.memory_space<vmem>>, vector<512x128xf32>
    tpu.vector_store %arg6[%swap3A, %swap3A_22], %mul3A_21 {strides = array<i32>} : memref<512x128xf32, #tpu.memory_space<vmem>>, vector<512x128xf32>,
    return
  }
  func.func @transform_0(%arg0: i32) -> (i32, i32) {
    %c0_i32 = arith.constant 0 : i32
    %c0_i32_0 = arith.constant 0 : i32
    return %arg0, %c0_i32 : i32, i32
  }
  func.func @transform_1(%arg0: i32) -> (i32, i32) {
    %c0_i32 = arith.constant 0 : i32
    %c0_i32_0 = arith.constant 0 : i32
    return %arg0, %c0_i32 : i32, i32
  }
  func.func @transform_2(%arg0: i32) -> (i32, i32) {
    %c0_i32 = arith.constant 0 : i32
    %c0_i32_0 = arith.constant 0 : i32
    return %arg0, %c0_i32 : i32, i32
  }
  func.func @transform_3(%arg0: i32) -> (i32, i32) {
    %c0_i32 = arith.constant 0 : i32
    %c0_i32_0 = arith.constant 0 : i32
    %c0_i32_1 = arith.constant 0 : i32
    return %c0_i32, %c0_i32_0 : i32, i32
  }
  func.func @transform_4(%arg0: i32) -> (i32, i32) {
    %c0_i32 = arith.constant 0 : i32
    %c0_i32_0 = arith.constant 0 : i32
    %c0_i32_1 = arith.constant 0 : i32
    return %c0_i32, %c0_i32_0 : i32, i32
  }
  func.func @transform_5(%arg0: i32) -> (i32, i32) {
    %c0_i32 = arith.constant 0 : i32
    %c0_i32_0 = arith.constant 0 : i32
    return %arg0, %c0_i32 : i32, i32
  }
}

module attributes {stable_mosaic.version = 14 : i64} {
  func.func @_tc_f_body(%arg0: memref<128x128xf32, #tpu.memory_space<vmem>>, %arg1: memref<128x128xf32, #tpu.memory_space<vmem>>, %arg2: memref<128x1xf32, #tpu.memory_space<vmem>>, %arg3: memref<128x1xf32, #tpu.memory_space<vmem>>, %arg4: memref<1x128xf32, #tpu.memory_space<vmem>>, %arg5: memref<384x128xf32, #tpu.memory_space<vmem>>, %arg6: memref<1x384xf32, #tpu.memory_space<vmem>>, %arg7: memref<384x128xf32, #tpu.memory_space<vmem>>, %arg8: memref<1x384xf32, #tpu.memory_space<vmem>>, %arg9: memref<128x2xf32, #tpu.memory_space<vmem>>, %arg10: memref<1x2xf32, #tpu.memory_space<vmem>>, %arg11: memref<128x2xf32, #tpu.memory_space<vmem>>) attributes {dimension_semantics = [], scalar_prefetch = 0 : i64, scratch_operands = 0 : i64, tpu.core_type = #tpu.core_type<tc>} {
    %get3A = arith.constant 0 : index
    %get3A_0 = arith.constant 0 : index
    %get3A_1 = vector.load %arg2[%get3A, %get3A_0] : memref<128x1xf32, #tpu.memory_space<vmem>>, vector<128x1xf32>
    %rsqrt3A = math.rsqrt %get3A_1 : vector<128x1xf32>
    %get3A_2 = arith.constant 0 : index
    %get3A_3 = arith.constant 0 : index
    %get3A_4 = vector.load %arg3[%get3A_2, %get3A_3] : memref<128x1xf32, #tpu.memory_space<vmem>>, vector<128x1xf32>
    %get3A_5 = arith.constant 0 : index
    %get3A_6 = arith.constant 0 : index
    %get3A_7 = vector.load %arg0[%get3A_5, %get3A_6] : memref<128x128xf32, #tpu.memory_space<vmem>>, vector<128x128xf32>
    %get3A_8 = arith.constant 0 : index
    %get3A_9 = arith.constant 0 : index
    %get3A_10 = vector.load %arg1[%get3A_8, %get3A_9] : memref<128x128xf32, #tpu.memory_space<vmem>>, vector<128x128xf32>
    %add3A = arith.addf %get3A_7, %get3A_10 : vector<128x128xf32>
    %mul3A = vector.broadcast %rsqrt3A : vector<128x1xf32> to vector<128x128xf32>
    %mul3A_11 = arith.mulf %mul3A, %add3A : vector<128x128xf32>
    %get3A_12 = arith.constant 0 : index
    %get3A_13 = arith.constant 0 : index
    %get3A_14 = vector.load %arg4[%get3A_12, %get3A_13] : memref<1x128xf32, #tpu.memory_space<vmem>>, vector<1x128xf32>
    %add3A_15 = vector.broadcast %get3A_14 : vector<1x128xf32> to vector<128x128xf32>
    %add3A_16 = arith.addf %mul3A_11, %add3A_15 : vector<128x128xf32>
    %max3A = arith.constant 0.000000e+00 : f32
    %max3A_17 = vector.broadcast %max3A : f32 to vector<128x128xf32>
    %max3A_18 = arith.maximumf %add3A_16, %max3A_17 : vector<128x128xf32>
    %mul3A_19 = vector.broadcast %get3A_4 : vector<128x1xf32> to vector<128x128xf32>
    %mul3A_20 = arith.mulf %max3A_18, %mul3A_19 : vector<128x128xf32>
    %get3A_21 = arith.constant 0 : index
    %get3A_22 = arith.constant 0 : index
    %get3A_23 = vector.load %arg5[%get3A_21, %get3A_22] : memref<384x128xf32, #tpu.memory_space<vmem>>, vector<384x128xf32>
    %dot_general3A = arith.constant dense<0.000000e+00> : vector<128x384xf32>
    %dot_general3A_24 = tpu.matmul %mul3A_20, %get3A_23, %dot_general3A {dimension_numbers = #tpu.dot_dimension_numbers<[1], [1], [0], [0], [0, 0, 1, 0], [], []>, transpose_lhs_hint = false} : vector<128x128xf32>, vector<384x128xf32>, vector<128x384xf32> -> vector<128x384xf32>
    %get3A_25 = arith.constant 0 : index
    %get3A_26 = arith.constant 0 : index
    %get3A_27 = vector.load %arg6[%get3A_25, %get3A_26] : memref<1x384xf32, #tpu.memory_space<vmem>>, vector<1x384xf32>
    %add3A_28 = vector.broadcast %get3A_27 : vector<1x384xf32> to vector<128x384xf32>
    %add3A_29 = arith.addf %dot_general3A_24, %add3A_28 : vector<128x384xf32>
    %get3A_30 = arith.constant 0 : index
    %get3A_31 = arith.constant 0 : index
    %get3A_32 = vector.load %arg7[%get3A_30, %get3A_31] : memref<384x128xf32, #tpu.memory_space<vmem>>, vector<384x128xf32>
    %get3A_33 = arith.constant 0 : index
    %get3A_34 = arith.constant 0 : index
    %get3A_35 = vector.load %arg8[%get3A_33, %get3A_34] : memref<1x384xf32, #tpu.memory_space<vmem>>, vector<1x384xf32>
    %broadcast_in_dim3A = arith.constant 0.000000e+00 : f32
    %broadcast_in_dim3A_36 = vector.broadcast %broadcast_in_dim3A : f32 to vector<4x128xf32>
    %slice3A = vector.extract_strided_slice %add3A_29 {offsets = [0, 0], sizes = [4, 384], strides = [1, 1]} : vector<128x384xf32> to vector<4x384xf32>
    %dot_general3A_37 = arith.constant dense<0.000000e+00> : vector<4x384xf32>
    %dot_general3A_38 = tpu.matmul %broadcast_in_dim3A_36, %get3A_32, %dot_general3A_37 {dimension_numbers = #tpu.dot_dimension_numbers<[1], [1], [0], [0], [0, 0, 1, 0], [], []>, transpose_lhs_hint = false} : vector<4x128xf32>, vector<384x128xf32>, vector<4x384xf32> -> vector<4x384xf32>
    %add3A_39 = vector.broadcast %get3A_35 : vector<1x384xf32> to vector<4x384xf32>
    %add3A_40 = arith.addf %dot_general3A_38, %add3A_39 : vector<4x384xf32>
    %slice3A_41 = vector.extract_strided_slice %slice3A {offsets = [0, 0], sizes = [4, 128], strides = [1, 1]} : vector<4x384xf32> to vector<4x128xf32>
    %slice3A_42 = vector.extract_strided_slice %add3A_40 {offsets = [0, 0], sizes = [4, 128], strides = [1, 1]} : vector<4x384xf32> to vector<4x128xf32>
    %add3A_43 = arith.addf %slice3A_41, %slice3A_42 : vector<4x128xf32>
    %logistic3A = arith.negf %add3A_43 : vector<4x128xf32>
    %logistic3A_44 = math.exp %logistic3A : vector<4x128xf32>
    %logistic3A_45 = arith.constant 1.000000e+00 : f32
    %logistic3A_46 = vector.broadcast %logistic3A_45 : f32 to vector<4x128xf32>
    %logistic3A_47 = arith.addf %logistic3A_46, %logistic3A_44 : vector<4x128xf32>
    %logistic3A_48 = arith.divf %logistic3A_46, %logistic3A_47 : vector<4x128xf32>
    %slice3A_49 = vector.extract_strided_slice %slice3A {offsets = [0, 128], sizes = [4, 128], strides = [1, 1]} : vector<4x384xf32> to vector<4x128xf32>
    %slice3A_50 = vector.extract_strided_slice %add3A_40 {offsets = [0, 128], sizes = [4, 128], strides = [1, 1]} : vector<4x384xf32> to vector<4x128xf32>
    %add3A_51 = arith.addf %slice3A_49, %slice3A_50 : vector<4x128xf32>
    %logistic3A_52 = arith.negf %add3A_51 : vector<4x128xf32>
    %logistic3A_53 = math.exp %logistic3A_52 : vector<4x128xf32>
    %logistic3A_54 = arith.constant 1.000000e+00 : f32
    %logistic3A_55 = vector.broadcast %logistic3A_54 : f32 to vector<4x128xf32>
    %logistic3A_56 = arith.addf %logistic3A_55, %logistic3A_53 : vector<4x128xf32>
    %logistic3A_57 = arith.divf %logistic3A_55, %logistic3A_56 : vector<4x128xf32>
    %slice3A_58 = vector.extract_strided_slice %slice3A {offsets = [0, 256], sizes = [4, 128], strides = [1, 1]} : vector<4x384xf32> to vector<4x128xf32>
    %slice3A_59 = vector.extract_strided_slice %add3A_40 {offsets = [0, 256], sizes = [4, 128], strides = [1, 1]} : vector<4x384xf32> to vector<4x128xf32>
    %mul3A_60 = arith.mulf %logistic3A_48, %slice3A_59 : vector<4x128xf32>
    %add3A_61 = arith.addf %slice3A_58, %mul3A_60 : vector<4x128xf32>
    %tanh3A = math.tanh %add3A_61 : vector<4x128xf32>
    %sub3A = arith.constant 1.000000e+00 : f32
    %sub3A_62 = vector.broadcast %sub3A : f32 to vector<4x128xf32>
    %sub3A_63 = arith.subf %sub3A_62, %logistic3A_57 : vector<4x128xf32>
    %mul3A_64 = arith.mulf %sub3A_63, %tanh3A : vector<4x128xf32>
    %mul3A_65 = arith.mulf %logistic3A_57, %broadcast_in_dim3A_36 : vector<4x128xf32>
    %add3A_66 = arith.addf %mul3A_64, %mul3A_65 : vector<4x128xf32>
    %slice3A_67 = vector.extract_strided_slice %add3A_29 {offsets = [4, 0], sizes = [4, 384], strides = [1, 1]} : vector<128x384xf32> to vector<4x384xf32>
    %dot_general3A_68 = arith.constant dense<0.000000e+00> : vector<4x384xf32>
    %dot_general3A_69 = tpu.matmul %add3A_66, %get3A_32, %dot_general3A_68 {dimension_numbers = #tpu.dot_dimension_numbers<[1], [1], [0], [0], [0, 0, 1, 0], [], []>, transpose_lhs_hint = false} : vector<4x128xf32>, vector<384x128xf32>, vector<4x384xf32> -> vector<4x384xf32>
    %add3A_70 = vector.broadcast %get3A_35 : vector<1x384xf32> to vector<4x384xf32>
    %add3A_71 = arith.addf %dot_general3A_69, %add3A_70 : vector<4x384xf32>
    %slice3A_72 = vector.extract_strided_slice %slice3A_67 {offsets = [0, 0], sizes = [4, 128], strides = [1, 1]} : vector<4x384xf32> to vector<4x128xf32>
    %slice3A_73 = vector.extract_strided_slice %add3A_71 {offsets = [0, 0], sizes = [4, 128], strides = [1, 1]} : vector<4x384xf32> to vector<4x128xf32>
    %add3A_74 = arith.addf %slice3A_72, %slice3A_73 : vector<4x128xf32>
    %logistic3A_75 = arith.negf %add3A_74 : vector<4x128xf32>
    %logistic3A_76 = math.exp %logistic3A_75 : vector<4x128xf32>
    %logistic3A_77 = arith.constant 1.000000e+00 : f32
    %logistic3A_78 = vector.broadcast %logistic3A_77 : f32 to vector<4x128xf32>
    %logistic3A_79 = arith.addf %logistic3A_78, %logistic3A_76 : vector<4x128xf32>
    %logistic3A_80 = arith.divf %logistic3A_78, %logistic3A_79 : vector<4x128xf32>
    %slice3A_81 = vector.extract_strided_slice %slice3A_67 {offsets = [0, 128], sizes = [4, 128], strides = [1, 1]} : vector<4x384xf32> to vector<4x128xf32>
    %slice3A_82 = vector.extract_strided_slice %add3A_71 {offsets = [0, 128], sizes = [4, 128], strides = [1, 1]} : vector<4x384xf32> to vector<4x128xf32>
    %add3A_83 = arith.addf %slice3A_81, %slice3A_82 : vector<4x128xf32>
    %logistic3A_84 = arith.negf %add3A_83 : vector<4x128xf32>
    %logistic3A_85 = math.exp %logistic3A_84 : vector<4x128xf32>
    %logistic3A_86 = arith.constant 1.000000e+00 : f32
    %logistic3A_87 = vector.broadcast %logistic3A_86 : f32 to vector<4x128xf32>
    %logistic3A_88 = arith.addf %logistic3A_87, %logistic3A_85 : vector<4x128xf32>
    %logistic3A_89 = arith.divf %logistic3A_87, %logistic3A_88 : vector<4x128xf32>
    %slice3A_90 = vector.extract_strided_slice %slice3A_67 {offsets = [0, 256], sizes = [4, 128], strides = [1, 1]} : vector<4x384xf32> to vector<4x128xf32>
    %slice3A_91 = vector.extract_strided_slice %add3A_71 {offsets = [0, 256], sizes = [4, 128], strides = [1, 1]} : vector<4x384xf32> to vector<4x128xf32>
    %mul3A_92 = arith.mulf %logistic3A_80, %slice3A_91 : vector<4x128xf32>
    %add3A_93 = arith.addf %slice3A_90, %mul3A_92 : vector<4x128xf32>
    %tanh3A_94 = math.tanh %add3A_93 : vector<4x128xf32>
    %sub3A_95 = arith.constant 1.000000e+00 : f32
    %sub3A_96 = vector.broadcast %sub3A_95 : f32 to vector<4x128xf32>
    %sub3A_97 = arith.subf %sub3A_96, %logistic3A_89 : vector<4x128xf32>
    %mul3A_98 = arith.mulf %sub3A_97, %tanh3A_94 : vector<4x128xf32>
    %mul3A_99 = arith.mulf %logistic3A_89, %add3A_66 : vector<4x128xf32>
    %add3A_100 = arith.addf %mul3A_98, %mul3A_99 : vector<4x128xf32>
    %slice3A_101 = vector.extract_strided_slice %add3A_29 {offsets = [8, 0], sizes = [4, 384], strides = [1, 1]} : vector<128x384xf32> to vector<4x384xf32>
    %dot_general3A_102 = arith.constant dense<0.000000e+00> : vector<4x384xf32>
    %dot_general3A_103 = tpu.matmul %add3A_100, %get3A_32, %dot_general3A_102 {dimension_numbers = #tpu.dot_dimension_numbers<[1], [1], [0], [0], [0, 0, 1, 0], [], []>, transpose_lhs_hint = false} : vector<4x128xf32>, vector<384x128xf32>, vector<4x384xf32> -> vector<4x384xf32>
    %add3A_104 = vector.broadcast %get3A_35 : vector<1x384xf32> to vector<4x384xf32>
    %add3A_105 = arith.addf %dot_general3A_103, %add3A_104 : vector<4x384xf32>
    %slice3A_106 = vector.extract_strided_slice %slice3A_101 {offsets = [0, 0], sizes = [4, 128], strides = [1, 1]} : vector<4x384xf32> to vector<4x128xf32>
    %slice3A_107 = vector.extract_strided_slice %add3A_105 {offsets = [0, 0], sizes = [4, 128], strides = [1, 1]} : vector<4x384xf32> to vector<4x128xf32>
    %add3A_108 = arith.addf %slice3A_106, %slice3A_107 : vector<4x128xf32>
    %logistic3A_109 = arith.negf %add3A_108 : vector<4x128xf32>
    %logistic3A_110 = math.exp %logistic3A_109 : vector<4x128xf32>
    %logistic3A_111 = arith.constant 1.000000e+00 : f32
    %logistic3A_112 = vector.broadcast %logistic3A_111 : f32 to vector<4x128xf32>
    %logistic3A_113 = arith.addf %logistic3A_112, %logistic3A_110 : vector<4x128xf32>
    %logistic3A_114 = arith.divf %logistic3A_112, %logistic3A_113 : vector<4x128xf32>
    %slice3A_115 = vector.extract_strided_slice %slice3A_101 {offsets = [0, 128], sizes = [4, 128], strides = [1, 1]} : vector<4x384xf32> to vector<4x128xf32>
    %slice3A_116 = vector.extract_strided_slice %add3A_105 {offsets = [0, 128], sizes = [4, 128], strides = [1, 1]} : vector<4x384xf32> to vector<4x128xf32>
    %add3A_117 = arith.addf %slice3A_115, %slice3A_116 : vector<4x128xf32>
    %logistic3A_118 = arith.negf %add3A_117 : vector<4x128xf32>
    %logistic3A_119 = math.exp %logistic3A_118 : vector<4x128xf32>
    %logistic3A_120 = arith.constant 1.000000e+00 : f32
    %logistic3A_121 = vector.broadcast %logistic3A_120 : f32 to vector<4x128xf32>
    %logistic3A_122 = arith.addf %logistic3A_121, %logistic3A_119 : vector<4x128xf32>
    %logistic3A_123 = arith.divf %logistic3A_121, %logistic3A_122 : vector<4x128xf32>
    %slice3A_124 = vector.extract_strided_slice %slice3A_101 {offsets = [0, 256], sizes = [4, 128], strides = [1, 1]} : vector<4x384xf32> to vector<4x128xf32>
    %slice3A_125 = vector.extract_strided_slice %add3A_105 {offsets = [0, 256], sizes = [4, 128], strides = [1, 1]} : vector<4x384xf32> to vector<4x128xf32>
    %mul3A_126 = arith.mulf %logistic3A_114, %slice3A_125 : vector<4x128xf32>
    %add3A_127 = arith.addf %slice3A_124, %mul3A_126 : vector<4x128xf32>
    %tanh3A_128 = math.tanh %add3A_127 : vector<4x128xf32>
    %sub3A_129 = arith.constant 1.000000e+00 : f32
    %sub3A_130 = vector.broadcast %sub3A_129 : f32 to vector<4x128xf32>
    %sub3A_131 = arith.subf %sub3A_130, %logistic3A_123 : vector<4x128xf32>
    %mul3A_132 = arith.mulf %sub3A_131, %tanh3A_128 : vector<4x128xf32>
    %mul3A_133 = arith.mulf %logistic3A_123, %add3A_100 : vector<4x128xf32>
    %add3A_134 = arith.addf %mul3A_132, %mul3A_133 : vector<4x128xf32>
    %slice3A_135 = vector.extract_strided_slice %add3A_29 {offsets = [12, 0], sizes = [4, 384], strides = [1, 1]} : vector<128x384xf32> to vector<4x384xf32>
    %dot_general3A_136 = arith.constant dense<0.000000e+00> : vector<4x384xf32>
    %dot_general3A_137 = tpu.matmul %add3A_134, %get3A_32, %dot_general3A_136 {dimension_numbers = #tpu.dot_dimension_numbers<[1], [1], [0], [0], [0, 0, 1, 0], [], []>, transpose_lhs_hint = false} : vector<4x128xf32>, vector<384x128xf32>, vector<4x384xf32> -> vector<4x384xf32>
    %add3A_138 = vector.broadcast %get3A_35 : vector<1x384xf32> to vector<4x384xf32>
    %add3A_139 = arith.addf %dot_general3A_137, %add3A_138 : vector<4x384xf32>
    %slice3A_140 = vector.extract_strided_slice %slice3A_135 {offsets = [0, 0], sizes = [4, 128], strides = [1, 1]} : vector<4x384xf32> to vector<4x128xf32>
    %slice3A_141 = vector.extract_strided_slice %add3A_139 {offsets = [0, 0], sizes = [4, 128], strides = [1, 1]} : vector<4x384xf32> to vector<4x128xf32>
    %add3A_142 = arith.addf %slice3A_140, %slice3A_141 : vector<4x128xf32>
    %logistic3A_143 = arith.negf %add3A_142 : vector<4x128xf32>
    %logistic3A_144 = math.exp %logistic3A_143 : vector<4x128xf32>
    %logistic3A_145 = arith.constant 1.000000e+00 : f32
    %logistic3A_146 = vector.broadcast %logistic3A_145 : f32 to vector<4x128xf32>
    %logistic3A_147 = arith.addf %logistic3A_146, %logistic3A_144 : vector<4x128xf32>
    %logistic3A_148 = arith.divf %logistic3A_146, %logistic3A_147 : vector<4x128xf32>
    %slice3A_149 = vector.extract_strided_slice %slice3A_135 {offsets = [0, 128], sizes = [4, 128], strides = [1, 1]} : vector<4x384xf32> to vector<4x128xf32>
    %slice3A_150 = vector.extract_strided_slice %add3A_139 {offsets = [0, 128], sizes = [4, 128], strides = [1, 1]} : vector<4x384xf32> to vector<4x128xf32>
    %add3A_151 = arith.addf %slice3A_149, %slice3A_150 : vector<4x128xf32>
    %logistic3A_152 = arith.negf %add3A_151 : vector<4x128xf32>
    %logistic3A_153 = math.exp %logistic3A_152 : vector<4x128xf32>
    %logistic3A_154 = arith.constant 1.000000e+00 : f32
    %logistic3A_155 = vector.broadcast %logistic3A_154 : f32 to vector<4x128xf32>
    %logistic3A_156 = arith.addf %logistic3A_155, %logistic3A_153 : vector<4x128xf32>
    %logistic3A_157 = arith.divf %logistic3A_155, %logistic3A_156 : vector<4x128xf32>
    %slice3A_158 = vector.extract_strided_slice %slice3A_135 {offsets = [0, 256], sizes = [4, 128], strides = [1, 1]} : vector<4x384xf32> to vector<4x128xf32>
    %slice3A_159 = vector.extract_strided_slice %add3A_139 {offsets = [0, 256], sizes = [4, 128], strides = [1, 1]} : vector<4x384xf32> to vector<4x128xf32>
    %mul3A_160 = arith.mulf %logistic3A_148, %slice3A_159 : vector<4x128xf32>
    %add3A_161 = arith.addf %slice3A_158, %mul3A_160 : vector<4x128xf32>
    %tanh3A_162 = math.tanh %add3A_161 : vector<4x128xf32>
    %sub3A_163 = arith.constant 1.000000e+00 : f32
    %sub3A_164 = vector.broadcast %sub3A_163 : f32 to vector<4x128xf32>
    %sub3A_165 = arith.subf %sub3A_164, %logistic3A_157 : vector<4x128xf32>
    %mul3A_166 = arith.mulf %sub3A_165, %tanh3A_162 : vector<4x128xf32>
    %mul3A_167 = arith.mulf %logistic3A_157, %add3A_134 : vector<4x128xf32>
    %add3A_168 = arith.addf %mul3A_166, %mul3A_167 : vector<4x128xf32>
    %slice3A_169 = vector.extract_strided_slice %add3A_29 {offsets = [16, 0], sizes = [4, 384], strides = [1, 1]} : vector<128x384xf32> to vector<4x384xf32>
    %dot_general3A_170 = arith.constant dense<0.000000e+00> : vector<4x384xf32>
    %dot_general3A_171 = tpu.matmul %add3A_168, %get3A_32, %dot_general3A_170 {dimension_numbers = #tpu.dot_dimension_numbers<[1], [1], [0], [0], [0, 0, 1, 0], [], []>, transpose_lhs_hint = false} : vector<4x128xf32>, vector<384x128xf32>, vector<4x384xf32> -> vector<4x384xf32>
    %add3A_172 = vector.broadcast %get3A_35 : vector<1x384xf32> to vector<4x384xf32>
    %add3A_173 = arith.addf %dot_general3A_171, %add3A_172 : vector<4x384xf32>
    %slice3A_174 = vector.extract_strided_slice %slice3A_169 {offsets = [0, 0], sizes = [4, 128], strides = [1, 1]} : vector<4x384xf32> to vector<4x128xf32>
    %slice3A_175 = vector.extract_strided_slice %add3A_173 {offsets = [0, 0], sizes = [4, 128], strides = [1, 1]} : vector<4x384xf32> to vector<4x128xf32>
    %add3A_176 = arith.addf %slice3A_174, %slice3A_175 : vector<4x128xf32>
    %logistic3A_177 = arith.negf %add3A_176 : vector<4x128xf32>
    %logistic3A_178 = math.exp %logistic3A_177 : vector<4x128xf32>
    %logistic3A_179 = arith.constant 1.000000e+00 : f32
    %logistic3A_180 = vector.broadcast %logistic3A_179 : f32 to vector<4x128xf32>
    %logistic3A_181 = arith.addf %logistic3A_180, %logistic3A_178 : vector<4x128xf32>
    %logistic3A_182 = arith.divf %logistic3A_180, %logistic3A_181 : vector<4x128xf32>
    %slice3A_183 = vector.extract_strided_slice %slice3A_169 {offsets = [0, 128], sizes = [4, 128], strides = [1, 1]} : vector<4x384xf32> to vector<4x128xf32>
    %slice3A_184 = vector.extract_strided_slice %add3A_173 {offsets = [0, 128], sizes = [4, 128], strides = [1, 1]} : vector<4x384xf32> to vector<4x128xf32>
    %add3A_185 = arith.addf %slice3A_183, %slice3A_184 : vector<4x128xf32>
    %logistic3A_186 = arith.negf %add3A_185 : vector<4x128xf32>
    %logistic3A_187 = math.exp %logistic3A_186 : vector<4x128xf32>
    %logistic3A_188 = arith.constant 1.000000e+00 : f32
    %logistic3A_189 = vector.broadcast %logistic3A_188 : f32 to vector<4x128xf32>
    %logistic3A_190 = arith.addf %logistic3A_189, %logistic3A_187 : vector<4x128xf32>
    %logistic3A_191 = arith.divf %logistic3A_189, %logistic3A_190 : vector<4x128xf32>
    %slice3A_192 = vector.extract_strided_slice %slice3A_169 {offsets = [0, 256], sizes = [4, 128], strides = [1, 1]} : vector<4x384xf32> to vector<4x128xf32>
    %slice3A_193 = vector.extract_strided_slice %add3A_173 {offsets = [0, 256], sizes = [4, 128], strides = [1, 1]} : vector<4x384xf32> to vector<4x128xf32>
    %mul3A_194 = arith.mulf %logistic3A_182, %slice3A_193 : vector<4x128xf32>
    %add3A_195 = arith.addf %slice3A_192, %mul3A_194 : vector<4x128xf32>
    %tanh3A_196 = math.tanh %add3A_195 : vector<4x128xf32>
    %sub3A_197 = arith.constant 1.000000e+00 : f32
    %sub3A_198 = vector.broadcast %sub3A_197 : f32 to vector<4x128xf32>
    %sub3A_199 = arith.subf %sub3A_198, %logistic3A_191 : vector<4x128xf32>
    %mul3A_200 = arith.mulf %sub3A_199, %tanh3A_196 : vector<4x128xf32>
    %mul3A_201 = arith.mulf %logistic3A_191, %add3A_168 : vector<4x128xf32>
    %add3A_202 = arith.addf %mul3A_200, %mul3A_201 : vector<4x128xf32>
    %slice3A_203 = vector.extract_strided_slice %add3A_29 {offsets = [20, 0], sizes = [4, 384], strides = [1, 1]} : vector<128x384xf32> to vector<4x384xf32>
    %dot_general3A_204 = arith.constant dense<0.000000e+00> : vector<4x384xf32>
    %dot_general3A_205 = tpu.matmul %add3A_202, %get3A_32, %dot_general3A_204 {dimension_numbers = #tpu.dot_dimension_numbers<[1], [1], [0], [0], [0, 0, 1, 0], [], []>, transpose_lhs_hint = false} : vector<4x128xf32>, vector<384x128xf32>, vector<4x384xf32> -> vector<4x384xf32>
    %add3A_206 = vector.broadcast %get3A_35 : vector<1x384xf32> to vector<4x384xf32>
    %add3A_207 = arith.addf %dot_general3A_205, %add3A_206 : vector<4x384xf32>
    %slice3A_208 = vector.extract_strided_slice %slice3A_203 {offsets = [0, 0], sizes = [4, 128], strides = [1, 1]} : vector<4x384xf32> to vector<4x128xf32>
    %slice3A_209 = vector.extract_strided_slice %add3A_207 {offsets = [0, 0], sizes = [4, 128], strides = [1, 1]} : vector<4x384xf32> to vector<4x128xf32>
    %add3A_210 = arith.addf %slice3A_208, %slice3A_209 : vector<4x128xf32>
    %logistic3A_211 = arith.negf %add3A_210 : vector<4x128xf32>
    %logistic3A_212 = math.exp %logistic3A_211 : vector<4x128xf32>
    %logistic3A_213 = arith.constant 1.000000e+00 : f32
    %logistic3A_214 = vector.broadcast %logistic3A_213 : f32 to vector<4x128xf32>
    %logistic3A_215 = arith.addf %logistic3A_214, %logistic3A_212 : vector<4x128xf32>
    %logistic3A_216 = arith.divf %logistic3A_214, %logistic3A_215 : vector<4x128xf32>
    %slice3A_217 = vector.extract_strided_slice %slice3A_203 {offsets = [0, 128], sizes = [4, 128], strides = [1, 1]} : vector<4x384xf32> to vector<4x128xf32>
    %slice3A_218 = vector.extract_strided_slice %add3A_207 {offsets = [0, 128], sizes = [4, 128], strides = [1, 1]} : vector<4x384xf32> to vector<4x128xf32>
    %add3A_219 = arith.addf %slice3A_217, %slice3A_218 : vector<4x128xf32>
    %logistic3A_220 = arith.negf %add3A_219 : vector<4x128xf32>
    %logistic3A_221 = math.exp %logistic3A_220 : vector<4x128xf32>
    %logistic3A_222 = arith.constant 1.000000e+00 : f32
    %logistic3A_223 = vector.broadcast %logistic3A_222 : f32 to vector<4x128xf32>
    %logistic3A_224 = arith.addf %logistic3A_223, %logistic3A_221 : vector<4x128xf32>
    %logistic3A_225 = arith.divf %logistic3A_223, %logistic3A_224 : vector<4x128xf32>
    %slice3A_226 = vector.extract_strided_slice %slice3A_203 {offsets = [0, 256], sizes = [4, 128], strides = [1, 1]} : vector<4x384xf32> to vector<4x128xf32>
    %slice3A_227 = vector.extract_strided_slice %add3A_207 {offsets = [0, 256], sizes = [4, 128], strides = [1, 1]} : vector<4x384xf32> to vector<4x128xf32>
    %mul3A_228 = arith.mulf %logistic3A_216, %slice3A_227 : vector<4x128xf32>
    %add3A_229 = arith.addf %slice3A_226, %mul3A_228 : vector<4x128xf32>
    %tanh3A_230 = math.tanh %add3A_229 : vector<4x128xf32>
    %sub3A_231 = arith.constant 1.000000e+00 : f32
    %sub3A_232 = vector.broadcast %sub3A_231 : f32 to vector<4x128xf32>
    %sub3A_233 = arith.subf %sub3A_232, %logistic3A_225 : vector<4x128xf32>
    %mul3A_234 = arith.mulf %sub3A_233, %tanh3A_230 : vector<4x128xf32>
    %mul3A_235 = arith.mulf %logistic3A_225, %add3A_202 : vector<4x128xf32>
    %add3A_236 = arith.addf %mul3A_234, %mul3A_235 : vector<4x128xf32>
    %slice3A_237 = vector.extract_strided_slice %add3A_29 {offsets = [24, 0], sizes = [4, 384], strides = [1, 1]} : vector<128x384xf32> to vector<4x384xf32>
    %dot_general3A_238 = arith.constant dense<0.000000e+00> : vector<4x384xf32>
    %dot_general3A_239 = tpu.matmul %add3A_236, %get3A_32, %dot_general3A_238 {dimension_numbers = #tpu.dot_dimension_numbers<[1], [1], [0], [0], [0, 0, 1, 0], [], []>, transpose_lhs_hint = false} : vector<4x128xf32>, vector<384x128xf32>, vector<4x384xf32> -> vector<4x384xf32>
    %add3A_240 = vector.broadcast %get3A_35 : vector<1x384xf32> to vector<4x384xf32>
    %add3A_241 = arith.addf %dot_general3A_239, %add3A_240 : vector<4x384xf32>
    %slice3A_242 = vector.extract_strided_slice %slice3A_237 {offsets = [0, 0], sizes = [4, 128], strides = [1, 1]} : vector<4x384xf32> to vector<4x128xf32>
    %slice3A_243 = vector.extract_strided_slice %add3A_241 {offsets = [0, 0], sizes = [4, 128], strides = [1, 1]} : vector<4x384xf32> to vector<4x128xf32>
    %add3A_244 = arith.addf %slice3A_242, %slice3A_243 : vector<4x128xf32>
    %logistic3A_245 = arith.negf %add3A_244 : vector<4x128xf32>
    %logistic3A_246 = math.exp %logistic3A_245 : vector<4x128xf32>
    %logistic3A_247 = arith.constant 1.000000e+00 : f32
    %logistic3A_248 = vector.broadcast %logistic3A_247 : f32 to vector<4x128xf32>
    %logistic3A_249 = arith.addf %logistic3A_248, %logistic3A_246 : vector<4x128xf32>
    %logistic3A_250 = arith.divf %logistic3A_248, %logistic3A_249 : vector<4x128xf32>
    %slice3A_251 = vector.extract_strided_slice %slice3A_237 {offsets = [0, 128], sizes = [4, 128], strides = [1, 1]} : vector<4x384xf32> to vector<4x128xf32>
    %slice3A_252 = vector.extract_strided_slice %add3A_241 {offsets = [0, 128], sizes = [4, 128], strides = [1, 1]} : vector<4x384xf32> to vector<4x128xf32>
    %add3A_253 = arith.addf %slice3A_251, %slice3A_252 : vector<4x128xf32>
    %logistic3A_254 = arith.negf %add3A_253 : vector<4x128xf32>
    %logistic3A_255 = math.exp %logistic3A_254 : vector<4x128xf32>
    %logistic3A_256 = arith.constant 1.000000e+00 : f32
    %logistic3A_257 = vector.broadcast %logistic3A_256 : f32 to vector<4x128xf32>
    %logistic3A_258 = arith.addf %logistic3A_257, %logistic3A_255 : vector<4x128xf32>
    %logistic3A_259 = arith.divf %logistic3A_257, %logistic3A_258 : vector<4x128xf32>
    %slice3A_260 = vector.extract_strided_slice %slice3A_237 {offsets = [0, 256], sizes = [4, 128], strides = [1, 1]} : vector<4x384xf32> to vector<4x128xf32>
    %slice3A_261 = vector.extract_strided_slice %add3A_241 {offsets = [0, 256], sizes = [4, 128], strides = [1, 1]} : vector<4x384xf32> to vector<4x128xf32>
    %mul3A_262 = arith.mulf %logistic3A_250, %slice3A_261 : vector<4x128xf32>
    %add3A_263 = arith.addf %slice3A_260, %mul3A_262 : vector<4x128xf32>
    %tanh3A_264 = math.tanh %add3A_263 : vector<4x128xf32>
    %sub3A_265 = arith.constant 1.000000e+00 : f32
    %sub3A_266 = vector.broadcast %sub3A_265 : f32 to vector<4x128xf32>
    %sub3A_267 = arith.subf %sub3A_266, %logistic3A_259 : vector<4x128xf32>
    %mul3A_268 = arith.mulf %sub3A_267, %tanh3A_264 : vector<4x128xf32>
    %mul3A_269 = arith.mulf %logistic3A_259, %add3A_236 : vector<4x128xf32>
    %add3A_270 = arith.addf %mul3A_268, %mul3A_269 : vector<4x128xf32>
    %slice3A_271 = vector.extract_strided_slice %add3A_29 {offsets = [28, 0], sizes = [4, 384], strides = [1, 1]} : vector<128x384xf32> to vector<4x384xf32>
    %dot_general3A_272 = arith.constant dense<0.000000e+00> : vector<4x384xf32>
    %dot_general3A_273 = tpu.matmul %add3A_270, %get3A_32, %dot_general3A_272 {dimension_numbers = #tpu.dot_dimension_numbers<[1], [1], [0], [0], [0, 0, 1, 0], [], []>, transpose_lhs_hint = false} : vector<4x128xf32>, vector<384x128xf32>, vector<4x384xf32> -> vector<4x384xf32>
    %add3A_274 = vector.broadcast %get3A_35 : vector<1x384xf32> to vector<4x384xf32>
    %add3A_275 = arith.addf %dot_general3A_273, %add3A_274 : vector<4x384xf32>
    %slice3A_276 = vector.extract_strided_slice %slice3A_271 {offsets = [0, 0], sizes = [4, 128], strides = [1, 1]} : vector<4x384xf32> to vector<4x128xf32>
    %slice3A_277 = vector.extract_strided_slice %add3A_275 {offsets = [0, 0], sizes = [4, 128], strides = [1, 1]} : vector<4x384xf32> to vector<4x128xf32>
    %add3A_278 = arith.addf %slice3A_276, %slice3A_277 : vector<4x128xf32>
    %logistic3A_279 = arith.negf %add3A_278 : vector<4x128xf32>
    %logistic3A_280 = math.exp %logistic3A_279 : vector<4x128xf32>
    %logistic3A_281 = arith.constant 1.000000e+00 : f32
    %logistic3A_282 = vector.broadcast %logistic3A_281 : f32 to vector<4x128xf32>
    %logistic3A_283 = arith.addf %logistic3A_282, %logistic3A_280 : vector<4x128xf32>
    %logistic3A_284 = arith.divf %logistic3A_282, %logistic3A_283 : vector<4x128xf32>
    %slice3A_285 = vector.extract_strided_slice %slice3A_271 {offsets = [0, 128], sizes = [4, 128], strides = [1, 1]} : vector<4x384xf32> to vector<4x128xf32>
    %slice3A_286 = vector.extract_strided_slice %add3A_275 {offsets = [0, 128], sizes = [4, 128], strides = [1, 1]} : vector<4x384xf32> to vector<4x128xf32>
    %add3A_287 = arith.addf %slice3A_285, %slice3A_286 : vector<4x128xf32>
    %logistic3A_288 = arith.negf %add3A_287 : vector<4x128xf32>
    %logistic3A_289 = math.exp %logistic3A_288 : vector<4x128xf32>
    %logistic3A_290 = arith.constant 1.000000e+00 : f32
    %logistic3A_291 = vector.broadcast %logistic3A_290 : f32 to vector<4x128xf32>
    %logistic3A_292 = arith.addf %logistic3A_291, %logistic3A_289 : vector<4x128xf32>
    %logistic3A_293 = arith.divf %logistic3A_291, %logistic3A_292 : vector<4x128xf32>
    %slice3A_294 = vector.extract_strided_slice %slice3A_271 {offsets = [0, 256], sizes = [4, 128], strides = [1, 1]} : vector<4x384xf32> to vector<4x128xf32>
    %slice3A_295 = vector.extract_strided_slice %add3A_275 {offsets = [0, 256], sizes = [4, 128], strides = [1, 1]} : vector<4x384xf32> to vector<4x128xf32>
    %mul3A_296 = arith.mulf %logistic3A_284, %slice3A_295 : vector<4x128xf32>
    %add3A_297 = arith.addf %slice3A_294, %mul3A_296 : vector<4x128xf32>
    %tanh3A_298 = math.tanh %add3A_297 : vector<4x128xf32>
    %sub3A_299 = arith.constant 1.000000e+00 : f32
    %sub3A_300 = vector.broadcast %sub3A_299 : f32 to vector<4x128xf32>
    %sub3A_301 = arith.subf %sub3A_300, %logistic3A_293 : vector<4x128xf32>
    %mul3A_302 = arith.mulf %sub3A_301, %tanh3A_298 : vector<4x128xf32>
    %mul3A_303 = arith.mulf %logistic3A_293, %add3A_270 : vector<4x128xf32>
    %add3A_304 = arith.addf %mul3A_302, %mul3A_303 : vector<4x128xf32>
    %slice3A_305 = vector.extract_strided_slice %add3A_29 {offsets = [32, 0], sizes = [4, 384], strides = [1, 1]} : vector<128x384xf32> to vector<4x384xf32>
    %dot_general3A_306 = arith.constant dense<0.000000e+00> : vector<4x384xf32>
    %dot_general3A_307 = tpu.matmul %add3A_304, %get3A_32, %dot_general3A_306 {dimension_numbers = #tpu.dot_dimension_numbers<[1], [1], [0], [0], [0, 0, 1, 0], [], []>, transpose_lhs_hint = false} : vector<4x128xf32>, vector<384x128xf32>, vector<4x384xf32> -> vector<4x384xf32>
    %add3A_308 = vector.broadcast %get3A_35 : vector<1x384xf32> to vector<4x384xf32>
    %add3A_309 = arith.addf %dot_general3A_307, %add3A_308 : vector<4x384xf32>
    %slice3A_310 = vector.extract_strided_slice %slice3A_305 {offsets = [0, 0], sizes = [4, 128], strides = [1, 1]} : vector<4x384xf32> to vector<4x128xf32>
    %slice3A_311 = vector.extract_strided_slice %add3A_309 {offsets = [0, 0], sizes = [4, 128], strides = [1, 1]} : vector<4x384xf32> to vector<4x128xf32>
    %add3A_312 = arith.addf %slice3A_310, %slice3A_311 : vector<4x128xf32>
    %logistic3A_313 = arith.negf %add3A_312 : vector<4x128xf32>
    %logistic3A_314 = math.exp %logistic3A_313 : vector<4x128xf32>
    %logistic3A_315 = arith.constant 1.000000e+00 : f32
    %logistic3A_316 = vector.broadcast %logistic3A_315 : f32 to vector<4x128xf32>
    %logistic3A_317 = arith.addf %logistic3A_316, %logistic3A_314 : vector<4x128xf32>
    %logistic3A_318 = arith.divf %logistic3A_316, %logistic3A_317 : vector<4x128xf32>
    %slice3A_319 = vector.extract_strided_slice %slice3A_305 {offsets = [0, 128], sizes = [4, 128], strides = [1, 1]} : vector<4x384xf32> to vector<4x128xf32>
    %slice3A_320 = vector.extract_strided_slice %add3A_309 {offsets = [0, 128], sizes = [4, 128], strides = [1, 1]} : vector<4x384xf32> to vector<4x128xf32>
    %add3A_321 = arith.addf %slice3A_319, %slice3A_320 : vector<4x128xf32>
    %logistic3A_322 = arith.negf %add3A_321 : vector<4x128xf32>
    %logistic3A_323 = math.exp %logistic3A_322 : vector<4x128xf32>
    %logistic3A_324 = arith.constant 1.000000e+00 : f32
    %logistic3A_325 = vector.broadcast %logistic3A_324 : f32 to vector<4x128xf32>
    %logistic3A_326 = arith.addf %logistic3A_325, %logistic3A_323 : vector<4x128xf32>
    %logistic3A_327 = arith.divf %logistic3A_325, %logistic3A_326 : vector<4x128xf32>
    %slice3A_328 = vector.extract_strided_slice %slice3A_305 {offsets = [0, 256], sizes = [4, 128], strides = [1, 1]} : vector<4x384xf32> to vector<4x128xf32>
    %slice3A_329 = vector.extract_strided_slice %add3A_309 {offsets = [0, 256], sizes = [4, 128], strides = [1, 1]} : vector<4x384xf32> to vector<4x128xf32>
    %mul3A_330 = arith.mulf %logistic3A_318, %slice3A_329 : vector<4x128xf32>
    %add3A_331 = arith.addf %slice3A_328, %mul3A_330 : vector<4x128xf32>
    %tanh3A_332 = math.tanh %add3A_331 : vector<4x128xf32>
    %sub3A_333 = arith.constant 1.000000e+00 : f32
    %sub3A_334 = vector.broadcast %sub3A_333 : f32 to vector<4x128xf32>
    %sub3A_335 = arith.subf %sub3A_334, %logistic3A_327 : vector<4x128xf32>
    %mul3A_336 = arith.mulf %sub3A_335, %tanh3A_332 : vector<4x128xf32>
    %mul3A_337 = arith.mulf %logistic3A_327, %add3A_304 : vector<4x128xf32>
    %add3A_338 = arith.addf %mul3A_336, %mul3A_337 : vector<4x128xf32>
    %slice3A_339 = vector.extract_strided_slice %add3A_29 {offsets = [36, 0], sizes = [4, 384], strides = [1, 1]} : vector<128x384xf32> to vector<4x384xf32>
    %dot_general3A_340 = arith.constant dense<0.000000e+00> : vector<4x384xf32>
    %dot_general3A_341 = tpu.matmul %add3A_338, %get3A_32, %dot_general3A_340 {dimension_numbers = #tpu.dot_dimension_numbers<[1], [1], [0], [0], [0, 0, 1, 0], [], []>, transpose_lhs_hint = false} : vector<4x128xf32>, vector<384x128xf32>, vector<4x384xf32> -> vector<4x384xf32>
    %add3A_342 = vector.broadcast %get3A_35 : vector<1x384xf32> to vector<4x384xf32>
    %add3A_343 = arith.addf %dot_general3A_341, %add3A_342 : vector<4x384xf32>
    %slice3A_344 = vector.extract_strided_slice %slice3A_339 {offsets = [0, 0], sizes = [4, 128], strides = [1, 1]} : vector<4x384xf32> to vector<4x128xf32>
    %slice3A_345 = vector.extract_strided_slice %add3A_343 {offsets = [0, 0], sizes = [4, 128], strides = [1, 1]} : vector<4x384xf32> to vector<4x128xf32>
    %add3A_346 = arith.addf %slice3A_344, %slice3A_345 : vector<4x128xf32>
    %logistic3A_347 = arith.negf %add3A_346 : vector<4x128xf32>
    %logistic3A_348 = math.exp %logistic3A_347 : vector<4x128xf32>
    %logistic3A_349 = arith.constant 1.000000e+00 : f32
    %logistic3A_350 = vector.broadcast %logistic3A_349 : f32 to vector<4x128xf32>
    %logistic3A_351 = arith.addf %logistic3A_350, %logistic3A_348 : vector<4x128xf32>
    %logistic3A_352 = arith.divf %logistic3A_350, %logistic3A_351 : vector<4x128xf32>
    %slice3A_353 = vector.extract_strided_slice %slice3A_339 {offsets = [0, 128], sizes = [4, 128], strides = [1, 1]} : vector<4x384xf32> to vector<4x128xf32>
    %slice3A_354 = vector.extract_strided_slice %add3A_343 {offsets = [0, 128], sizes = [4, 128], strides = [1, 1]} : vector<4x384xf32> to vector<4x128xf32>
    %add3A_355 = arith.addf %slice3A_353, %slice3A_354 : vector<4x128xf32>
    %logistic3A_356 = arith.negf %add3A_355 : vector<4x128xf32>
    %logistic3A_357 = math.exp %logistic3A_356 : vector<4x128xf32>
    %logistic3A_358 = arith.constant 1.000000e+00 : f32
    %logistic3A_359 = vector.broadcast %logistic3A_358 : f32 to vector<4x128xf32>
    %logistic3A_360 = arith.addf %logistic3A_359, %logistic3A_357 : vector<4x128xf32>
    %logistic3A_361 = arith.divf %logistic3A_359, %logistic3A_360 : vector<4x128xf32>
    %slice3A_362 = vector.extract_strided_slice %slice3A_339 {offsets = [0, 256], sizes = [4, 128], strides = [1, 1]} : vector<4x384xf32> to vector<4x128xf32>
    %slice3A_363 = vector.extract_strided_slice %add3A_343 {offsets = [0, 256], sizes = [4, 128], strides = [1, 1]} : vector<4x384xf32> to vector<4x128xf32>
    %mul3A_364 = arith.mulf %logistic3A_352, %slice3A_363 : vector<4x128xf32>
    %add3A_365 = arith.addf %slice3A_362, %mul3A_364 : vector<4x128xf32>
    %tanh3A_366 = math.tanh %add3A_365 : vector<4x128xf32>
    %sub3A_367 = arith.constant 1.000000e+00 : f32
    %sub3A_368 = vector.broadcast %sub3A_367 : f32 to vector<4x128xf32>
    %sub3A_369 = arith.subf %sub3A_368, %logistic3A_361 : vector<4x128xf32>
    %mul3A_370 = arith.mulf %sub3A_369, %tanh3A_366 : vector<4x128xf32>
    %mul3A_371 = arith.mulf %logistic3A_361, %add3A_338 : vector<4x128xf32>
    %add3A_372 = arith.addf %mul3A_370, %mul3A_371 : vector<4x128xf32>
    %slice3A_373 = vector.extract_strided_slice %add3A_29 {offsets = [40, 0], sizes = [4, 384], strides = [1, 1]} : vector<128x384xf32> to vector<4x384xf32>
    %dot_general3A_374 = arith.constant dense<0.000000e+00> : vector<4x384xf32>
    %dot_general3A_375 = tpu.matmul %add3A_372, %get3A_32, %dot_general3A_374 {dimension_numbers = #tpu.dot_dimension_numbers<[1], [1], [0], [0], [0, 0, 1, 0], [], []>, transpose_lhs_hint = false} : vector<4x128xf32>, vector<384x128xf32>, vector<4x384xf32> -> vector<4x384xf32>
    %add3A_376 = vector.broadcast %get3A_35 : vector<1x384xf32> to vector<4x384xf32>
    %add3A_377 = arith.addf %dot_general3A_375, %add3A_376 : vector<4x384xf32>
    %slice3A_378 = vector.extract_strided_slice %slice3A_373 {offsets = [0, 0], sizes = [4, 128], strides = [1, 1]} : vector<4x384xf32> to vector<4x128xf32>
    %slice3A_379 = vector.extract_strided_slice %add3A_377 {offsets = [0, 0], sizes = [4, 128], strides = [1, 1]} : vector<4x384xf32> to vector<4x128xf32>
    %add3A_380 = arith.addf %slice3A_378, %slice3A_379 : vector<4x128xf32>
    %logistic3A_381 = arith.negf %add3A_380 : vector<4x128xf32>
    %logistic3A_382 = math.exp %logistic3A_381 : vector<4x128xf32>
    %logistic3A_383 = arith.constant 1.000000e+00 : f32
    %logistic3A_384 = vector.broadcast %logistic3A_383 : f32 to vector<4x128xf32>
    %logistic3A_385 = arith.addf %logistic3A_384, %logistic3A_382 : vector<4x128xf32>
    %logistic3A_386 = arith.divf %logistic3A_384, %logistic3A_385 : vector<4x128xf32>
    %slice3A_387 = vector.extract_strided_slice %slice3A_373 {offsets = [0, 128], sizes = [4, 128], strides = [1, 1]} : vector<4x384xf32> to vector<4x128xf32>
    %slice3A_388 = vector.extract_strided_slice %add3A_377 {offsets = [0, 128], sizes = [4, 128], strides = [1, 1]} : vector<4x384xf32> to vector<4x128xf32>
    %add3A_389 = arith.addf %slice3A_387, %slice3A_388 : vector<4x128xf32>
    %logistic3A_390 = arith.negf %add3A_389 : vector<4x128xf32>
    %logistic3A_391 = math.exp %logistic3A_390 : vector<4x128xf32>
    %logistic3A_392 = arith.constant 1.000000e+00 : f32
    %logistic3A_393 = vector.broadcast %logistic3A_392 : f32 to vector<4x128xf32>
    %logistic3A_394 = arith.addf %logistic3A_393, %logistic3A_391 : vector<4x128xf32>
    %logistic3A_395 = arith.divf %logistic3A_393, %logistic3A_394 : vector<4x128xf32>
    %slice3A_396 = vector.extract_strided_slice %slice3A_373 {offsets = [0, 256], sizes = [4, 128], strides = [1, 1]} : vector<4x384xf32> to vector<4x128xf32>
    %slice3A_397 = vector.extract_strided_slice %add3A_377 {offsets = [0, 256], sizes = [4, 128], strides = [1, 1]} : vector<4x384xf32> to vector<4x128xf32>
    %mul3A_398 = arith.mulf %logistic3A_386, %slice3A_397 : vector<4x128xf32>
    %add3A_399 = arith.addf %slice3A_396, %mul3A_398 : vector<4x128xf32>
    %tanh3A_400 = math.tanh %add3A_399 : vector<4x128xf32>
    %sub3A_401 = arith.constant 1.000000e+00 : f32
    %sub3A_402 = vector.broadcast %sub3A_401 : f32 to vector<4x128xf32>
    %sub3A_403 = arith.subf %sub3A_402, %logistic3A_395 : vector<4x128xf32>
    %mul3A_404 = arith.mulf %sub3A_403, %tanh3A_400 : vector<4x128xf32>
    %mul3A_405 = arith.mulf %logistic3A_395, %add3A_372 : vector<4x128xf32>
    %add3A_406 = arith.addf %mul3A_404, %mul3A_405 : vector<4x128xf32>
    %slice3A_407 = vector.extract_strided_slice %add3A_29 {offsets = [44, 0], sizes = [4, 384], strides = [1, 1]} : vector<128x384xf32> to vector<4x384xf32>
    %dot_general3A_408 = arith.constant dense<0.000000e+00> : vector<4x384xf32>
    %dot_general3A_409 = tpu.matmul %add3A_406, %get3A_32, %dot_general3A_408 {dimension_numbers = #tpu.dot_dimension_numbers<[1], [1], [0], [0], [0, 0, 1, 0], [], []>, transpose_lhs_hint = false} : vector<4x128xf32>, vector<384x128xf32>, vector<4x384xf32> -> vector<4x384xf32>
    %add3A_410 = vector.broadcast %get3A_35 : vector<1x384xf32> to vector<4x384xf32>
    %add3A_411 = arith.addf %dot_general3A_409, %add3A_410 : vector<4x384xf32>
    %slice3A_412 = vector.extract_strided_slice %slice3A_407 {offsets = [0, 0], sizes = [4, 128], strides = [1, 1]} : vector<4x384xf32> to vector<4x128xf32>
    %slice3A_413 = vector.extract_strided_slice %add3A_411 {offsets = [0, 0], sizes = [4, 128], strides = [1, 1]} : vector<4x384xf32> to vector<4x128xf32>
    %add3A_414 = arith.addf %slice3A_412, %slice3A_413 : vector<4x128xf32>
    %logistic3A_415 = arith.negf %add3A_414 : vector<4x128xf32>
    %logistic3A_416 = math.exp %logistic3A_415 : vector<4x128xf32>
    %logistic3A_417 = arith.constant 1.000000e+00 : f32
    %logistic3A_418 = vector.broadcast %logistic3A_417 : f32 to vector<4x128xf32>
    %logistic3A_419 = arith.addf %logistic3A_418, %logistic3A_416 : vector<4x128xf32>
    %logistic3A_420 = arith.divf %logistic3A_418, %logistic3A_419 : vector<4x128xf32>
    %slice3A_421 = vector.extract_strided_slice %slice3A_407 {offsets = [0, 128], sizes = [4, 128], strides = [1, 1]} : vector<4x384xf32> to vector<4x128xf32>
    %slice3A_422 = vector.extract_strided_slice %add3A_411 {offsets = [0, 128], sizes = [4, 128], strides = [1, 1]} : vector<4x384xf32> to vector<4x128xf32>
    %add3A_423 = arith.addf %slice3A_421, %slice3A_422 : vector<4x128xf32>
    %logistic3A_424 = arith.negf %add3A_423 : vector<4x128xf32>
    %logistic3A_425 = math.exp %logistic3A_424 : vector<4x128xf32>
    %logistic3A_426 = arith.constant 1.000000e+00 : f32
    %logistic3A_427 = vector.broadcast %logistic3A_426 : f32 to vector<4x128xf32>
    %logistic3A_428 = arith.addf %logistic3A_427, %logistic3A_425 : vector<4x128xf32>
    %logistic3A_429 = arith.divf %logistic3A_427, %logistic3A_428 : vector<4x128xf32>
    %slice3A_430 = vector.extract_strided_slice %slice3A_407 {offsets = [0, 256], sizes = [4, 128], strides = [1, 1]} : vector<4x384xf32> to vector<4x128xf32>
    %slice3A_431 = vector.extract_strided_slice %add3A_411 {offsets = [0, 256], sizes = [4, 128], strides = [1, 1]} : vector<4x384xf32> to vector<4x128xf32>
    %mul3A_432 = arith.mulf %logistic3A_420, %slice3A_431 : vector<4x128xf32>
    %add3A_433 = arith.addf %slice3A_430, %mul3A_432 : vector<4x128xf32>
    %tanh3A_434 = math.tanh %add3A_433 : vector<4x128xf32>
    %sub3A_435 = arith.constant 1.000000e+00 : f32
    %sub3A_436 = vector.broadcast %sub3A_435 : f32 to vector<4x128xf32>
    %sub3A_437 = arith.subf %sub3A_436, %logistic3A_429 : vector<4x128xf32>
    %mul3A_438 = arith.mulf %sub3A_437, %tanh3A_434 : vector<4x128xf32>
    %mul3A_439 = arith.mulf %logistic3A_429, %add3A_406 : vector<4x128xf32>
    %add3A_440 = arith.addf %mul3A_438, %mul3A_439 : vector<4x128xf32>
    %slice3A_441 = vector.extract_strided_slice %add3A_29 {offsets = [48, 0], sizes = [4, 384], strides = [1, 1]} : vector<128x384xf32> to vector<4x384xf32>
    %dot_general3A_442 = arith.constant dense<0.000000e+00> : vector<4x384xf32>
    %dot_general3A_443 = tpu.matmul %add3A_440, %get3A_32, %dot_general3A_442 {dimension_numbers = #tpu.dot_dimension_numbers<[1], [1], [0], [0], [0, 0, 1, 0], [], []>, transpose_lhs_hint = false} : vector<4x128xf32>, vector<384x128xf32>, vector<4x384xf32> -> vector<4x384xf32>
    %add3A_444 = vector.broadcast %get3A_35 : vector<1x384xf32> to vector<4x384xf32>
    %add3A_445 = arith.addf %dot_general3A_443, %add3A_444 : vector<4x384xf32>
    %slice3A_446 = vector.extract_strided_slice %slice3A_441 {offsets = [0, 0], sizes = [4, 128], strides = [1, 1]} : vector<4x384xf32> to vector<4x128xf32>
    %slice3A_447 = vector.extract_strided_slice %add3A_445 {offsets = [0, 0], sizes = [4, 128], strides = [1, 1]} : vector<4x384xf32> to vector<4x128xf32>
    %add3A_448 = arith.addf %slice3A_446, %slice3A_447 : vector<4x128xf32>
    %logistic3A_449 = arith.negf %add3A_448 : vector<4x128xf32>
    %logistic3A_450 = math.exp %logistic3A_449 : vector<4x128xf32>
    %logistic3A_451 = arith.constant 1.000000e+00 : f32
    %logistic3A_452 = vector.broadcast %logistic3A_451 : f32 to vector<4x128xf32>
    %logistic3A_453 = arith.addf %logistic3A_452, %logistic3A_450 : vector<4x128xf32>
    %logistic3A_454 = arith.divf %logistic3A_452, %logistic3A_453 : vector<4x128xf32>
    %slice3A_455 = vector.extract_strided_slice %slice3A_441 {offsets = [0, 128], sizes = [4, 128], strides = [1, 1]} : vector<4x384xf32> to vector<4x128xf32>
    %slice3A_456 = vector.extract_strided_slice %add3A_445 {offsets = [0, 128], sizes = [4, 128], strides = [1, 1]} : vector<4x384xf32> to vector<4x128xf32>
    %add3A_457 = arith.addf %slice3A_455, %slice3A_456 : vector<4x128xf32>
    %logistic3A_458 = arith.negf %add3A_457 : vector<4x128xf32>
    %logistic3A_459 = math.exp %logistic3A_458 : vector<4x128xf32>
    %logistic3A_460 = arith.constant 1.000000e+00 : f32
    %logistic3A_461 = vector.broadcast %logistic3A_460 : f32 to vector<4x128xf32>
    %logistic3A_462 = arith.addf %logistic3A_461, %logistic3A_459 : vector<4x128xf32>
    %logistic3A_463 = arith.divf %logistic3A_461, %logistic3A_462 : vector<4x128xf32>
    %slice3A_464 = vector.extract_strided_slice %slice3A_441 {offsets = [0, 256], sizes = [4, 128], strides = [1, 1]} : vector<4x384xf32> to vector<4x128xf32>
    %slice3A_465 = vector.extract_strided_slice %add3A_445 {offsets = [0, 256], sizes = [4, 128], strides = [1, 1]} : vector<4x384xf32> to vector<4x128xf32>
    %mul3A_466 = arith.mulf %logistic3A_454, %slice3A_465 : vector<4x128xf32>
    %add3A_467 = arith.addf %slice3A_464, %mul3A_466 : vector<4x128xf32>
    %tanh3A_468 = math.tanh %add3A_467 : vector<4x128xf32>
    %sub3A_469 = arith.constant 1.000000e+00 : f32
    %sub3A_470 = vector.broadcast %sub3A_469 : f32 to vector<4x128xf32>
    %sub3A_471 = arith.subf %sub3A_470, %logistic3A_463 : vector<4x128xf32>
    %mul3A_472 = arith.mulf %sub3A_471, %tanh3A_468 : vector<4x128xf32>
    %mul3A_473 = arith.mulf %logistic3A_463, %add3A_440 : vector<4x128xf32>
    %add3A_474 = arith.addf %mul3A_472, %mul3A_473 : vector<4x128xf32>
    %slice3A_475 = vector.extract_strided_slice %add3A_29 {offsets = [52, 0], sizes = [4, 384], strides = [1, 1]} : vector<128x384xf32> to vector<4x384xf32>
    %dot_general3A_476 = arith.constant dense<0.000000e+00> : vector<4x384xf32>
    %dot_general3A_477 = tpu.matmul %add3A_474, %get3A_32, %dot_general3A_476 {dimension_numbers = #tpu.dot_dimension_numbers<[1], [1], [0], [0], [0, 0, 1, 0], [], []>, transpose_lhs_hint = false} : vector<4x128xf32>, vector<384x128xf32>, vector<4x384xf32> -> vector<4x384xf32>
    %add3A_478 = vector.broadcast %get3A_35 : vector<1x384xf32> to vector<4x384xf32>
    %add3A_479 = arith.addf %dot_general3A_477, %add3A_478 : vector<4x384xf32>
    %slice3A_480 = vector.extract_strided_slice %slice3A_475 {offsets = [0, 0], sizes = [4, 128], strides = [1, 1]} : vector<4x384xf32> to vector<4x128xf32>
    %slice3A_481 = vector.extract_strided_slice %add3A_479 {offsets = [0, 0], sizes = [4, 128], strides = [1, 1]} : vector<4x384xf32> to vector<4x128xf32>
    %add3A_482 = arith.addf %slice3A_480, %slice3A_481 : vector<4x128xf32>
    %logistic3A_483 = arith.negf %add3A_482 : vector<4x128xf32>
    %logistic3A_484 = math.exp %logistic3A_483 : vector<4x128xf32>
    %logistic3A_485 = arith.constant 1.000000e+00 : f32
    %logistic3A_486 = vector.broadcast %logistic3A_485 : f32 to vector<4x128xf32>
    %logistic3A_487 = arith.addf %logistic3A_486, %logistic3A_484 : vector<4x128xf32>
    %logistic3A_488 = arith.divf %logistic3A_486, %logistic3A_487 : vector<4x128xf32>
    %slice3A_489 = vector.extract_strided_slice %slice3A_475 {offsets = [0, 128], sizes = [4, 128], strides = [1, 1]} : vector<4x384xf32> to vector<4x128xf32>
    %slice3A_490 = vector.extract_strided_slice %add3A_479 {offsets = [0, 128], sizes = [4, 128], strides = [1, 1]} : vector<4x384xf32> to vector<4x128xf32>
    %add3A_491 = arith.addf %slice3A_489, %slice3A_490 : vector<4x128xf32>
    %logistic3A_492 = arith.negf %add3A_491 : vector<4x128xf32>
    %logistic3A_493 = math.exp %logistic3A_492 : vector<4x128xf32>
    %logistic3A_494 = arith.constant 1.000000e+00 : f32
    %logistic3A_495 = vector.broadcast %logistic3A_494 : f32 to vector<4x128xf32>
    %logistic3A_496 = arith.addf %logistic3A_495, %logistic3A_493 : vector<4x128xf32>
    %logistic3A_497 = arith.divf %logistic3A_495, %logistic3A_496 : vector<4x128xf32>
    %slice3A_498 = vector.extract_strided_slice %slice3A_475 {offsets = [0, 256], sizes = [4, 128], strides = [1, 1]} : vector<4x384xf32> to vector<4x128xf32>
    %slice3A_499 = vector.extract_strided_slice %add3A_479 {offsets = [0, 256], sizes = [4, 128], strides = [1, 1]} : vector<4x384xf32> to vector<4x128xf32>
    %mul3A_500 = arith.mulf %logistic3A_488, %slice3A_499 : vector<4x128xf32>
    %add3A_501 = arith.addf %slice3A_498, %mul3A_500 : vector<4x128xf32>
    %tanh3A_502 = math.tanh %add3A_501 : vector<4x128xf32>
    %sub3A_503 = arith.constant 1.000000e+00 : f32
    %sub3A_504 = vector.broadcast %sub3A_503 : f32 to vector<4x128xf32>
    %sub3A_505 = arith.subf %sub3A_504, %logistic3A_497 : vector<4x128xf32>
    %mul3A_506 = arith.mulf %sub3A_505, %tanh3A_502 : vector<4x128xf32>
    %mul3A_507 = arith.mulf %logistic3A_497, %add3A_474 : vector<4x128xf32>
    %add3A_508 = arith.addf %mul3A_506, %mul3A_507 : vector<4x128xf32>
    %slice3A_509 = vector.extract_strided_slice %add3A_29 {offsets = [56, 0], sizes = [4, 384], strides = [1, 1]} : vector<128x384xf32> to vector<4x384xf32>
    %dot_general3A_510 = arith.constant dense<0.000000e+00> : vector<4x384xf32>
    %dot_general3A_511 = tpu.matmul %add3A_508, %get3A_32, %dot_general3A_510 {dimension_numbers = #tpu.dot_dimension_numbers<[1], [1], [0], [0], [0, 0, 1, 0], [], []>, transpose_lhs_hint = false} : vector<4x128xf32>, vector<384x128xf32>, vector<4x384xf32> -> vector<4x384xf32>
    %add3A_512 = vector.broadcast %get3A_35 : vector<1x384xf32> to vector<4x384xf32>
    %add3A_513 = arith.addf %dot_general3A_511, %add3A_512 : vector<4x384xf32>
    %slice3A_514 = vector.extract_strided_slice %slice3A_509 {offsets = [0, 0], sizes = [4, 128], strides = [1, 1]} : vector<4x384xf32> to vector<4x128xf32>
    %slice3A_515 = vector.extract_strided_slice %add3A_513 {offsets = [0, 0], sizes = [4, 128], strides = [1, 1]} : vector<4x384xf32> to vector<4x128xf32>
    %add3A_516 = arith.addf %slice3A_514, %slice3A_515 : vector<4x128xf32>
    %logistic3A_517 = arith.negf %add3A_516 : vector<4x128xf32>
    %logistic3A_518 = math.exp %logistic3A_517 : vector<4x128xf32>
    %logistic3A_519 = arith.constant 1.000000e+00 : f32
    %logistic3A_520 = vector.broadcast %logistic3A_519 : f32 to vector<4x128xf32>
    %logistic3A_521 = arith.addf %logistic3A_520, %logistic3A_518 : vector<4x128xf32>
    %logistic3A_522 = arith.divf %logistic3A_520, %logistic3A_521 : vector<4x128xf32>
    %slice3A_523 = vector.extract_strided_slice %slice3A_509 {offsets = [0, 128], sizes = [4, 128], strides = [1, 1]} : vector<4x384xf32> to vector<4x128xf32>
    %slice3A_524 = vector.extract_strided_slice %add3A_513 {offsets = [0, 128], sizes = [4, 128], strides = [1, 1]} : vector<4x384xf32> to vector<4x128xf32>
    %add3A_525 = arith.addf %slice3A_523, %slice3A_524 : vector<4x128xf32>
    %logistic3A_526 = arith.negf %add3A_525 : vector<4x128xf32>
    %logistic3A_527 = math.exp %logistic3A_526 : vector<4x128xf32>
    %logistic3A_528 = arith.constant 1.000000e+00 : f32
    %logistic3A_529 = vector.broadcast %logistic3A_528 : f32 to vector<4x128xf32>
    %logistic3A_530 = arith.addf %logistic3A_529, %logistic3A_527 : vector<4x128xf32>
    %logistic3A_531 = arith.divf %logistic3A_529, %logistic3A_530 : vector<4x128xf32>
    %slice3A_532 = vector.extract_strided_slice %slice3A_509 {offsets = [0, 256], sizes = [4, 128], strides = [1, 1]} : vector<4x384xf32> to vector<4x128xf32>
    %slice3A_533 = vector.extract_strided_slice %add3A_513 {offsets = [0, 256], sizes = [4, 128], strides = [1, 1]} : vector<4x384xf32> to vector<4x128xf32>
    %mul3A_534 = arith.mulf %logistic3A_522, %slice3A_533 : vector<4x128xf32>
    %add3A_535 = arith.addf %slice3A_532, %mul3A_534 : vector<4x128xf32>
    %tanh3A_536 = math.tanh %add3A_535 : vector<4x128xf32>
    %sub3A_537 = arith.constant 1.000000e+00 : f32
    %sub3A_538 = vector.broadcast %sub3A_537 : f32 to vector<4x128xf32>
    %sub3A_539 = arith.subf %sub3A_538, %logistic3A_531 : vector<4x128xf32>
    %mul3A_540 = arith.mulf %sub3A_539, %tanh3A_536 : vector<4x128xf32>
    %mul3A_541 = arith.mulf %logistic3A_531, %add3A_508 : vector<4x128xf32>
    %add3A_542 = arith.addf %mul3A_540, %mul3A_541 : vector<4x128xf32>
    %slice3A_543 = vector.extract_strided_slice %add3A_29 {offsets = [60, 0], sizes = [4, 384], strides = [1, 1]} : vector<128x384xf32> to vector<4x384xf32>
    %dot_general3A_544 = arith.constant dense<0.000000e+00> : vector<4x384xf32>
    %dot_general3A_545 = tpu.matmul %add3A_542, %get3A_32, %dot_general3A_544 {dimension_numbers = #tpu.dot_dimension_numbers<[1], [1], [0], [0], [0, 0, 1, 0], [], []>, transpose_lhs_hint = false} : vector<4x128xf32>, vector<384x128xf32>, vector<4x384xf32> -> vector<4x384xf32>
    %add3A_546 = vector.broadcast %get3A_35 : vector<1x384xf32> to vector<4x384xf32>
    %add3A_547 = arith.addf %dot_general3A_545, %add3A_546 : vector<4x384xf32>
    %slice3A_548 = vector.extract_strided_slice %slice3A_543 {offsets = [0, 0], sizes = [4, 128], strides = [1, 1]} : vector<4x384xf32> to vector<4x128xf32>
    %slice3A_549 = vector.extract_strided_slice %add3A_547 {offsets = [0, 0], sizes = [4, 128], strides = [1, 1]} : vector<4x384xf32> to vector<4x128xf32>
    %add3A_550 = arith.addf %slice3A_548, %slice3A_549 : vector<4x128xf32>
    %logistic3A_551 = arith.negf %add3A_550 : vector<4x128xf32>
    %logistic3A_552 = math.exp %logistic3A_551 : vector<4x128xf32>
    %logistic3A_553 = arith.constant 1.000000e+00 : f32
    %logistic3A_554 = vector.broadcast %logistic3A_553 : f32 to vector<4x128xf32>
    %logistic3A_555 = arith.addf %logistic3A_554, %logistic3A_552 : vector<4x128xf32>
    %logistic3A_556 = arith.divf %logistic3A_554, %logistic3A_555 : vector<4x128xf32>
    %slice3A_557 = vector.extract_strided_slice %slice3A_543 {offsets = [0, 128], sizes = [4, 128], strides = [1, 1]} : vector<4x384xf32> to vector<4x128xf32>
    %slice3A_558 = vector.extract_strided_slice %add3A_547 {offsets = [0, 128], sizes = [4, 128], strides = [1, 1]} : vector<4x384xf32> to vector<4x128xf32>
    %add3A_559 = arith.addf %slice3A_557, %slice3A_558 : vector<4x128xf32>
    %logistic3A_560 = arith.negf %add3A_559 : vector<4x128xf32>
    %logistic3A_561 = math.exp %logistic3A_560 : vector<4x128xf32>
    %logistic3A_562 = arith.constant 1.000000e+00 : f32
    %logistic3A_563 = vector.broadcast %logistic3A_562 : f32 to vector<4x128xf32>
    %logistic3A_564 = arith.addf %logistic3A_563, %logistic3A_561 : vector<4x128xf32>
    %logistic3A_565 = arith.divf %logistic3A_563, %logistic3A_564 : vector<4x128xf32>
    %slice3A_566 = vector.extract_strided_slice %slice3A_543 {offsets = [0, 256], sizes = [4, 128], strides = [1, 1]} : vector<4x384xf32> to vector<4x128xf32>
    %slice3A_567 = vector.extract_strided_slice %add3A_547 {offsets = [0, 256], sizes = [4, 128], strides = [1, 1]} : vector<4x384xf32> to vector<4x128xf32>
    %mul3A_568 = arith.mulf %logistic3A_556, %slice3A_567 : vector<4x128xf32>
    %add3A_569 = arith.addf %slice3A_566, %mul3A_568 : vector<4x128xf32>
    %tanh3A_570 = math.tanh %add3A_569 : vector<4x128xf32>
    %sub3A_571 = arith.constant 1.000000e+00 : f32
    %sub3A_572 = vector.broadcast %sub3A_571 : f32 to vector<4x128xf32>
    %sub3A_573 = arith.subf %sub3A_572, %logistic3A_565 : vector<4x128xf32>
    %mul3A_574 = arith.mulf %sub3A_573, %tanh3A_570 : vector<4x128xf32>
    %mul3A_575 = arith.mulf %logistic3A_565, %add3A_542 : vector<4x128xf32>
    %add3A_576 = arith.addf %mul3A_574, %mul3A_575 : vector<4x128xf32>
    %slice3A_577 = vector.extract_strided_slice %add3A_29 {offsets = [64, 0], sizes = [4, 384], strides = [1, 1]} : vector<128x384xf32> to vector<4x384xf32>
    %dot_general3A_578 = arith.constant dense<0.000000e+00> : vector<4x384xf32>
    %dot_general3A_579 = tpu.matmul %add3A_576, %get3A_32, %dot_general3A_578 {dimension_numbers = #tpu.dot_dimension_numbers<[1], [1], [0], [0], [0, 0, 1, 0], [], []>, transpose_lhs_hint = false} : vector<4x128xf32>, vector<384x128xf32>, vector<4x384xf32> -> vector<4x384xf32>
    %add3A_580 = vector.broadcast %get3A_35 : vector<1x384xf32> to vector<4x384xf32>
    %add3A_581 = arith.addf %dot_general3A_579, %add3A_580 : vector<4x384xf32>
    %slice3A_582 = vector.extract_strided_slice %slice3A_577 {offsets = [0, 0], sizes = [4, 128], strides = [1, 1]} : vector<4x384xf32> to vector<4x128xf32>
    %slice3A_583 = vector.extract_strided_slice %add3A_581 {offsets = [0, 0], sizes = [4, 128], strides = [1, 1]} : vector<4x384xf32> to vector<4x128xf32>
    %add3A_584 = arith.addf %slice3A_582, %slice3A_583 : vector<4x128xf32>
    %logistic3A_585 = arith.negf %add3A_584 : vector<4x128xf32>
    %logistic3A_586 = math.exp %logistic3A_585 : vector<4x128xf32>
    %logistic3A_587 = arith.constant 1.000000e+00 : f32
    %logistic3A_588 = vector.broadcast %logistic3A_587 : f32 to vector<4x128xf32>
    %logistic3A_589 = arith.addf %logistic3A_588, %logistic3A_586 : vector<4x128xf32>
    %logistic3A_590 = arith.divf %logistic3A_588, %logistic3A_589 : vector<4x128xf32>
    %slice3A_591 = vector.extract_strided_slice %slice3A_577 {offsets = [0, 128], sizes = [4, 128], strides = [1, 1]} : vector<4x384xf32> to vector<4x128xf32>
    %slice3A_592 = vector.extract_strided_slice %add3A_581 {offsets = [0, 128], sizes = [4, 128], strides = [1, 1]} : vector<4x384xf32> to vector<4x128xf32>
    %add3A_593 = arith.addf %slice3A_591, %slice3A_592 : vector<4x128xf32>
    %logistic3A_594 = arith.negf %add3A_593 : vector<4x128xf32>
    %logistic3A_595 = math.exp %logistic3A_594 : vector<4x128xf32>
    %logistic3A_596 = arith.constant 1.000000e+00 : f32
    %logistic3A_597 = vector.broadcast %logistic3A_596 : f32 to vector<4x128xf32>
    %logistic3A_598 = arith.addf %logistic3A_597, %logistic3A_595 : vector<4x128xf32>
    %logistic3A_599 = arith.divf %logistic3A_597, %logistic3A_598 : vector<4x128xf32>
    %slice3A_600 = vector.extract_strided_slice %slice3A_577 {offsets = [0, 256], sizes = [4, 128], strides = [1, 1]} : vector<4x384xf32> to vector<4x128xf32>
    %slice3A_601 = vector.extract_strided_slice %add3A_581 {offsets = [0, 256], sizes = [4, 128], strides = [1, 1]} : vector<4x384xf32> to vector<4x128xf32>
    %mul3A_602 = arith.mulf %logistic3A_590, %slice3A_601 : vector<4x128xf32>
    %add3A_603 = arith.addf %slice3A_600, %mul3A_602 : vector<4x128xf32>
    %tanh3A_604 = math.tanh %add3A_603 : vector<4x128xf32>
    %sub3A_605 = arith.constant 1.000000e+00 : f32
    %sub3A_606 = vector.broadcast %sub3A_605 : f32 to vector<4x128xf32>
    %sub3A_607 = arith.subf %sub3A_606, %logistic3A_599 : vector<4x128xf32>
    %mul3A_608 = arith.mulf %sub3A_607, %tanh3A_604 : vector<4x128xf32>
    %mul3A_609 = arith.mulf %logistic3A_599, %add3A_576 : vector<4x128xf32>
    %add3A_610 = arith.addf %mul3A_608, %mul3A_609 : vector<4x128xf32>
    %slice3A_611 = vector.extract_strided_slice %add3A_29 {offsets = [68, 0], sizes = [4, 384], strides = [1, 1]} : vector<128x384xf32> to vector<4x384xf32>
    %dot_general3A_612 = arith.constant dense<0.000000e+00> : vector<4x384xf32>
    %dot_general3A_613 = tpu.matmul %add3A_610, %get3A_32, %dot_general3A_612 {dimension_numbers = #tpu.dot_dimension_numbers<[1], [1], [0], [0], [0, 0, 1, 0], [], []>, transpose_lhs_hint = false} : vector<4x128xf32>, vector<384x128xf32>, vector<4x384xf32> -> vector<4x384xf32>
    %add3A_614 = vector.broadcast %get3A_35 : vector<1x384xf32> to vector<4x384xf32>
    %add3A_615 = arith.addf %dot_general3A_613, %add3A_614 : vector<4x384xf32>
    %slice3A_616 = vector.extract_strided_slice %slice3A_611 {offsets = [0, 0], sizes = [4, 128], strides = [1, 1]} : vector<4x384xf32> to vector<4x128xf32>
    %slice3A_617 = vector.extract_strided_slice %add3A_615 {offsets = [0, 0], sizes = [4, 128], strides = [1, 1]} : vector<4x384xf32> to vector<4x128xf32>
    %add3A_618 = arith.addf %slice3A_616, %slice3A_617 : vector<4x128xf32>
    %logistic3A_619 = arith.negf %add3A_618 : vector<4x128xf32>
    %logistic3A_620 = math.exp %logistic3A_619 : vector<4x128xf32>
    %logistic3A_621 = arith.constant 1.000000e+00 : f32
    %logistic3A_622 = vector.broadcast %logistic3A_621 : f32 to vector<4x128xf32>
    %logistic3A_623 = arith.addf %logistic3A_622, %logistic3A_620 : vector<4x128xf32>
    %logistic3A_624 = arith.divf %logistic3A_622, %logistic3A_623 : vector<4x128xf32>
    %slice3A_625 = vector.extract_strided_slice %slice3A_611 {offsets = [0, 128], sizes = [4, 128], strides = [1, 1]} : vector<4x384xf32> to vector<4x128xf32>
    %slice3A_626 = vector.extract_strided_slice %add3A_615 {offsets = [0, 128], sizes = [4, 128], strides = [1, 1]} : vector<4x384xf32> to vector<4x128xf32>
    %add3A_627 = arith.addf %slice3A_625, %slice3A_626 : vector<4x128xf32>
    %logistic3A_628 = arith.negf %add3A_627 : vector<4x128xf32>
    %logistic3A_629 = math.exp %logistic3A_628 : vector<4x128xf32>
    %logistic3A_630 = arith.constant 1.000000e+00 : f32
    %logistic3A_631 = vector.broadcast %logistic3A_630 : f32 to vector<4x128xf32>
    %logistic3A_632 = arith.addf %logistic3A_631, %logistic3A_629 : vector<4x128xf32>
    %logistic3A_633 = arith.divf %logistic3A_631, %logistic3A_632 : vector<4x128xf32>
    %slice3A_634 = vector.extract_strided_slice %slice3A_611 {offsets = [0, 256], sizes = [4, 128], strides = [1, 1]} : vector<4x384xf32> to vector<4x128xf32>
    %slice3A_635 = vector.extract_strided_slice %add3A_615 {offsets = [0, 256], sizes = [4, 128], strides = [1, 1]} : vector<4x384xf32> to vector<4x128xf32>
    %mul3A_636 = arith.mulf %logistic3A_624, %slice3A_635 : vector<4x128xf32>
    %add3A_637 = arith.addf %slice3A_634, %mul3A_636 : vector<4x128xf32>
    %tanh3A_638 = math.tanh %add3A_637 : vector<4x128xf32>
    %sub3A_639 = arith.constant 1.000000e+00 : f32
    %sub3A_640 = vector.broadcast %sub3A_639 : f32 to vector<4x128xf32>
    %sub3A_641 = arith.subf %sub3A_640, %logistic3A_633 : vector<4x128xf32>
    %mul3A_642 = arith.mulf %sub3A_641, %tanh3A_638 : vector<4x128xf32>
    %mul3A_643 = arith.mulf %logistic3A_633, %add3A_610 : vector<4x128xf32>
    %add3A_644 = arith.addf %mul3A_642, %mul3A_643 : vector<4x128xf32>
    %slice3A_645 = vector.extract_strided_slice %add3A_29 {offsets = [72, 0], sizes = [4, 384], strides = [1, 1]} : vector<128x384xf32> to vector<4x384xf32>
    %dot_general3A_646 = arith.constant dense<0.000000e+00> : vector<4x384xf32>
    %dot_general3A_647 = tpu.matmul %add3A_644, %get3A_32, %dot_general3A_646 {dimension_numbers = #tpu.dot_dimension_numbers<[1], [1], [0], [0], [0, 0, 1, 0], [], []>, transpose_lhs_hint = false} : vector<4x128xf32>, vector<384x128xf32>, vector<4x384xf32> -> vector<4x384xf32>
    %add3A_648 = vector.broadcast %get3A_35 : vector<1x384xf32> to vector<4x384xf32>
    %add3A_649 = arith.addf %dot_general3A_647, %add3A_648 : vector<4x384xf32>
    %slice3A_650 = vector.extract_strided_slice %slice3A_645 {offsets = [0, 0], sizes = [4, 128], strides = [1, 1]} : vector<4x384xf32> to vector<4x128xf32>
    %slice3A_651 = vector.extract_strided_slice %add3A_649 {offsets = [0, 0], sizes = [4, 128], strides = [1, 1]} : vector<4x384xf32> to vector<4x128xf32>
    %add3A_652 = arith.addf %slice3A_650, %slice3A_651 : vector<4x128xf32>
    %logistic3A_653 = arith.negf %add3A_652 : vector<4x128xf32>
    %logistic3A_654 = math.exp %logistic3A_653 : vector<4x128xf32>
    %logistic3A_655 = arith.constant 1.000000e+00 : f32
    %logistic3A_656 = vector.broadcast %logistic3A_655 : f32 to vector<4x128xf32>
    %logistic3A_657 = arith.addf %logistic3A_656, %logistic3A_654 : vector<4x128xf32>
    %logistic3A_658 = arith.divf %logistic3A_656, %logistic3A_657 : vector<4x128xf32>
    %slice3A_659 = vector.extract_strided_slice %slice3A_645 {offsets = [0, 128], sizes = [4, 128], strides = [1, 1]} : vector<4x384xf32> to vector<4x128xf32>
    %slice3A_660 = vector.extract_strided_slice %add3A_649 {offsets = [0, 128], sizes = [4, 128], strides = [1, 1]} : vector<4x384xf32> to vector<4x128xf32>
    %add3A_661 = arith.addf %slice3A_659, %slice3A_660 : vector<4x128xf32>
    %logistic3A_662 = arith.negf %add3A_661 : vector<4x128xf32>
    %logistic3A_663 = math.exp %logistic3A_662 : vector<4x128xf32>
    %logistic3A_664 = arith.constant 1.000000e+00 : f32
    %logistic3A_665 = vector.broadcast %logistic3A_664 : f32 to vector<4x128xf32>
    %logistic3A_666 = arith.addf %logistic3A_665, %logistic3A_663 : vector<4x128xf32>
    %logistic3A_667 = arith.divf %logistic3A_665, %logistic3A_666 : vector<4x128xf32>
    %slice3A_668 = vector.extract_strided_slice %slice3A_645 {offsets = [0, 256], sizes = [4, 128], strides = [1, 1]} : vector<4x384xf32> to vector<4x128xf32>
    %slice3A_669 = vector.extract_strided_slice %add3A_649 {offsets = [0, 256], sizes = [4, 128], strides = [1, 1]} : vector<4x384xf32> to vector<4x128xf32>
    %mul3A_670 = arith.mulf %logistic3A_658, %slice3A_669 : vector<4x128xf32>
    %add3A_671 = arith.addf %slice3A_668, %mul3A_670 : vector<4x128xf32>
    %tanh3A_672 = math.tanh %add3A_671 : vector<4x128xf32>
    %sub3A_673 = arith.constant 1.000000e+00 : f32
    %sub3A_674 = vector.broadcast %sub3A_673 : f32 to vector<4x128xf32>
    %sub3A_675 = arith.subf %sub3A_674, %logistic3A_667 : vector<4x128xf32>
    %mul3A_676 = arith.mulf %sub3A_675, %tanh3A_672 : vector<4x128xf32>
    %mul3A_677 = arith.mulf %logistic3A_667, %add3A_644 : vector<4x128xf32>
    %add3A_678 = arith.addf %mul3A_676, %mul3A_677 : vector<4x128xf32>
    %slice3A_679 = vector.extract_strided_slice %add3A_29 {offsets = [76, 0], sizes = [4, 384], strides = [1, 1]} : vector<128x384xf32> to vector<4x384xf32>
    %dot_general3A_680 = arith.constant dense<0.000000e+00> : vector<4x384xf32>
    %dot_general3A_681 = tpu.matmul %add3A_678, %get3A_32, %dot_general3A_680 {dimension_numbers = #tpu.dot_dimension_numbers<[1], [1], [0], [0], [0, 0, 1, 0], [], []>, transpose_lhs_hint = false} : vector<4x128xf32>, vector<384x128xf32>, vector<4x384xf32> -> vector<4x384xf32>
    %add3A_682 = vector.broadcast %get3A_35 : vector<1x384xf32> to vector<4x384xf32>
    %add3A_683 = arith.addf %dot_general3A_681, %add3A_682 : vector<4x384xf32>
    %slice3A_684 = vector.extract_strided_slice %slice3A_679 {offsets = [0, 0], sizes = [4, 128], strides = [1, 1]} : vector<4x384xf32> to vector<4x128xf32>
    %slice3A_685 = vector.extract_strided_slice %add3A_683 {offsets = [0, 0], sizes = [4, 128], strides = [1, 1]} : vector<4x384xf32> to vector<4x128xf32>
    %add3A_686 = arith.addf %slice3A_684, %slice3A_685 : vector<4x128xf32>
    %logistic3A_687 = arith.negf %add3A_686 : vector<4x128xf32>
    %logistic3A_688 = math.exp %logistic3A_687 : vector<4x128xf32>
    %logistic3A_689 = arith.constant 1.000000e+00 : f32
    %logistic3A_690 = vector.broadcast %logistic3A_689 : f32 to vector<4x128xf32>
    %logistic3A_691 = arith.addf %logistic3A_690, %logistic3A_688 : vector<4x128xf32>
    %logistic3A_692 = arith.divf %logistic3A_690, %logistic3A_691 : vector<4x128xf32>
    %slice3A_693 = vector.extract_strided_slice %slice3A_679 {offsets = [0, 128], sizes = [4, 128], strides = [1, 1]} : vector<4x384xf32> to vector<4x128xf32>
    %slice3A_694 = vector.extract_strided_slice %add3A_683 {offsets = [0, 128], sizes = [4, 128], strides = [1, 1]} : vector<4x384xf32> to vector<4x128xf32>
    %add3A_695 = arith.addf %slice3A_693, %slice3A_694 : vector<4x128xf32>
    %logistic3A_696 = arith.negf %add3A_695 : vector<4x128xf32>
    %logistic3A_697 = math.exp %logistic3A_696 : vector<4x128xf32>
    %logistic3A_698 = arith.constant 1.000000e+00 : f32
    %logistic3A_699 = vector.broadcast %logistic3A_698 : f32 to vector<4x128xf32>
    %logistic3A_700 = arith.addf %logistic3A_699, %logistic3A_697 : vector<4x128xf32>
    %logistic3A_701 = arith.divf %logistic3A_699, %logistic3A_700 : vector<4x128xf32>
    %slice3A_702 = vector.extract_strided_slice %slice3A_679 {offsets = [0, 256], sizes = [4, 128], strides = [1, 1]} : vector<4x384xf32> to vector<4x128xf32>
    %slice3A_703 = vector.extract_strided_slice %add3A_683 {offsets = [0, 256], sizes = [4, 128], strides = [1, 1]} : vector<4x384xf32> to vector<4x128xf32>
    %mul3A_704 = arith.mulf %logistic3A_692, %slice3A_703 : vector<4x128xf32>
    %add3A_705 = arith.addf %slice3A_702, %mul3A_704 : vector<4x128xf32>
    %tanh3A_706 = math.tanh %add3A_705 : vector<4x128xf32>
    %sub3A_707 = arith.constant 1.000000e+00 : f32
    %sub3A_708 = vector.broadcast %sub3A_707 : f32 to vector<4x128xf32>
    %sub3A_709 = arith.subf %sub3A_708, %logistic3A_701 : vector<4x128xf32>
    %mul3A_710 = arith.mulf %sub3A_709, %tanh3A_706 : vector<4x128xf32>
    %mul3A_711 = arith.mulf %logistic3A_701, %add3A_678 : vector<4x128xf32>
    %add3A_712 = arith.addf %mul3A_710, %mul3A_711 : vector<4x128xf32>
    %slice3A_713 = vector.extract_strided_slice %add3A_29 {offsets = [80, 0], sizes = [4, 384], strides = [1, 1]} : vector<128x384xf32> to vector<4x384xf32>
    %dot_general3A_714 = arith.constant dense<0.000000e+00> : vector<4x384xf32>
    %dot_general3A_715 = tpu.matmul %add3A_712, %get3A_32, %dot_general3A_714 {dimension_numbers = #tpu.dot_dimension_numbers<[1], [1], [0], [0], [0, 0, 1, 0], [], []>, transpose_lhs_hint = false} : vector<4x128xf32>, vector<384x128xf32>, vector<4x384xf32> -> vector<4x384xf32>
    %add3A_716 = vector.broadcast %get3A_35 : vector<1x384xf32> to vector<4x384xf32>
    %add3A_717 = arith.addf %dot_general3A_715, %add3A_716 : vector<4x384xf32>
    %slice3A_718 = vector.extract_strided_slice %slice3A_713 {offsets = [0, 0], sizes = [4, 128], strides = [1, 1]} : vector<4x384xf32> to vector<4x128xf32>
    %slice3A_719 = vector.extract_strided_slice %add3A_717 {offsets = [0, 0], sizes = [4, 128], strides = [1, 1]} : vector<4x384xf32> to vector<4x128xf32>
    %add3A_720 = arith.addf %slice3A_718, %slice3A_719 : vector<4x128xf32>
    %logistic3A_721 = arith.negf %add3A_720 : vector<4x128xf32>
    %logistic3A_722 = math.exp %logistic3A_721 : vector<4x128xf32>
    %logistic3A_723 = arith.constant 1.000000e+00 : f32
    %logistic3A_724 = vector.broadcast %logistic3A_723 : f32 to vector<4x128xf32>
    %logistic3A_725 = arith.addf %logistic3A_724, %logistic3A_722 : vector<4x128xf32>
    %logistic3A_726 = arith.divf %logistic3A_724, %logistic3A_725 : vector<4x128xf32>
    %slice3A_727 = vector.extract_strided_slice %slice3A_713 {offsets = [0, 128], sizes = [4, 128], strides = [1, 1]} : vector<4x384xf32> to vector<4x128xf32>
    %slice3A_728 = vector.extract_strided_slice %add3A_717 {offsets = [0, 128], sizes = [4, 128], strides = [1, 1]} : vector<4x384xf32> to vector<4x128xf32>
    %add3A_729 = arith.addf %slice3A_727, %slice3A_728 : vector<4x128xf32>
    %logistic3A_730 = arith.negf %add3A_729 : vector<4x128xf32>
    %logistic3A_731 = math.exp %logistic3A_730 : vector<4x128xf32>
    %logistic3A_732 = arith.constant 1.000000e+00 : f32
    %logistic3A_733 = vector.broadcast %logistic3A_732 : f32 to vector<4x128xf32>
    %logistic3A_734 = arith.addf %logistic3A_733, %logistic3A_731 : vector<4x128xf32>
    %logistic3A_735 = arith.divf %logistic3A_733, %logistic3A_734 : vector<4x128xf32>
    %slice3A_736 = vector.extract_strided_slice %slice3A_713 {offsets = [0, 256], sizes = [4, 128], strides = [1, 1]} : vector<4x384xf32> to vector<4x128xf32>
    %slice3A_737 = vector.extract_strided_slice %add3A_717 {offsets = [0, 256], sizes = [4, 128], strides = [1, 1]} : vector<4x384xf32> to vector<4x128xf32>
    %mul3A_738 = arith.mulf %logistic3A_726, %slice3A_737 : vector<4x128xf32>
    %add3A_739 = arith.addf %slice3A_736, %mul3A_738 : vector<4x128xf32>
    %tanh3A_740 = math.tanh %add3A_739 : vector<4x128xf32>
    %sub3A_741 = arith.constant 1.000000e+00 : f32
    %sub3A_742 = vector.broadcast %sub3A_741 : f32 to vector<4x128xf32>
    %sub3A_743 = arith.subf %sub3A_742, %logistic3A_735 : vector<4x128xf32>
    %mul3A_744 = arith.mulf %sub3A_743, %tanh3A_740 : vector<4x128xf32>
    %mul3A_745 = arith.mulf %logistic3A_735, %add3A_712 : vector<4x128xf32>
    %add3A_746 = arith.addf %mul3A_744, %mul3A_745 : vector<4x128xf32>
    %slice3A_747 = vector.extract_strided_slice %add3A_29 {offsets = [84, 0], sizes = [4, 384], strides = [1, 1]} : vector<128x384xf32> to vector<4x384xf32>
    %dot_general3A_748 = arith.constant dense<0.000000e+00> : vector<4x384xf32>
    %dot_general3A_749 = tpu.matmul %add3A_746, %get3A_32, %dot_general3A_748 {dimension_numbers = #tpu.dot_dimension_numbers<[1], [1], [0], [0], [0, 0, 1, 0], [], []>, transpose_lhs_hint = false} : vector<4x128xf32>, vector<384x128xf32>, vector<4x384xf32> -> vector<4x384xf32>
    %add3A_750 = vector.broadcast %get3A_35 : vector<1x384xf32> to vector<4x384xf32>
    %add3A_751 = arith.addf %dot_general3A_749, %add3A_750 : vector<4x384xf32>
    %slice3A_752 = vector.extract_strided_slice %slice3A_747 {offsets = [0, 0], sizes = [4, 128], strides = [1, 1]} : vector<4x384xf32> to vector<4x128xf32>
    %slice3A_753 = vector.extract_strided_slice %add3A_751 {offsets = [0, 0], sizes = [4, 128], strides = [1, 1]} : vector<4x384xf32> to vector<4x128xf32>
    %add3A_754 = arith.addf %slice3A_752, %slice3A_753 : vector<4x128xf32>
    %logistic3A_755 = arith.negf %add3A_754 : vector<4x128xf32>
    %logistic3A_756 = math.exp %logistic3A_755 : vector<4x128xf32>
    %logistic3A_757 = arith.constant 1.000000e+00 : f32
    %logistic3A_758 = vector.broadcast %logistic3A_757 : f32 to vector<4x128xf32>
    %logistic3A_759 = arith.addf %logistic3A_758, %logistic3A_756 : vector<4x128xf32>
    %logistic3A_760 = arith.divf %logistic3A_758, %logistic3A_759 : vector<4x128xf32>
    %slice3A_761 = vector.extract_strided_slice %slice3A_747 {offsets = [0, 128], sizes = [4, 128], strides = [1, 1]} : vector<4x384xf32> to vector<4x128xf32>
    %slice3A_762 = vector.extract_strided_slice %add3A_751 {offsets = [0, 128], sizes = [4, 128], strides = [1, 1]} : vector<4x384xf32> to vector<4x128xf32>
    %add3A_763 = arith.addf %slice3A_761, %slice3A_762 : vector<4x128xf32>
    %logistic3A_764 = arith.negf %add3A_763 : vector<4x128xf32>
    %logistic3A_765 = math.exp %logistic3A_764 : vector<4x128xf32>
    %logistic3A_766 = arith.constant 1.000000e+00 : f32
    %logistic3A_767 = vector.broadcast %logistic3A_766 : f32 to vector<4x128xf32>
    %logistic3A_768 = arith.addf %logistic3A_767, %logistic3A_765 : vector<4x128xf32>
    %logistic3A_769 = arith.divf %logistic3A_767, %logistic3A_768 : vector<4x128xf32>
    %slice3A_770 = vector.extract_strided_slice %slice3A_747 {offsets = [0, 256], sizes = [4, 128], strides = [1, 1]} : vector<4x384xf32> to vector<4x128xf32>
    %slice3A_771 = vector.extract_strided_slice %add3A_751 {offsets = [0, 256], sizes = [4, 128], strides = [1, 1]} : vector<4x384xf32> to vector<4x128xf32>
    %mul3A_772 = arith.mulf %logistic3A_760, %slice3A_771 : vector<4x128xf32>
    %add3A_773 = arith.addf %slice3A_770, %mul3A_772 : vector<4x128xf32>
    %tanh3A_774 = math.tanh %add3A_773 : vector<4x128xf32>
    %sub3A_775 = arith.constant 1.000000e+00 : f32
    %sub3A_776 = vector.broadcast %sub3A_775 : f32 to vector<4x128xf32>
    %sub3A_777 = arith.subf %sub3A_776, %logistic3A_769 : vector<4x128xf32>
    %mul3A_778 = arith.mulf %sub3A_777, %tanh3A_774 : vector<4x128xf32>
    %mul3A_779 = arith.mulf %logistic3A_769, %add3A_746 : vector<4x128xf32>
    %add3A_780 = arith.addf %mul3A_778, %mul3A_779 : vector<4x128xf32>
    %slice3A_781 = vector.extract_strided_slice %add3A_29 {offsets = [88, 0], sizes = [4, 384], strides = [1, 1]} : vector<128x384xf32> to vector<4x384xf32>
    %dot_general3A_782 = arith.constant dense<0.000000e+00> : vector<4x384xf32>
    %dot_general3A_783 = tpu.matmul %add3A_780, %get3A_32, %dot_general3A_782 {dimension_numbers = #tpu.dot_dimension_numbers<[1], [1], [0], [0], [0, 0, 1, 0], [], []>, transpose_lhs_hint = false} : vector<4x128xf32>, vector<384x128xf32>, vector<4x384xf32> -> vector<4x384xf32>
    %add3A_784 = vector.broadcast %get3A_35 : vector<1x384xf32> to vector<4x384xf32>
    %add3A_785 = arith.addf %dot_general3A_783, %add3A_784 : vector<4x384xf32>
    %slice3A_786 = vector.extract_strided_slice %slice3A_781 {offsets = [0, 0], sizes = [4, 128], strides = [1, 1]} : vector<4x384xf32> to vector<4x128xf32>
    %slice3A_787 = vector.extract_strided_slice %add3A_785 {offsets = [0, 0], sizes = [4, 128], strides = [1, 1]} : vector<4x384xf32> to vector<4x128xf32>
    %add3A_788 = arith.addf %slice3A_786, %slice3A_787 : vector<4x128xf32>
    %logistic3A_789 = arith.negf %add3A_788 : vector<4x128xf32>
    %logistic3A_790 = math.exp %logistic3A_789 : vector<4x128xf32>
    %logistic3A_791 = arith.constant 1.000000e+00 : f32
    %logistic3A_792 = vector.broadcast %logistic3A_791 : f32 to vector<4x128xf32>
    %logistic3A_793 = arith.addf %logistic3A_792, %logistic3A_790 : vector<4x128xf32>
    %logistic3A_794 = arith.divf %logistic3A_792, %logistic3A_793 : vector<4x128xf32>
    %slice3A_795 = vector.extract_strided_slice %slice3A_781 {offsets = [0, 128], sizes = [4, 128], strides = [1, 1]} : vector<4x384xf32> to vector<4x128xf32>
    %slice3A_796 = vector.extract_strided_slice %add3A_785 {offsets = [0, 128], sizes = [4, 128], strides = [1, 1]} : vector<4x384xf32> to vector<4x128xf32>
    %add3A_797 = arith.addf %slice3A_795, %slice3A_796 : vector<4x128xf32>
    %logistic3A_798 = arith.negf %add3A_797 : vector<4x128xf32>
    %logistic3A_799 = math.exp %logistic3A_798 : vector<4x128xf32>
    %logistic3A_800 = arith.constant 1.000000e+00 : f32
    %logistic3A_801 = vector.broadcast %logistic3A_800 : f32 to vector<4x128xf32>
    %logistic3A_802 = arith.addf %logistic3A_801, %logistic3A_799 : vector<4x128xf32>
    %logistic3A_803 = arith.divf %logistic3A_801, %logistic3A_802 : vector<4x128xf32>
    %slice3A_804 = vector.extract_strided_slice %slice3A_781 {offsets = [0, 256], sizes = [4, 128], strides = [1, 1]} : vector<4x384xf32> to vector<4x128xf32>
    %slice3A_805 = vector.extract_strided_slice %add3A_785 {offsets = [0, 256], sizes = [4, 128], strides = [1, 1]} : vector<4x384xf32> to vector<4x128xf32>
    %mul3A_806 = arith.mulf %logistic3A_794, %slice3A_805 : vector<4x128xf32>
    %add3A_807 = arith.addf %slice3A_804, %mul3A_806 : vector<4x128xf32>
    %tanh3A_808 = math.tanh %add3A_807 : vector<4x128xf32>
    %sub3A_809 = arith.constant 1.000000e+00 : f32
    %sub3A_810 = vector.broadcast %sub3A_809 : f32 to vector<4x128xf32>
    %sub3A_811 = arith.subf %sub3A_810, %logistic3A_803 : vector<4x128xf32>
    %mul3A_812 = arith.mulf %sub3A_811, %tanh3A_808 : vector<4x128xf32>
    %mul3A_813 = arith.mulf %logistic3A_803, %add3A_780 : vector<4x128xf32>
    %add3A_814 = arith.addf %mul3A_812, %mul3A_813 : vector<4x128xf32>
    %slice3A_815 = vector.extract_strided_slice %add3A_29 {offsets = [92, 0], sizes = [4, 384], strides = [1, 1]} : vector<128x384xf32> to vector<4x384xf32>
    %dot_general3A_816 = arith.constant dense<0.000000e+00> : vector<4x384xf32>
    %dot_general3A_817 = tpu.matmul %add3A_814, %get3A_32, %dot_general3A_816 {dimension_numbers = #tpu.dot_dimension_numbers<[1], [1], [0], [0], [0, 0, 1, 0], [], []>, transpose_lhs_hint = false} : vector<4x128xf32>, vector<384x128xf32>, vector<4x384xf32> -> vector<4x384xf32>
    %add3A_818 = vector.broadcast %get3A_35 : vector<1x384xf32> to vector<4x384xf32>
    %add3A_819 = arith.addf %dot_general3A_817, %add3A_818 : vector<4x384xf32>
    %slice3A_820 = vector.extract_strided_slice %slice3A_815 {offsets = [0, 0], sizes = [4, 128], strides = [1, 1]} : vector<4x384xf32> to vector<4x128xf32>
    %slice3A_821 = vector.extract_strided_slice %add3A_819 {offsets = [0, 0], sizes = [4, 128], strides = [1, 1]} : vector<4x384xf32> to vector<4x128xf32>
    %add3A_822 = arith.addf %slice3A_820, %slice3A_821 : vector<4x128xf32>
    %logistic3A_823 = arith.negf %add3A_822 : vector<4x128xf32>
    %logistic3A_824 = math.exp %logistic3A_823 : vector<4x128xf32>
    %logistic3A_825 = arith.constant 1.000000e+00 : f32
    %logistic3A_826 = vector.broadcast %logistic3A_825 : f32 to vector<4x128xf32>
    %logistic3A_827 = arith.addf %logistic3A_826, %logistic3A_824 : vector<4x128xf32>
    %logistic3A_828 = arith.divf %logistic3A_826, %logistic3A_827 : vector<4x128xf32>
    %slice3A_829 = vector.extract_strided_slice %slice3A_815 {offsets = [0, 128], sizes = [4, 128], strides = [1, 1]} : vector<4x384xf32> to vector<4x128xf32>
    %slice3A_830 = vector.extract_strided_slice %add3A_819 {offsets = [0, 128], sizes = [4, 128], strides = [1, 1]} : vector<4x384xf32> to vector<4x128xf32>
    %add3A_831 = arith.addf %slice3A_829, %slice3A_830 : vector<4x128xf32>
    %logistic3A_832 = arith.negf %add3A_831 : vector<4x128xf32>
    %logistic3A_833 = math.exp %logistic3A_832 : vector<4x128xf32>
    %logistic3A_834 = arith.constant 1.000000e+00 : f32
    %logistic3A_835 = vector.broadcast %logistic3A_834 : f32 to vector<4x128xf32>
    %logistic3A_836 = arith.addf %logistic3A_835, %logistic3A_833 : vector<4x128xf32>
    %logistic3A_837 = arith.divf %logistic3A_835, %logistic3A_836 : vector<4x128xf32>
    %slice3A_838 = vector.extract_strided_slice %slice3A_815 {offsets = [0, 256], sizes = [4, 128], strides = [1, 1]} : vector<4x384xf32> to vector<4x128xf32>
    %slice3A_839 = vector.extract_strided_slice %add3A_819 {offsets = [0, 256], sizes = [4, 128], strides = [1, 1]} : vector<4x384xf32> to vector<4x128xf32>
    %mul3A_840 = arith.mulf %logistic3A_828, %slice3A_839 : vector<4x128xf32>
    %add3A_841 = arith.addf %slice3A_838, %mul3A_840 : vector<4x128xf32>
    %tanh3A_842 = math.tanh %add3A_841 : vector<4x128xf32>
    %sub3A_843 = arith.constant 1.000000e+00 : f32
    %sub3A_844 = vector.broadcast %sub3A_843 : f32 to vector<4x128xf32>
    %sub3A_845 = arith.subf %sub3A_844, %logistic3A_837 : vector<4x128xf32>
    %mul3A_846 = arith.mulf %sub3A_845, %tanh3A_842 : vector<4x128xf32>
    %mul3A_847 = arith.mulf %logistic3A_837, %add3A_814 : vector<4x128xf32>
    %add3A_848 = arith.addf %mul3A_846, %mul3A_847 : vector<4x128xf32>
    %slice3A_849 = vector.extract_strided_slice %add3A_29 {offsets = [96, 0], sizes = [4, 384], strides = [1, 1]} : vector<128x384xf32> to vector<4x384xf32>
    %dot_general3A_850 = arith.constant dense<0.000000e+00> : vector<4x384xf32>
    %dot_general3A_851 = tpu.matmul %add3A_848, %get3A_32, %dot_general3A_850 {dimension_numbers = #tpu.dot_dimension_numbers<[1], [1], [0], [0], [0, 0, 1, 0], [], []>, transpose_lhs_hint = false} : vector<4x128xf32>, vector<384x128xf32>, vector<4x384xf32> -> vector<4x384xf32>
    %add3A_852 = vector.broadcast %get3A_35 : vector<1x384xf32> to vector<4x384xf32>
    %add3A_853 = arith.addf %dot_general3A_851, %add3A_852 : vector<4x384xf32>
    %slice3A_854 = vector.extract_strided_slice %slice3A_849 {offsets = [0, 0], sizes = [4, 128], strides = [1, 1]} : vector<4x384xf32> to vector<4x128xf32>
    %slice3A_855 = vector.extract_strided_slice %add3A_853 {offsets = [0, 0], sizes = [4, 128], strides = [1, 1]} : vector<4x384xf32> to vector<4x128xf32>
    %add3A_856 = arith.addf %slice3A_854, %slice3A_855 : vector<4x128xf32>
    %logistic3A_857 = arith.negf %add3A_856 : vector<4x128xf32>
    %logistic3A_858 = math.exp %logistic3A_857 : vector<4x128xf32>
    %logistic3A_859 = arith.constant 1.000000e+00 : f32
    %logistic3A_860 = vector.broadcast %logistic3A_859 : f32 to vector<4x128xf32>
    %logistic3A_861 = arith.addf %logistic3A_860, %logistic3A_858 : vector<4x128xf32>
    %logistic3A_862 = arith.divf %logistic3A_860, %logistic3A_861 : vector<4x128xf32>
    %slice3A_863 = vector.extract_strided_slice %slice3A_849 {offsets = [0, 128], sizes = [4, 128], strides = [1, 1]} : vector<4x384xf32> to vector<4x128xf32>
    %slice3A_864 = vector.extract_strided_slice %add3A_853 {offsets = [0, 128], sizes = [4, 128], strides = [1, 1]} : vector<4x384xf32> to vector<4x128xf32>
    %add3A_865 = arith.addf %slice3A_863, %slice3A_864 : vector<4x128xf32>
    %logistic3A_866 = arith.negf %add3A_865 : vector<4x128xf32>
    %logistic3A_867 = math.exp %logistic3A_866 : vector<4x128xf32>
    %logistic3A_868 = arith.constant 1.000000e+00 : f32
    %logistic3A_869 = vector.broadcast %logistic3A_868 : f32 to vector<4x128xf32>
    %logistic3A_870 = arith.addf %logistic3A_869, %logistic3A_867 : vector<4x128xf32>
    %logistic3A_871 = arith.divf %logistic3A_869, %logistic3A_870 : vector<4x128xf32>
    %slice3A_872 = vector.extract_strided_slice %slice3A_849 {offsets = [0, 256], sizes = [4, 128], strides = [1, 1]} : vector<4x384xf32> to vector<4x128xf32>
    %slice3A_873 = vector.extract_strided_slice %add3A_853 {offsets = [0, 256], sizes = [4, 128], strides = [1, 1]} : vector<4x384xf32> to vector<4x128xf32>
    %mul3A_874 = arith.mulf %logistic3A_862, %slice3A_873 : vector<4x128xf32>
    %add3A_875 = arith.addf %slice3A_872, %mul3A_874 : vector<4x128xf32>
    %tanh3A_876 = math.tanh %add3A_875 : vector<4x128xf32>
    %sub3A_877 = arith.constant 1.000000e+00 : f32
    %sub3A_878 = vector.broadcast %sub3A_877 : f32 to vector<4x128xf32>
    %sub3A_879 = arith.subf %sub3A_878, %logistic3A_871 : vector<4x128xf32>
    %mul3A_880 = arith.mulf %sub3A_879, %tanh3A_876 : vector<4x128xf32>
    %mul3A_881 = arith.mulf %logistic3A_871, %add3A_848 : vector<4x128xf32>
    %add3A_882 = arith.addf %mul3A_880, %mul3A_881 : vector<4x128xf32>
    %slice3A_883 = vector.extract_strided_slice %add3A_29 {offsets = [100, 0], sizes = [4, 384], strides = [1, 1]} : vector<128x384xf32> to vector<4x384xf32>
    %dot_general3A_884 = arith.constant dense<0.000000e+00> : vector<4x384xf32>
    %dot_general3A_885 = tpu.matmul %add3A_882, %get3A_32, %dot_general3A_884 {dimension_numbers = #tpu.dot_dimension_numbers<[1], [1], [0], [0], [0, 0, 1, 0], [], []>, transpose_lhs_hint = false} : vector<4x128xf32>, vector<384x128xf32>, vector<4x384xf32> -> vector<4x384xf32>
    %add3A_886 = vector.broadcast %get3A_35 : vector<1x384xf32> to vector<4x384xf32>
    %add3A_887 = arith.addf %dot_general3A_885, %add3A_886 : vector<4x384xf32>
    %slice3A_888 = vector.extract_strided_slice %slice3A_883 {offsets = [0, 0], sizes = [4, 128], strides = [1, 1]} : vector<4x384xf32> to vector<4x128xf32>
    %slice3A_889 = vector.extract_strided_slice %add3A_887 {offsets = [0, 0], sizes = [4, 128], strides = [1, 1]} : vector<4x384xf32> to vector<4x128xf32>
    %add3A_890 = arith.addf %slice3A_888, %slice3A_889 : vector<4x128xf32>
    %logistic3A_891 = arith.negf %add3A_890 : vector<4x128xf32>
    %logistic3A_892 = math.exp %logistic3A_891 : vector<4x128xf32>
    %logistic3A_893 = arith.constant 1.000000e+00 : f32
    %logistic3A_894 = vector.broadcast %logistic3A_893 : f32 to vector<4x128xf32>
    %logistic3A_895 = arith.addf %logistic3A_894, %logistic3A_892 : vector<4x128xf32>
    %logistic3A_896 = arith.divf %logistic3A_894, %logistic3A_895 : vector<4x128xf32>
    %slice3A_897 = vector.extract_strided_slice %slice3A_883 {offsets = [0, 128], sizes = [4, 128], strides = [1, 1]} : vector<4x384xf32> to vector<4x128xf32>
    %slice3A_898 = vector.extract_strided_slice %add3A_887 {offsets = [0, 128], sizes = [4, 128], strides = [1, 1]} : vector<4x384xf32> to vector<4x128xf32>
    %add3A_899 = arith.addf %slice3A_897, %slice3A_898 : vector<4x128xf32>
    %logistic3A_900 = arith.negf %add3A_899 : vector<4x128xf32>
    %logistic3A_901 = math.exp %logistic3A_900 : vector<4x128xf32>
    %logistic3A_902 = arith.constant 1.000000e+00 : f32
    %logistic3A_903 = vector.broadcast %logistic3A_902 : f32 to vector<4x128xf32>
    %logistic3A_904 = arith.addf %logistic3A_903, %logistic3A_901 : vector<4x128xf32>
    %logistic3A_905 = arith.divf %logistic3A_903, %logistic3A_904 : vector<4x128xf32>
    %slice3A_906 = vector.extract_strided_slice %slice3A_883 {offsets = [0, 256], sizes = [4, 128], strides = [1, 1]} : vector<4x384xf32> to vector<4x128xf32>
    %slice3A_907 = vector.extract_strided_slice %add3A_887 {offsets = [0, 256], sizes = [4, 128], strides = [1, 1]} : vector<4x384xf32> to vector<4x128xf32>
    %mul3A_908 = arith.mulf %logistic3A_896, %slice3A_907 : vector<4x128xf32>
    %add3A_909 = arith.addf %slice3A_906, %mul3A_908 : vector<4x128xf32>
    %tanh3A_910 = math.tanh %add3A_909 : vector<4x128xf32>
    %sub3A_911 = arith.constant 1.000000e+00 : f32
    %sub3A_912 = vector.broadcast %sub3A_911 : f32 to vector<4x128xf32>
    %sub3A_913 = arith.subf %sub3A_912, %logistic3A_905 : vector<4x128xf32>
    %mul3A_914 = arith.mulf %sub3A_913, %tanh3A_910 : vector<4x128xf32>
    %mul3A_915 = arith.mulf %logistic3A_905, %add3A_882 : vector<4x128xf32>
    %add3A_916 = arith.addf %mul3A_914, %mul3A_915 : vector<4x128xf32>
    %slice3A_917 = vector.extract_strided_slice %add3A_29 {offsets = [104, 0], sizes = [4, 384], strides = [1, 1]} : vector<128x384xf32> to vector<4x384xf32>
    %dot_general3A_918 = arith.constant dense<0.000000e+00> : vector<4x384xf32>
    %dot_general3A_919 = tpu.matmul %add3A_916, %get3A_32, %dot_general3A_918 {dimension_numbers = #tpu.dot_dimension_numbers<[1], [1], [0], [0], [0, 0, 1, 0], [], []>, transpose_lhs_hint = false} : vector<4x128xf32>, vector<384x128xf32>, vector<4x384xf32> -> vector<4x384xf32>
    %add3A_920 = vector.broadcast %get3A_35 : vector<1x384xf32> to vector<4x384xf32>
    %add3A_921 = arith.addf %dot_general3A_919, %add3A_920 : vector<4x384xf32>
    %slice3A_922 = vector.extract_strided_slice %slice3A_917 {offsets = [0, 0], sizes = [4, 128], strides = [1, 1]} : vector<4x384xf32> to vector<4x128xf32>
    %slice3A_923 = vector.extract_strided_slice %add3A_921 {offsets = [0, 0], sizes = [4, 128], strides = [1, 1]} : vector<4x384xf32> to vector<4x128xf32>
    %add3A_924 = arith.addf %slice3A_922, %slice3A_923 : vector<4x128xf32>
    %logistic3A_925 = arith.negf %add3A_924 : vector<4x128xf32>
    %logistic3A_926 = math.exp %logistic3A_925 : vector<4x128xf32>
    %logistic3A_927 = arith.constant 1.000000e+00 : f32
    %logistic3A_928 = vector.broadcast %logistic3A_927 : f32 to vector<4x128xf32>
    %logistic3A_929 = arith.addf %logistic3A_928, %logistic3A_926 : vector<4x128xf32>
    %logistic3A_930 = arith.divf %logistic3A_928, %logistic3A_929 : vector<4x128xf32>
    %slice3A_931 = vector.extract_strided_slice %slice3A_917 {offsets = [0, 128], sizes = [4, 128], strides = [1, 1]} : vector<4x384xf32> to vector<4x128xf32>
    %slice3A_932 = vector.extract_strided_slice %add3A_921 {offsets = [0, 128], sizes = [4, 128], strides = [1, 1]} : vector<4x384xf32> to vector<4x128xf32>
    %add3A_933 = arith.addf %slice3A_931, %slice3A_932 : vector<4x128xf32>
    %logistic3A_934 = arith.negf %add3A_933 : vector<4x128xf32>
    %logistic3A_935 = math.exp %logistic3A_934 : vector<4x128xf32>
    %logistic3A_936 = arith.constant 1.000000e+00 : f32
    %logistic3A_937 = vector.broadcast %logistic3A_936 : f32 to vector<4x128xf32>
    %logistic3A_938 = arith.addf %logistic3A_937, %logistic3A_935 : vector<4x128xf32>
    %logistic3A_939 = arith.divf %logistic3A_937, %logistic3A_938 : vector<4x128xf32>
    %slice3A_940 = vector.extract_strided_slice %slice3A_917 {offsets = [0, 256], sizes = [4, 128], strides = [1, 1]} : vector<4x384xf32> to vector<4x128xf32>
    %slice3A_941 = vector.extract_strided_slice %add3A_921 {offsets = [0, 256], sizes = [4, 128], strides = [1, 1]} : vector<4x384xf32> to vector<4x128xf32>
    %mul3A_942 = arith.mulf %logistic3A_930, %slice3A_941 : vector<4x128xf32>
    %add3A_943 = arith.addf %slice3A_940, %mul3A_942 : vector<4x128xf32>
    %tanh3A_944 = math.tanh %add3A_943 : vector<4x128xf32>
    %sub3A_945 = arith.constant 1.000000e+00 : f32
    %sub3A_946 = vector.broadcast %sub3A_945 : f32 to vector<4x128xf32>
    %sub3A_947 = arith.subf %sub3A_946, %logistic3A_939 : vector<4x128xf32>
    %mul3A_948 = arith.mulf %sub3A_947, %tanh3A_944 : vector<4x128xf32>
    %mul3A_949 = arith.mulf %logistic3A_939, %add3A_916 : vector<4x128xf32>
    %add3A_950 = arith.addf %mul3A_948, %mul3A_949 : vector<4x128xf32>
    %slice3A_951 = vector.extract_strided_slice %add3A_29 {offsets = [108, 0], sizes = [4, 384], strides = [1, 1]} : vector<128x384xf32> to vector<4x384xf32>
    %dot_general3A_952 = arith.constant dense<0.000000e+00> : vector<4x384xf32>
    %dot_general3A_953 = tpu.matmul %add3A_950, %get3A_32, %dot_general3A_952 {dimension_numbers = #tpu.dot_dimension_numbers<[1], [1], [0], [0], [0, 0, 1, 0], [], []>, transpose_lhs_hint = false} : vector<4x128xf32>, vector<384x128xf32>, vector<4x384xf32> -> vector<4x384xf32>
    %add3A_954 = vector.broadcast %get3A_35 : vector<1x384xf32> to vector<4x384xf32>
    %add3A_955 = arith.addf %dot_general3A_953, %add3A_954 : vector<4x384xf32>
    %slice3A_956 = vector.extract_strided_slice %slice3A_951 {offsets = [0, 0], sizes = [4, 128], strides = [1, 1]} : vector<4x384xf32> to vector<4x128xf32>
    %slice3A_957 = vector.extract_strided_slice %add3A_955 {offsets = [0, 0], sizes = [4, 128], strides = [1, 1]} : vector<4x384xf32> to vector<4x128xf32>
    %add3A_958 = arith.addf %slice3A_956, %slice3A_957 : vector<4x128xf32>
    %logistic3A_959 = arith.negf %add3A_958 : vector<4x128xf32>
    %logistic3A_960 = math.exp %logistic3A_959 : vector<4x128xf32>
    %logistic3A_961 = arith.constant 1.000000e+00 : f32
    %logistic3A_962 = vector.broadcast %logistic3A_961 : f32 to vector<4x128xf32>
    %logistic3A_963 = arith.addf %logistic3A_962, %logistic3A_960 : vector<4x128xf32>
    %logistic3A_964 = arith.divf %logistic3A_962, %logistic3A_963 : vector<4x128xf32>
    %slice3A_965 = vector.extract_strided_slice %slice3A_951 {offsets = [0, 128], sizes = [4, 128], strides = [1, 1]} : vector<4x384xf32> to vector<4x128xf32>
    %slice3A_966 = vector.extract_strided_slice %add3A_955 {offsets = [0, 128], sizes = [4, 128], strides = [1, 1]} : vector<4x384xf32> to vector<4x128xf32>
    %add3A_967 = arith.addf %slice3A_965, %slice3A_966 : vector<4x128xf32>
    %logistic3A_968 = arith.negf %add3A_967 : vector<4x128xf32>
    %logistic3A_969 = math.exp %logistic3A_968 : vector<4x128xf32>
    %logistic3A_970 = arith.constant 1.000000e+00 : f32
    %logistic3A_971 = vector.broadcast %logistic3A_970 : f32 to vector<4x128xf32>
    %logistic3A_972 = arith.addf %logistic3A_971, %logistic3A_969 : vector<4x128xf32>
    %logistic3A_973 = arith.divf %logistic3A_971, %logistic3A_972 : vector<4x128xf32>
    %slice3A_974 = vector.extract_strided_slice %slice3A_951 {offsets = [0, 256], sizes = [4, 128], strides = [1, 1]} : vector<4x384xf32> to vector<4x128xf32>
    %slice3A_975 = vector.extract_strided_slice %add3A_955 {offsets = [0, 256], sizes = [4, 128], strides = [1, 1]} : vector<4x384xf32> to vector<4x128xf32>
    %mul3A_976 = arith.mulf %logistic3A_964, %slice3A_975 : vector<4x128xf32>
    %add3A_977 = arith.addf %slice3A_974, %mul3A_976 : vector<4x128xf32>
    %tanh3A_978 = math.tanh %add3A_977 : vector<4x128xf32>
    %sub3A_979 = arith.constant 1.000000e+00 : f32
    %sub3A_980 = vector.broadcast %sub3A_979 : f32 to vector<4x128xf32>
    %sub3A_981 = arith.subf %sub3A_980, %logistic3A_973 : vector<4x128xf32>
    %mul3A_982 = arith.mulf %sub3A_981, %tanh3A_978 : vector<4x128xf32>
    %mul3A_983 = arith.mulf %logistic3A_973, %add3A_950 : vector<4x128xf32>
    %add3A_984 = arith.addf %mul3A_982, %mul3A_983 : vector<4x128xf32>
    %slice3A_985 = vector.extract_strided_slice %add3A_29 {offsets = [112, 0], sizes = [4, 384], strides = [1, 1]} : vector<128x384xf32> to vector<4x384xf32>
    %dot_general3A_986 = arith.constant dense<0.000000e+00> : vector<4x384xf32>
    %dot_general3A_987 = tpu.matmul %add3A_984, %get3A_32, %dot_general3A_986 {dimension_numbers = #tpu.dot_dimension_numbers<[1], [1], [0], [0], [0, 0, 1, 0], [], []>, transpose_lhs_hint = false} : vector<4x128xf32>, vector<384x128xf32>, vector<4x384xf32> -> vector<4x384xf32>
    %add3A_988 = vector.broadcast %get3A_35 : vector<1x384xf32> to vector<4x384xf32>
    %add3A_989 = arith.addf %dot_general3A_987, %add3A_988 : vector<4x384xf32>
    %slice3A_990 = vector.extract_strided_slice %slice3A_985 {offsets = [0, 0], sizes = [4, 128], strides = [1, 1]} : vector<4x384xf32> to vector<4x128xf32>
    %slice3A_991 = vector.extract_strided_slice %add3A_989 {offsets = [0, 0], sizes = [4, 128], strides = [1, 1]} : vector<4x384xf32> to vector<4x128xf32>
    %add3A_992 = arith.addf %slice3A_990, %slice3A_991 : vector<4x128xf32>
    %logistic3A_993 = arith.negf %add3A_992 : vector<4x128xf32>
    %logistic3A_994 = math.exp %logistic3A_993 : vector<4x128xf32>
    %logistic3A_995 = arith.constant 1.000000e+00 : f32
    %logistic3A_996 = vector.broadcast %logistic3A_995 : f32 to vector<4x128xf32>
    %logistic3A_997 = arith.addf %logistic3A_996, %logistic3A_994 : vector<4x128xf32>
    %logistic3A_998 = arith.divf %logistic3A_996, %logistic3A_997 : vector<4x128xf32>
    %slice3A_999 = vector.extract_strided_slice %slice3A_985 {offsets = [0, 128], sizes = [4, 128], strides = [1, 1]} : vector<4x384xf32> to vector<4x128xf32>
    %slice3A_1000 = vector.extract_strided_slice %add3A_989 {offsets = [0, 128], sizes = [4, 128], strides = [1, 1]} : vector<4x384xf32> to vector<4x128xf32>
    %add3A_1001 = arith.addf %slice3A_999, %slice3A_1000 : vector<4x128xf32>
    %logistic3A_1002 = arith.negf %add3A_1001 : vector<4x128xf32>
    %logistic3A_1003 = math.exp %logistic3A_1002 : vector<4x128xf32>
    %logistic3A_1004 = arith.constant 1.000000e+00 : f32
    %logistic3A_1005 = vector.broadcast %logistic3A_1004 : f32 to vector<4x128xf32>
    %logistic3A_1006 = arith.addf %logistic3A_1005, %logistic3A_1003 : vector<4x128xf32>
    %logistic3A_1007 = arith.divf %logistic3A_1005, %logistic3A_1006 : vector<4x128xf32>
    %slice3A_1008 = vector.extract_strided_slice %slice3A_985 {offsets = [0, 256], sizes = [4, 128], strides = [1, 1]} : vector<4x384xf32> to vector<4x128xf32>
    %slice3A_1009 = vector.extract_strided_slice %add3A_989 {offsets = [0, 256], sizes = [4, 128], strides = [1, 1]} : vector<4x384xf32> to vector<4x128xf32>
    %mul3A_1010 = arith.mulf %logistic3A_998, %slice3A_1009 : vector<4x128xf32>
    %add3A_1011 = arith.addf %slice3A_1008, %mul3A_1010 : vector<4x128xf32>
    %tanh3A_1012 = math.tanh %add3A_1011 : vector<4x128xf32>
    %sub3A_1013 = arith.constant 1.000000e+00 : f32
    %sub3A_1014 = vector.broadcast %sub3A_1013 : f32 to vector<4x128xf32>
    %sub3A_1015 = arith.subf %sub3A_1014, %logistic3A_1007 : vector<4x128xf32>
    %mul3A_1016 = arith.mulf %sub3A_1015, %tanh3A_1012 : vector<4x128xf32>
    %mul3A_1017 = arith.mulf %logistic3A_1007, %add3A_984 : vector<4x128xf32>
    %add3A_1018 = arith.addf %mul3A_1016, %mul3A_1017 : vector<4x128xf32>
    %slice3A_1019 = vector.extract_strided_slice %add3A_29 {offsets = [116, 0], sizes = [4, 384], strides = [1, 1]} : vector<128x384xf32> to vector<4x384xf32>
    %dot_general3A_1020 = arith.constant dense<0.000000e+00> : vector<4x384xf32>
    %dot_general3A_1021 = tpu.matmul %add3A_1018, %get3A_32, %dot_general3A_1020 {dimension_numbers = #tpu.dot_dimension_numbers<[1], [1], [0], [0], [0, 0, 1, 0], [], []>, transpose_lhs_hint = false} : vector<4x128xf32>, vector<384x128xf32>, vector<4x384xf32> -> vector<4x384xf32>
    %add3A_1022 = vector.broadcast %get3A_35 : vector<1x384xf32> to vector<4x384xf32>
    %add3A_1023 = arith.addf %dot_general3A_1021, %add3A_1022 : vector<4x384xf32>
    %slice3A_1024 = vector.extract_strided_slice %slice3A_1019 {offsets = [0, 0], sizes = [4, 128], strides = [1, 1]} : vector<4x384xf32> to vector<4x128xf32>
    %slice3A_1025 = vector.extract_strided_slice %add3A_1023 {offsets = [0, 0], sizes = [4, 128], strides = [1, 1]} : vector<4x384xf32> to vector<4x128xf32>
    %add3A_1026 = arith.addf %slice3A_1024, %slice3A_1025 : vector<4x128xf32>
    %logistic3A_1027 = arith.negf %add3A_1026 : vector<4x128xf32>
    %logistic3A_1028 = math.exp %logistic3A_1027 : vector<4x128xf32>
    %logistic3A_1029 = arith.constant 1.000000e+00 : f32
    %logistic3A_1030 = vector.broadcast %logistic3A_1029 : f32 to vector<4x128xf32>
    %logistic3A_1031 = arith.addf %logistic3A_1030, %logistic3A_1028 : vector<4x128xf32>
    %logistic3A_1032 = arith.divf %logistic3A_1030, %logistic3A_1031 : vector<4x128xf32>
    %slice3A_1033 = vector.extract_strided_slice %slice3A_1019 {offsets = [0, 128], sizes = [4, 128], strides = [1, 1]} : vector<4x384xf32> to vector<4x128xf32>
    %slice3A_1034 = vector.extract_strided_slice %add3A_1023 {offsets = [0, 128], sizes = [4, 128], strides = [1, 1]} : vector<4x384xf32> to vector<4x128xf32>
    %add3A_1035 = arith.addf %slice3A_1033, %slice3A_1034 : vector<4x128xf32>
    %logistic3A_1036 = arith.negf %add3A_1035 : vector<4x128xf32>
    %logistic3A_1037 = math.exp %logistic3A_1036 : vector<4x128xf32>
    %logistic3A_1038 = arith.constant 1.000000e+00 : f32
    %logistic3A_1039 = vector.broadcast %logistic3A_1038 : f32 to vector<4x128xf32>
    %logistic3A_1040 = arith.addf %logistic3A_1039, %logistic3A_1037 : vector<4x128xf32>
    %logistic3A_1041 = arith.divf %logistic3A_1039, %logistic3A_1040 : vector<4x128xf32>
    %slice3A_1042 = vector.extract_strided_slice %slice3A_1019 {offsets = [0, 256], sizes = [4, 128], strides = [1, 1]} : vector<4x384xf32> to vector<4x128xf32>
    %slice3A_1043 = vector.extract_strided_slice %add3A_1023 {offsets = [0, 256], sizes = [4, 128], strides = [1, 1]} : vector<4x384xf32> to vector<4x128xf32>
    %mul3A_1044 = arith.mulf %logistic3A_1032, %slice3A_1043 : vector<4x128xf32>
    %add3A_1045 = arith.addf %slice3A_1042, %mul3A_1044 : vector<4x128xf32>
    %tanh3A_1046 = math.tanh %add3A_1045 : vector<4x128xf32>
    %sub3A_1047 = arith.constant 1.000000e+00 : f32
    %sub3A_1048 = vector.broadcast %sub3A_1047 : f32 to vector<4x128xf32>
    %sub3A_1049 = arith.subf %sub3A_1048, %logistic3A_1041 : vector<4x128xf32>
    %mul3A_1050 = arith.mulf %sub3A_1049, %tanh3A_1046 : vector<4x128xf32>
    %mul3A_1051 = arith.mulf %logistic3A_1041, %add3A_1018 : vector<4x128xf32>
    %add3A_1052 = arith.addf %mul3A_1050, %mul3A_1051 : vector<4x128xf32>
    %broadcast_in_dim3A_1053 = arith.constant 0.000000e+00 : f32
    %broadcast_in_dim3A_1054 = vector.broadcast %broadcast_in_dim3A_1053 : f32 to vector<8x128xf32>
    %concatenate3A = tpu.concatenate %add3A_66, %add3A_100, %add3A_134, %add3A_168, %add3A_202, %add3A_236, %add3A_270, %add3A_304, %add3A_338, %add3A_372, %add3A_406, %add3A_440, %add3A_474, %add3A_508, %add3A_542, %add3A_576, %add3A_610, %add3A_644, %add3A_678, %add3A_712, %add3A_746, %add3A_780, %add3A_814, %add3A_848, %add3A_882, %add3A_916, %add3A_950, %add3A_984, %add3A_1018, %add3A_1052, %broadcast_in_dim3A_1054 in 0 : vector<4x128xf32>, vector<4x128xf32>, vector<4x128xf32>, vector<4x128xf32>, vector<4x128xf32>, vector<4x128xf32>, vector<4x128xf32>, vector<4x128xf32>, vector<4x128xf32>, vector<4x128xf32>, vector<4x128xf32>, vector<4x128xf32>, vector<4x128xf32>, vector<4x128xf32>, vector<4x128xf32>, vector<4x128xf32>, vector<4x128xf32>, vector<4x128xf32>, vector<4x128xf32>, vector<4x128xf32>, vector<4x128xf32>, vector<4x128xf32>, vector<4x128xf32>, vector<4x128xf32>, vector<4x128xf32>, vector<4x128xf32>, vector<4x128xf32>, vector<4x128xf32>, vector<4x128xf32>, vector<4x128xf32>, vector<8x128xf32> -> vector<128x128xf32>
    %mul3A_1055 = vector.broadcast %get3A_4 : vector<128x1xf32> to vector<128x128xf32>
    %mul3A_1056 = arith.mulf %concatenate3A, %mul3A_1055 : vector<128x128xf32>
    %get3A_1057 = arith.constant 0 : index
    %get3A_1058 = arith.constant 0 : index
    %get3A_1059 = vector.load %arg9[%get3A_1057, %get3A_1058] : memref<128x2xf32, #tpu.memory_space<vmem>>, vector<128x2xf32>
    %dot_general3A_1060 = arith.constant dense<0.000000e+00> : vector<128x2xf32>
    %dot_general3A_1061 = tpu.matmul %mul3A_1056, %get3A_1059, %dot_general3A_1060 {dimension_numbers = #tpu.dot_dimension_numbers<[1], [0], [0], [1], [0, 0, 1, 1], [], []>, transpose_lhs_hint = false} : vector<128x128xf32>, vector<128x2xf32>, vector<128x2xf32> -> vector<128x2xf32>
    %get3A_1062 = arith.constant 0 : index
    %get3A_1063 = arith.constant 0 : index
    %get3A_1064 = vector.load %arg10[%get3A_1062, %get3A_1063] : memref<1x2xf32, #tpu.memory_space<vmem>>, vector<1x2xf32>
    %add3A_1065 = vector.broadcast %get3A_1064 : vector<1x2xf32> to vector<128x2xf32>
    %add3A_1066 = arith.addf %dot_general3A_1061, %add3A_1065 : vector<128x2xf32>
    %swap3A = arith.constant 0 : index
    %swap3A_1067 = arith.constant 0 : index
    %swap3A_1068 = vector.load %arg11[%swap3A, %swap3A_1067] : memref<128x2xf32, #tpu.memory_space<vmem>>, vector<128x2xf32>
    tpu.vector_store %arg11[%swap3A, %swap3A_1067], %add3A_1066 {strides = array<i32>} : memref<128x2xf32, #tpu.memory_space<vmem>>, vector<128x2xf32>,
    return
  }
}

</mosaic_0001>

<sc_bundles>
// kernel: kernel.11.cloned.1.call-start
scs
__scs_entry_jumppad:
0x0: {  	(pc) =	sbr.rel $0x88, $3  }
0x1: {  	(tag) =	ssettag $0x0;
	lr =	simm.s32 $0x1  }
0x2: {  	[smem:$0x3F93] =	sst lr;
	_ =	strace $0xD0000000  }
0x3: {  	_ = 	snop  }
0x4: {  	_ = 	snop  }
0x5: {  	_ = 	snop  }
0x6: {  	_ = 	snop  }
0x7: {  	_ = 	snop  }
__scs_overlays_trampoline_lowered:
0x8: {  	[smem:$0x3FA2] =	sst s0  }
0x9: {  	[smem:$0x3FA3] =	sst s1  }
0xa: {  	[smem:$0x3FA4] =	sst s2  }
0xb: {  	[smem:$0x3FA5] =	sst s3  }
0xc: {  	[smem:$0x3FA6] =	sst s4  }
0xd: {  	[smem:$0x3FA7] =	sst s5  }
0xe: {  	[smem:$0x3FA8] =	sst s6  }
0xf: {  	[smem:$0x3FA9] =	sst s7  }
0x10: {  	[smem:$0x3FAA] =	sst s8  }
0x11: {  	[smem:$0x3FAB] =	sst s9;
	s0 =	simm.s32 @!p0 $0x0  }
0x12: {  	s1 =	sld [smem:$0x3F91];
	s0 =	simm.s32 @p0 $0x1  }
0x13: {  	[smem:$0x3FAC] =	sst s0;
	s0 =	simm.s32 @!p1 $0x0  }
0x14: {  	s2 =	sld [smem:$0x3F90];
	s0 =	simm.s32 @p1 $0x1  }
0x15: {  	[smem:$0x3FAD] =	sst s0;
	s0 =	simm.s32 @!p2 $0x0  }
0x16: {  	s3 =	sld [smem:$0x3FDB];
	s0 =	simm.s32 @p2 $0x1  }
0x17: {  	s4 =	simm.s32 $0x1BF5;
	[smem:$0x3FAF] =	sst s0  }
0x18: {  	s0 =	sld [smem:$0x3F92];
	_ =	swait.ge [sflag:s4], $0x0  }
0x19: {  	s7 =	sld [smem:$0x3F93]  }
0x1a: {  	s8 =	sadd.s32 $0xFFFFE003, lr  }
0x1b: {  	s9 =	sadd.s32 $0xFFFFFEF7, lr;
	s5 =	simm.s32 $0xFFFFFFFF;
	p2 =	slt.u32 s8, $0xFFFFF086  }
0x1c: {  	p1 =	slt.u32 s9, $0xF7A;
	s5 =	simm.s32 @!p2 $0x0  }
0x1d: {  	s5 =	simm.s32 @p1 $0x1;
	p0 =	seq.s32 s7, s2  }
0x1e: {  	s7 =	smul.u32 @!p0 $0xF7A, s2;
	p2 =	seq.s32 @!p0 s5, $0x0  }
0x1f: {  	s9 =	smul.u32 $0xF7A, s1;
	s8 =	simm.s32 @!p0 $0x1BF5;
	p2 =	por !p2, p0  }
0x20: {  	[sflag:s8] =	ssyncset.s32 @!p0 $0xFFFFF086;
	s6 =	sadd.s32 @!p0 s3, s7;
	s7 =	simm.s32 @!p0 $0x108  }
0x21: {  	s3 =	sadd.s32 s3, s9;
	s6 =	sadd.s32 @!p0 $0x88, s6;
	s7 =	simm.s32 @p2 $0x1082  }
0x22: {  	[simem:s7], [sflag:s8] =	dma.local @!p0 [hbm:s6], $0xF7A  }
0x23: {  	s9 =	sor.u32 $0xD0000000, s2;
	s6 =	simm.s32 $0x108;
	_ =	swait.ge @!p0 [sflag:s8], $0x0  }
0x24: {  	s3 =	sadd.s32 $0x88, s3;
	s6 =	simm.s32 @!p1 $0x1082;
	[sflag:s4] =	ssyncset.s32 $0xFFFFF086  }
0x25: {  	[simem:s6], [sflag:s4] =	dma.local [hbm:s3], $0xF7A  }
0x26: {  	[smem:$0x3F93] =	sst s1;
	(tag) =	ssettag s2;
	_ =	strace s9  }
0x27: {  	s1 =	sld [smem:$0x3FA3]  }
0x28: {  	s2 =	sld [smem:$0x3FA4]  }
0x29: {  	s4 =	sld [smem:$0x3FA6]  }
0x2a: {  	p0 =	seq.s32 s5, $0x0;
	s5 =	sld [smem:$0x3FA7]  }
0x2b: {  	s6 =	sld [smem:$0x3FA8]  }
0x2c: {  	s7 =	sld [smem:$0x3FA9]  }
0x2d: {  	s3 =	simm.s32 $0x108;
	s8 =	sld [smem:$0x3FAA]  }
0x2e: {  	s3 =	simm.s32 @!p0 $0x1082;
	s9 =	sld [smem:$0x3FAB]  }
0x2f: {  	lr =	sadd.s32 s0, s3;
	s0 =	sld [smem:$0x3FA2]  }
0x30: {  	s3 =	sld [smem:$0x3FA5]  }
0x31: {  	[smem:$0x3FAE] =	sst s10  }
0x32: {  	s10 =	sld [smem:$0x3FAC];
	_ =	sdelay $0x3  }
0x33: {  	p0 =	seq.s32 s10, $0x1;
	s10 =	sld [smem:$0x3FAE];
	_ =	sdelay $0x3  }
0x34: {  	[smem:$0x3FAE] =	sst s10  }
0x35: {  	s10 =	sld [smem:$0x3FAD];
	_ =	sdelay $0x3  }
0x36: {  	p1 =	seq.s32 s10, $0x1;
	s10 =	sld [smem:$0x3FAE];
	_ =	sdelay $0x3  }
0x37: {  	[smem:$0x3FAE] =	sst s10  }
0x38: {  	s10 =	sld [smem:$0x3FAF]  }
0x39: {  	_ = 	snop;
	(pc) =	sbr.ind lr, $3  }
0x3a: {  	_ = 	snop  }
0x3b: {  	_ = 	snop  }
0x3c: {  	p2 =	seq.s32 s10, $0x1;
	s10 =	sld [smem:$0x3FAE]  }
0x3d: {  	_ =	shalt  }
0x3e: {  	_ =	shalt  }
0x3f: {  	_ =	shalt  }
0x40: {  	_ =	shalt  }
0x41: {  	_ =	shalt  }
0x42: {  	_ =	shalt  }
0x43: {  	_ =	shalt  }
0x44: {  	_ =	shalt  }
0x45: {  	_ =	shalt  }
0x46: {  	_ =	shalt  }
0x47: {  	_ =	shalt  }
0x48: {  	_ =	shalt  }
0x49: {  	_ =	shalt  }
0x4a: {  	_ =	shalt  }
0x4b: {  	_ =	shalt  }
0x4c: {  	_ =	shalt  }
0x4d: {  	_ =	shalt  }
0x4e: {  	_ =	shalt  }
0x4f: {  	_ =	shalt  }
0x50: {  	_ =	shalt  }
0x51: {  	_ =	shalt  }
0x52: {  	_ =	shalt  }
0x53: {  	_ =	shalt  }
0x54: {  	_ =	shalt  }
0x55: {  	_ =	shalt  }
0x56: {  	_ =	shalt  }
0x57: {  	_ =	shalt  }
0x58: {  	_ =	shalt  }
0x59: {  	_ =	shalt  }
0x5a: {  	_ =	shalt  }
0x5b: {  	_ =	shalt  }
0x5c: {  	_ =	shalt  }
0x5d: {  	_ =	shalt  }
0x5e: {  	_ =	shalt  }
0x5f: {  	_ =	shalt  }
0x60: {  	_ =	shalt  }
0x61: {  	_ =	shalt  }
0x62: {  	_ =	shalt  }
0x63: {  	_ =	shalt  }
0x64: {  	_ =	shalt  }
0x65: {  	_ =	shalt  }
0x66: {  	_ =	shalt  }
0x67: {  	_ =	shalt  }
0x68: {  	_ =	shalt  }
0x69: {  	_ =	shalt  }
0x6a: {  	_ =	shalt  }
0x6b: {  	_ =	shalt  }
0x6c: {  	_ =	shalt  }
0x6d: {  	_ =	shalt  }
0x6e: {  	_ =	shalt  }
0x6f: {  	_ =	shalt  }
0x70: {  	_ =	shalt  }
0x71: {  	_ =	shalt  }
0x72: {  	_ =	shalt  }
0x73: {  	_ =	shalt  }
0x74: {  	_ =	shalt  }
0x75: {  	_ =	shalt  }
0x76: {  	_ =	shalt  }
0x77: {  	_ =	shalt  }
0x78: {  	_ =	shalt  }
0x79: {  	_ =	shalt  }
0x7a: {  	_ =	shalt  }
0x7b: {  	_ =	shalt  }
0x7c: {  	_ =	shalt  }
0x7d: {  	_ =	shalt  }
0x7e: {  	_ =	shalt  }
0x7f: {  	_ =	shalt  }
0x80: {  	_ =	shalt  }
0x81: {  	_ =	shalt  }
0x82: {  	_ =	shalt  }
0x83: {  	_ =	shalt  }
0x84: {  	_ =	shalt  }
0x85: {  	_ =	shalt  }
0x86: {  	_ =	shalt  }
0x87: {  	_ =	shalt  }
.Lfunc_end0:
.L_simem_size_0:
called_computation.1_lowered:
.L_overlay_start_0:
0x88: {  	s2 =	sld [smem:$0x3FD9]  }
0x89: {  	s3 =	sld [smem:$0x3FFE];
	_ =	sdelay $0x1  }
0x8a: {  	s1 =	srdreg.scid  }
0x8b: {  	s0 =	sand.u32 $0x1, s1  }
0x8c: {  	s16 =	sshll.u32 s0, $0xA;
	s2 =	sadd.s32 s3, s2  }
0x8d: {  	s2 =	sadd.s32 s2, s16  }
0x8e: {  	[smem:$0x3FBA] =	sst s2  }
0x8f: {  	_ = 	snop  }
0x90: {  	(tm) =	ssettm $0x1  }
0x91: {  	s17 =	sld [smem:$0x3FFB];
	_ =	sdelay $0x3  }
0x92: {  	_ =	strace s17  }
0x93: {  	s2 =	sld [smem:$0x3FFC];
	_ =	sdelay $0x3  }
0x94: {  	_ =	strace s2  }
0x95: {  	s2 =	sld [smem:$0x3FFD];
	_ =	sdelay $0x3  }
0x96: {  	_ =	strace s2  }
0x97: {  	_ =	strace $0x8FFFFFFF  }
0x98: {  	s18 =	sld [smem:$0x3FDB];
	_ =	sdelay $0x1  }
0x99: {  	s19 =	simm.s32 $_scs_section_size  }
0x9a: {  	s4 =	simm.s32 $_size__tile_overlayer_lowered;
	s5 =	simm.s32 $_tile_overlayer_lowered  }
0x9b: {  	s22 =	simm.s32 $0x1BFF;
	s21 =	sshll.u32 s5, $0x1;
	s2 =	sadd.s32 s19, s18  }
0x9c: {  	s6 =	simm.s32 $0x0;
	s20 =	sshll.u32 s4, $0x1;
	s4 =	sadd.s32 s21, s2  }
0x9d: {  	[timem:s6], [sflag:s22] =	dma.local [hbm:s4], s20  }
0x9e: {  	_ =	swait.ge [sflag:s22], s20  }
0x9f: {  	s3 =	ssub.s32 $0x0, s20;
	[sflag:s22] =	ssyncset.done $0x0  }
0xa0: {  	[sflag:s22] =	ssyncadd.s32 s3;
	_ =	sdelay $0x1  }
0xa1: {  	s23 =	simm.s32 $0x1B8B  }
0xa2: {  	_ =	swait.ge [sflag:s23], $0x1  }
0xa3: {  	[sflag:s23] =	ssyncset.done $0x0  }
0xa4: {  	s25 =	simm.s32 $0x1B8E;
	s24 =	sld [smem:$0x3FFE];
	[sflag:s23] =	ssyncadd.s32 $0xFFFFFFFF  }
0xa5: {  	s26 =	simm.s32 $execute0_lowered;
	[smem:$0x3FD2] =	sst s25  }
0xa6: {  	s4 =	sshll.u32 s26, $0x1;
	_ =	strace $0x80000049;
	[dreg:$0x1] =	wrdreg $0xFFFFFFFF  }
0xa7: {  	s28 =	simm.s32 $_size_execute0_lowered;
	s2 =	sadd.s32 s2, s4;
	[dreg:$0x0] =	wrdreg $0x0  }
0xa8: {  	s4 =	sshll.u32 s28, $0x1;
	[dreg:$0x2] =	wrdreg s2  }
0xa9: {  	[dreg:$0x3] =	wrdreg s4  }
0xaa: {  	[dreg:$0x4] =	wrdreg $0xC0  }
0xab: {  	_ =	task [dreg:s6], $0x5FFFF  }
0xac: {  	[dreg:$0x1] =	wrdreg $0xFFFFFFFF  }
0xad: {  	[dreg:$0x0] =	wrdreg $0x60  }
0xae: {  	[dreg:$0x2] =	wrdreg s24  }
0xaf: {  	[dreg:$0x3] =	wrdreg $0x82000  }
0xb0: {  	[dreg:$0x4] =	wrdreg $0x9  }
0xb1: {  	_ =	task.clear_ibuf [dreg:s6], $0x5FFFF;
	_ =	strace $0x90000049  }
0xb2: {  	s29 =	simm.s32 $0x9;
	_ =	strace $0x8000004B  }
0xb3: {  	_ =	swait.ge [sflag:s29], $0x1  }
0xb4: {  	[sflag:s29] =	ssyncadd.s32 $0xFFFFFFFF  }
0xb5: {  	_ =	strace $0x9000004B  }
0xb6: {  	_ =	sfence  }
0xb7: {  	s30 =	sld [smem:$0x0];
	_ =	sdelay $0x2  }
0xb8: {  	s31 =	sshll.u32 s1, $0xD;
	s1 =	sshrl.u32 s1, $0x2  }
0xb9: {  	s3 =	sand.u32 $0x4000, s31;
	s1 =	sadd.s32 s1, s30  }
0xba: {  	s0 =	sor.u32 s3, s0;
	s1 =	sshll.u32 s1, $0x11  }
0xbb: {  	s0 =	sor.u32 s1, s0  }
0xbc: {  	s0 =	sadd.s32 $0x8F2B, s0  }
0xbd: {  	[sflag:s0] =	ssyncadd.remote.s32 $0x1  }
0xbe: {  	_ =	sfence.sel $0xFFFF  }
0xbf: {  	[dreg:$0x0] =	wrdreg $0xFFFFFFFF;
	(pc) =	sbr.abs _section_cstart, $3  }
0xc0: {  	[dreg:$0x1] =	wrdreg $0xFFFFFFFF  }
0xc1: {  	_ =	task.clear_ibuf [dreg:s6], $0x2FFFF;
	_ =	strace $0x9FFFFFFF  }
0xc2: {  	(tm) =	ssettm $0x7FFFFFFF  }
0xc3: {  	_ =	shalt  }
tec
execute0_lowered:
.L_overlay_start_1:
0x0: {  	(tag) =	ssettag $0x1  }
0x1: {  	s1 =	srdreg.scid  }
0x2: {  	s1 =	sand.u32 $0x1, s1  }
0x3: {  	p0 =	seq.s32 s1, $0x1  }
.Ltmp0:
0x4: {  	_ = 	snop;
	(pc) =	sbr.rel @p0 .LBB2_4-.Ltmp0, $4  }
0x5: {  	s12 =	rddreg [dreg:$0x0]  }
0x6: {  	s2 =	rddreg [dreg:$0x1];
	s5 =	simm.s32 $0x0  }
0x7: {  	[smem:$0x7FF] =	sst s5  }
0x8: {  	s0 =	rddreg [dreg:$0x2];
	_ =	strace $0x8000004A;
	s1 =	stileid.u32  }
0x9: {  	s3 =	smul.u32 $0x50000, s1  }
0xa: {  	s19 =	smul.u32 $0x2800, s1  }
0xb: {  	s4 =	sadd.s32 $0x49A00, s12;
	s3 =	sshrl.u32 s3, $0x2  }
0xc: {  	s29 =	sshll.u32 s1, $0x6;
	s7 =	sadd.s32 s4, s19;
	s6 =	sadd.s32 s3, s2  }
0xd: {  	s3 =	sor.u32 $0x1C05, s29;
	s4 =	sshrl.u32 s6, $0x3;
	s6 =	simm.s32 $0x5  }
0xe: {  	[spmem:s4], [sflag:s3] =	dma.local [hbm:s7], $0x2800  }
0xf: {  	s30 =	smul.u32 $0x9E00, s1;
	_ =	swait.ge [sflag:s6], $0x2800  }
0x10: {  	[sflag:s6] =	ssyncset.done $0x0  }
0x11: {  	s15 =	sadd.s32 $0xDE00, s12;
	s7 =	sshrl.u32 s30, $0x3;
	[sflag:s6] =	ssyncadd.s32 $0xFFFFD800  }
0x12: {  	s7 =	sadd.s32 s15, s7;
	[bflag:$0x0] =	sbarrier.arrive $0xFFFF  }
0x13: {  	[tilespmem:s5], [sflag:$0x5] =	stream.linear.gather [hbm4b:s7+s5], $0x100, $0x38;
	[tilespmem:$0x1C200] =	vst v63  }
0x14: {  	_ =	swait.ge [sflag:s6], $0x100  }
0x15: {  	s8 =	simm.s32 $0x100;
	[sflag:s6] =	ssyncset.done $0x0  }
0x16: {  	s9 =	simm.s32 $0x80;
	s7 =	sadd.s32 $0x20, s7;
	[sflag:s6] =	ssyncadd.s32 $0xFFFFFF00  }
0x17: {  	[tilespmem:s8], [sflag:$0x2] =	stream.linear.gather [hbm4b:s7+s5], $0x100, $0x38;
	[tilespmem:$0x1C200] =	vst v63  }
0x18: {  	s10 =	simm.s32 $0x200;
	s11 =	simm.s32 $0x2;
	s7 =	sadd.s32 $0x21A00, s12  }
0x19: {  	[tilespmem:s10], [sflag:$0x3] =	stream.indirect.gather [hbm4b:s7+s9], $0x80, s5, s9, $0xb8;
	[tilespmem:$0x1C200] =	vst v63  }
0x1a: {  	_ =	swait.ge [sflag:s11], $0x100  }
0x1b: {  	[sflag:s11] =	ssyncset.done $0x0  }
0x1c: {  	s13 =	simm.s32 $0x4200;
	s14 =	simm.s32 $0x3;
	[sflag:s11] =	ssyncadd.s32 $0xFFFFFF00  }
0x1d: {  	[tilespmem:s13], [sflag:$0x4] =	stream.indirect.gather [hbm4b:s7+s9], $0x80, s8, s9, $0xb8;
	[tilespmem:$0x1C200] =	vst v63  }
0x1e: {  	_ =	swait.ge [sflag:s14], $0x4000  }
0x1f: {  	[sflag:s14] =	ssyncset.done $0x0  }
0x20: {  	s16 =	smul.u32 $0x13C0, s1;
	[sflag:s14] =	ssyncadd.s32 $0xFFFFC000  }
0x21: {  	[spmem:s2] =	stream.indirect.scatter.add.f32 [tilespmem:s10], [sflag:$0x5], $0x80, s9, s9, $0xb8;
	[tilespmem:$0x1C200] =	vst v63  }
0x22: {  	s15 =	sadd.s32 s16, s15;
	_ =	swait.ge [sflag:s6], $0x4000  }
0x23: {  	s20 =	sadd.s32 $0xFFFFEC80, s15;
	[sflag:s6] =	ssyncset.done $0x0  }
0x24: {  	s16 =	simm.s32 $0x1;
	s17 =	sadd.s32 $0x13C0, s20;
	[sflag:s6] =	ssyncadd.s32 $0xFFFFC000  }
0x25: {  	[tilespmem:s5], [sflag:$0x1] =	stream.linear.gather [hbm4b:s17+s5], $0x100, $0x38;
	[tilespmem:$0x1C200] =	vst v63  }
0x26: {  	_ =	swait.ge [sflag:s16], $0x100  }
0x27: {  	[sflag:s16] =	ssyncset.done $0x0  }
0x28: {  	s17 =	simm.s32 $0x4;
	[sflag:s16] =	ssyncadd.s32 $0xFFFFFF00  }
0x29: {  	[tilespmem:s10], [sflag:$0x3] =	stream.indirect.gather [hbm4b:s7+s9], $0x80, s5, s9, $0xb8;
	[tilespmem:$0x1C200] =	vst v63  }
0x2a: {  	_ =	swait.ge [sflag:s17], $0x4000  }
0x2b: {  	[sflag:s17] =	ssyncset.done $0x0  }
0x2c: {  	s18 =	simm.s32 $0x180;
	[sflag:s17] =	ssyncadd.s32 $0xFFFFC000  }
0x2d: {  	[spmem:s2] =	stream.indirect.scatter.add.f32 [tilespmem:s13], [sflag:$0x5], $0x80, s18, s9, $0xb8;
	[tilespmem:$0x1C200] =	vst v63  }
0x2e: {  	_ =	swait.ge [sflag:s6], $0x4000  }
0x2f: {  	s31 =	sadd.s32 s19, s12;
	s19 =	simm.s32 $0xFFFFECC0;
	[sflag:s6] =	ssyncset.done $0x0  }
0x30: {  	s20 =	sadd.s32 $0x13E0, s20;
	s12 =	sadd.s32 $0x71A00, s31;
	[sflag:s6] =	ssyncadd.s32 $0xFFFFC000  }
.LBB2_2:
0x31: {  	[tilespmem:s8], [sflag:$0x2] =	stream.linear.gather [hbm4b:s20+s5], $0x100, $0x38;
	[tilespmem:$0x1C200] =	vst v63  }
0x32: {  	s20 =	smov.u32 s19  }
0x33: {  	p0 =	sne.s32 s19, $0xFFFFFFC0;
	s19 =	sadd.s32 $0x40, s19;
	_ =	swait.ge [sflag:s11], $0x100  }
0x34: {  	[sflag:s11] =	ssyncset.done $0x0  }
0x35: {  	[sflag:s11] =	ssyncadd.s32 $0xFFFFFF00  }
0x36: {  	[tilespmem:s13], [sflag:$0x4] =	stream.indirect.gather [hbm4b:s7+s9], $0x80, s8, s9, $0xb8;
	[tilespmem:$0x1C200] =	vst v63  }
0x37: {  	_ =	swait.ge [sflag:s14], $0x4000  }
0x38: {  	[sflag:s14] =	ssyncset.done $0x0  }
0x39: {  	[sflag:s14] =	ssyncadd.s32 $0xFFFFC000  }
0x3a: {  	[spmem:s2] =	stream.indirect.scatter.add.f32 [tilespmem:s10], [sflag:$0x5], $0x80, s9, s9, $0xb8;
	[tilespmem:$0x1C200] =	vst v63  }
0x3b: {  	_ =	swait.ge [sflag:s6], $0x4000  }
0x3c: {  	s20 =	sadd.s32 s20, s15;
	[sflag:s6] =	ssyncset.done $0x0  }
0x3d: {  	s21 =	sadd.s32 $0x13C0, s20;
	[sflag:s6] =	ssyncadd.s32 $0xFFFFC000  }
0x3e: {  	[tilespmem:s5], [sflag:$0x1] =	stream.linear.gather [hbm4b:s21+s5], $0x100, $0x38;
	[tilespmem:$0x1C200] =	vst v63  }
0x3f: {  	_ =	swait.ge [sflag:s16], $0x100  }
0x40: {  	[sflag:s16] =	ssyncset.done $0x0  }
0x41: {  	[sflag:s16] =	ssyncadd.s32 $0xFFFFFF00  }
0x42: {  	[tilespmem:s10], [sflag:$0x3] =	stream.indirect.gather [hbm4b:s7+s9], $0x80, s5, s9, $0xb8;
	[tilespmem:$0x1C200] =	vst v63  }
0x43: {  	_ =	swait.ge [sflag:s17], $0x4000  }
0x44: {  	[sflag:s17] =	ssyncset.done $0x0  }
.Ltmp1:
0x45: {  	[sflag:s17] =	ssyncadd.s32 $0xFFFFC000;
	(pc) =	sbr.rel @p0 .LBB2_2-.Ltmp1, $4  }
0x46: {  	[spmem:s2] =	stream.indirect.scatter.add.f32 [tilespmem:s13], [sflag:$0x5], $0x80, s18, s9, $0xb8;
	[tilespmem:$0x1C200] =	vst v63  }
0x47: {  	_ =	swait.ge [sflag:s6], $0x4000  }
0x48: {  	[sflag:s6] =	ssyncset.done $0x0  }
0x49: {  	s20 =	sadd.s32 $0x13E0, s20;
	[sflag:s6] =	ssyncadd.s32 $0xFFFFC000  }
0x4a: {  	[tilespmem:s8], [sflag:$0x2] =	stream.linear.gather [hbm4b:s20+s5], $0x100, $0x38;
	[tilespmem:$0x1C200] =	vst v63  }
0x4b: {  	s23 =	simm.s32 $0x2  }
0x4c: {  	_ =	swait.ge [sflag:s23], $0x100  }
0x4d: {  	s24 =	simm.s32 $0x80;
	s6 =	simm.s32 $0x100;
	[sflag:s23] =	ssyncset.done $0x0  }
0x4e: {  	s25 =	simm.s32 $0x4200;
	s26 =	simm.s32 $0x3;
	[sflag:s23] =	ssyncadd.s32 $0xFFFFFF00  }
0x4f: {  	[tilespmem:s25], [sflag:$0x4] =	stream.indirect.gather [hbm4b:s7+s24], $0x80, s6, s24, $0xb8;
	[tilespmem:$0x1C200] =	vst v63  }
0x50: {  	_ =	swait.ge [sflag:s26], $0x4000  }
0x51: {  	[sflag:s26] =	ssyncset.done $0x0  }
0x52: {  	s28 =	simm.s32 $0x200;
	s29 =	simm.s32 $0x5;
	[sflag:s26] =	ssyncadd.s32 $0xFFFFC000  }
0x53: {  	[spmem:s2] =	stream.indirect.scatter.add.f32 [tilespmem:s28], [sflag:$0x5], $0x80, s24, s24, $0xb8;
	[tilespmem:$0x1C200] =	vst v63  }
0x54: {  	_ =	swait.ge [sflag:s29], $0x4000  }
0x55: {  	[sflag:s29] =	ssyncset.done $0x0  }
0x56: {  	s30 =	simm.s32 $0x4;
	[sflag:s29] =	ssyncadd.s32 $0xFFFFC000  }
0x57: {  	_ =	swait.ge [sflag:s30], $0x4000  }
0x58: {  	[sflag:s30] =	ssyncset.done $0x0  }
0x59: {  	s31 =	simm.s32 $0x180;
	[sflag:s30] =	ssyncadd.s32 $0xFFFFC000  }
0x5a: {  	[spmem:s2] =	stream.indirect.scatter.add.f32 [tilespmem:s25], [sflag:$0x5], $0x80, s31, s24, $0xb8;
	[tilespmem:$0x1C200] =	vst v63  }
0x5b: {  	_ =	swait.ge [sflag:s29], $0x4000  }
0x5c: {  	[sflag:s29] =	ssyncset.done $0x0  }
0x5d: {  	[sflag:s29] =	ssyncadd.s32 $0xFFFFC000  }
0x5e: {  	[bflag:$0x0] =	sbarrier.arrive $0xFFFF  }
0x5f: {  	[hbm:s12], [sflag:s3] =	dma.local [spmem:s4], $0x2800  }
0x60: {  	_ =	swait.ge [sflag:s29], $0x2800  }
0x61: {  	[sflag:s29] =	ssyncset.done $0x0  }
0x62: {  	[sflag:s29] =	ssyncadd.s32 $0xFFFFD800  }
.LBB2_4:
0x63: {  	_ =	sfence.sel $0x180000  }
0x64: {  	[bflag:$0x0] =	sbarrier.arrive $0xFFFF  }
0x65: {  	p0 =	sne.s32 s1, $0x0;
	_ =	strace $0x9000004A  }
0x66: {  	s0 =	sadd.s32 @!p0 $0x100000, s0;
	[bflag:$0x2] =	sbarrier.arrive $0xFFFF  }
0x67: {  	[sflag:s0] =	ssyncadd.tile.s32 @!p0 $0x1;
	_ =	shalt  }
.Lfunc_end2:
_tile_overlayer_lowered:
.L_overlay_start_2:
0x68: {  	(tag) =	ssettag $0x2  }
0x69: {  	s0 =	rddreg [dreg:$0x0];
	s2 =	stileid.u32  }
0x6a: {  	s1 =	rddreg [dreg:$0x1];
	p0 =	sne.s32 s2, $0x0  }
0x6b: {  	s3 =	rddreg [dreg:$0x2];
	[bflag:$0x3] =	sbarrier.arrive $0xFFFF;
	s2 =	simm.s32 @!p0 $0x1C05  }
0x6c: {  	[timem:s3], [sflag:s2] =	dma.local @!p0 [hbm:s0], s1  }
0x6d: {  	s0 =	simm.s32 @!p0 $0x5  }
0x6e: {  	_ =	swait.ge @!p0 [sflag:s0], s1  }
0x6f: {  	s1 =	ssub.s32 @!p0 $0x0, s1;
	[sflag:s0] =	ssyncset.done @!p0 $0x0  }
0x70: {  	[sflag:s0] =	ssyncadd.s32 @!p0 s1  }
0x71: {  	[bflag:$0x3] =	sbarrier.arrive $0xFFFF  }
0x72: {  	_ =	shalt  }

// kernel: kernel.14.cloned.1.call-start
scs
__scs_entry_jumppad:
0x0: {  	(pc) =	sbr.rel $0x88, $3  }
0x1: {  	(tag) =	ssettag $0x0;
	lr =	simm.s32 $0x1  }
0x2: {  	[smem:$0x3F93] =	sst lr;
	_ =	strace $0xD0000000  }
0x3: {  	_ = 	snop  }
0x4: {  	_ = 	snop  }
0x5: {  	_ = 	snop  }
0x6: {  	_ = 	snop  }
0x7: {  	_ = 	snop  }
__scs_overlays_trampoline_lowered:
0x8: {  	[smem:$0x3FA2] =	sst s0  }
0x9: {  	[smem:$0x3FA3] =	sst s1  }
0xa: {  	[smem:$0x3FA4] =	sst s2  }
0xb: {  	[smem:$0x3FA5] =	sst s3  }
0xc: {  	[smem:$0x3FA6] =	sst s4  }
0xd: {  	[smem:$0x3FA7] =	sst s5  }
0xe: {  	[smem:$0x3FA8] =	sst s6  }
0xf: {  	[smem:$0x3FA9] =	sst s7  }
0x10: {  	[smem:$0x3FAA] =	sst s8  }
0x11: {  	[smem:$0x3FAB] =	sst s9;
	s0 =	simm.s32 @!p0 $0x0  }
0x12: {  	s1 =	sld [smem:$0x3F91];
	s0 =	simm.s32 @p0 $0x1  }
0x13: {  	[smem:$0x3FAC] =	sst s0;
	s0 =	simm.s32 @!p1 $0x0  }
0x14: {  	s2 =	sld [smem:$0x3F90];
	s0 =	simm.s32 @p1 $0x1  }
0x15: {  	[smem:$0x3FAD] =	sst s0;
	s0 =	simm.s32 @!p2 $0x0  }
0x16: {  	s3 =	sld [smem:$0x3FDB];
	s0 =	simm.s32 @p2 $0x1  }
0x17: {  	s4 =	simm.s32 $0x1BF5;
	[smem:$0x3FAF] =	sst s0  }
0x18: {  	s0 =	sld [smem:$0x3F92];
	_ =	swait.ge [sflag:s4], $0x0  }
0x19: {  	s7 =	sld [smem:$0x3F93]  }
0x1a: {  	s8 =	sadd.s32 $0xFFFFE003, lr  }
0x1b: {  	s9 =	sadd.s32 $0xFFFFFEF7, lr;
	s5 =	simm.s32 $0xFFFFFFFF;
	p2 =	slt.u32 s8, $0xFFFFF086  }
0x1c: {  	p1 =	slt.u32 s9, $0xF7A;
	s5 =	simm.s32 @!p2 $0x0  }
0x1d: {  	s5 =	simm.s32 @p1 $0x1;
	p0 =	seq.s32 s7, s2  }
0x1e: {  	s7 =	smul.u32 @!p0 $0xF7A, s2;
	p2 =	seq.s32 @!p0 s5, $0x0  }
0x1f: {  	s9 =	smul.u32 $0xF7A, s1;
	s8 =	simm.s32 @!p0 $0x1BF5;
	p2 =	por !p2, p0  }
0x20: {  	[sflag:s8] =	ssyncset.s32 @!p0 $0xFFFFF086;
	s6 =	sadd.s32 @!p0 s3, s7;
	s7 =	simm.s32 @!p0 $0x108  }
0x21: {  	s3 =	sadd.s32 s3, s9;
	s6 =	sadd.s32 @!p0 $0x88, s6;
	s7 =	simm.s32 @p2 $0x1082  }
0x22: {  	[simem:s7], [sflag:s8] =	dma.local @!p0 [hbm:s6], $0xF7A  }
0x23: {  	s9 =	sor.u32 $0xD0000000, s2;
	s6 =	simm.s32 $0x108;
	_ =	swait.ge @!p0 [sflag:s8], $0x0  }
0x24: {  	s3 =	sadd.s32 $0x88, s3;
	s6 =	simm.s32 @!p1 $0x1082;
	[sflag:s4] =	ssyncset.s32 $0xFFFFF086  }
0x25: {  	[simem:s6], [sflag:s4] =	dma.local [hbm:s3], $0xF7A  }
0x26: {  	[smem:$0x3F93] =	sst s1;
	(tag) =	ssettag s2;
	_ =	strace s9  }
0x27: {  	s1 =	sld [smem:$0x3FA3]  }
0x28: {  	s2 =	sld [smem:$0x3FA4]  }
0x29: {  	s4 =	sld [smem:$0x3FA6]  }
0x2a: {  	p0 =	seq.s32 s5, $0x0;
	s5 =	sld [smem:$0x3FA7]  }
0x2b: {  	s6 =	sld [smem:$0x3FA8]  }
0x2c: {  	s7 =	sld [smem:$0x3FA9]  }
0x2d: {  	s3 =	simm.s32 $0x108;
	s8 =	sld [smem:$0x3FAA]  }
0x2e: {  	s3 =	simm.s32 @!p0 $0x1082;
	s9 =	sld [smem:$0x3FAB]  }
0x2f: {  	lr =	sadd.s32 s0, s3;
	s0 =	sld [smem:$0x3FA2]  }
0x30: {  	s3 =	sld [smem:$0x3FA5]  }
0x31: {  	[smem:$0x3FAE] =	sst s10  }
0x32: {  	s10 =	sld [smem:$0x3FAC];
	_ =	sdelay $0x3  }
0x33: {  	p0 =	seq.s32 s10, $0x1;
	s10 =	sld [smem:$0x3FAE];
	_ =	sdelay $0x3  }
0x34: {  	[smem:$0x3FAE] =	sst s10  }
0x35: {  	s10 =	sld [smem:$0x3FAD];
	_ =	sdelay $0x3  }
0x36: {  	p1 =	seq.s32 s10, $0x1;
	s10 =	sld [smem:$0x3FAE];
	_ =	sdelay $0x3  }
0x37: {  	[smem:$0x3FAE] =	sst s10  }
0x38: {  	s10 =	sld [smem:$0x3FAF]  }
0x39: {  	_ = 	snop;
	(pc) =	sbr.ind lr, $3  }
0x3a: {  	_ = 	snop  }
0x3b: {  	_ = 	snop  }
0x3c: {  	p2 =	seq.s32 s10, $0x1;
	s10 =	sld [smem:$0x3FAE]  }
0x3d: {  	_ =	shalt  }
0x3e: {  	_ =	shalt  }
0x3f: {  	_ =	shalt  }
0x40: {  	_ =	shalt  }
0x41: {  	_ =	shalt  }
0x42: {  	_ =	shalt  }
0x43: {  	_ =	shalt  }
0x44: {  	_ =	shalt  }
0x45: {  	_ =	shalt  }
0x46: {  	_ =	shalt  }
0x47: {  	_ =	shalt  }
0x48: {  	_ =	shalt  }
0x49: {  	_ =	shalt  }
0x4a: {  	_ =	shalt  }
0x4b: {  	_ =	shalt  }
0x4c: {  	_ =	shalt  }
0x4d: {  	_ =	shalt  }
0x4e: {  	_ =	shalt  }
0x4f: {  	_ =	shalt  }
0x50: {  	_ =	shalt  }
0x51: {  	_ =	shalt  }
0x52: {  	_ =	shalt  }
0x53: {  	_ =	shalt  }
0x54: {  	_ =	shalt  }
0x55: {  	_ =	shalt  }
0x56: {  	_ =	shalt  }
0x57: {  	_ =	shalt  }
0x58: {  	_ =	shalt  }
0x59: {  	_ =	shalt  }
0x5a: {  	_ =	shalt  }
0x5b: {  	_ =	shalt  }
0x5c: {  	_ =	shalt  }
0x5d: {  	_ =	shalt  }
0x5e: {  	_ =	shalt  }
0x5f: {  	_ =	shalt  }
0x60: {  	_ =	shalt  }
0x61: {  	_ =	shalt  }
0x62: {  	_ =	shalt  }
0x63: {  	_ =	shalt  }
0x64: {  	_ =	shalt  }
0x65: {  	_ =	shalt  }
0x66: {  	_ =	shalt  }
0x67: {  	_ =	shalt  }
0x68: {  	_ =	shalt  }
0x69: {  	_ =	shalt  }
0x6a: {  	_ =	shalt  }
0x6b: {  	_ =	shalt  }
0x6c: {  	_ =	shalt  }
0x6d: {  	_ =	shalt  }
0x6e: {  	_ =	shalt  }
0x6f: {  	_ =	shalt  }
0x70: {  	_ =	shalt  }
0x71: {  	_ =	shalt  }
0x72: {  	_ =	shalt  }
0x73: {  	_ =	shalt  }
0x74: {  	_ =	shalt  }
0x75: {  	_ =	shalt  }
0x76: {  	_ =	shalt  }
0x77: {  	_ =	shalt  }
0x78: {  	_ =	shalt  }
0x79: {  	_ =	shalt  }
0x7a: {  	_ =	shalt  }
0x7b: {  	_ =	shalt  }
0x7c: {  	_ =	shalt  }
0x7d: {  	_ =	shalt  }
0x7e: {  	_ =	shalt  }
0x7f: {  	_ =	shalt  }
0x80: {  	_ =	shalt  }
0x81: {  	_ =	shalt  }
0x82: {  	_ =	shalt  }
0x83: {  	_ =	shalt  }
0x84: {  	_ =	shalt  }
0x85: {  	_ =	shalt  }
0x86: {  	_ =	shalt  }
0x87: {  	_ =	shalt  }
.Lfunc_end0:
.L_simem_size_0:
called_computation.2_lowered:
.L_overlay_start_0:
0x88: {  	s2 =	sld [smem:$0x3FD9]  }
0x89: {  	s3 =	sld [smem:$0x3FFE];
	_ =	sdelay $0x1  }
0x8a: {  	s1 =	srdreg.scid  }
0x8b: {  	s0 =	sand.u32 $0x1, s1  }
0x8c: {  	s17 =	sshll.u32 s0, $0xA;
	s2 =	sadd.s32 s3, s2  }
0x8d: {  	s2 =	sadd.s32 s2, s17  }
0x8e: {  	[smem:$0x3FBA] =	sst s2  }
0x8f: {  	_ = 	snop  }
0x90: {  	s2 =	sld [smem:$0x3FD0];
	(tm) =	ssettm $0x1  }
0x91: {  	s18 =	sld [smem:$0x3FFB];
	_ =	sdelay $0x3  }
0x92: {  	_ =	strace s18  }
0x93: {  	s3 =	sld [smem:$0x3FFC];
	_ =	sdelay $0x3  }
0x94: {  	_ =	strace s3  }
0x95: {  	s3 =	sld [smem:$0x3FFD];
	_ =	sdelay $0x3  }
0x96: {  	_ =	strace s3  }
0x97: {  	_ =	strace $0x8FFFFFFF  }
0x98: {  	s19 =	sld [smem:$0x3FDB];
	_ =	sdelay $0x1  }
0x99: {  	s4 =	simm.s32 $_scs_section_size  }
0x9a: {  	s5 =	simm.s32 $_size__tile_overlayer_lowered;
	s6 =	simm.s32 $_tile_overlayer_lowered  }
0x9b: {  	s22 =	simm.s32 $0x1BFF;
	s21 =	sshll.u32 s6, $0x1;
	s3 =	sadd.s32 s4, s19  }
0x9c: {  	s7 =	simm.s32 $0x0;
	s20 =	sshll.u32 s5, $0x1;
	s5 =	sadd.s32 s21, s3  }
0x9d: {  	[timem:s7], [sflag:s22] =	dma.local [hbm:s5], s20  }
0x9e: {  	_ =	swait.ge [sflag:s22], s20  }
0x9f: {  	s4 =	ssub.s32 $0x0, s20;
	[sflag:s22] =	ssyncset.done $0x0  }
0xa0: {  	[sflag:s22] =	ssyncadd.s32 s4;
	_ =	sdelay $0x1  }
0xa1: {  	s23 =	simm.s32 $0x1B8B  }
0xa2: {  	_ =	swait.ge [sflag:s23], $0x1  }
0xa3: {  	[sflag:s23] =	ssyncset.done $0x0  }
0xa4: {  	s25 =	simm.s32 $0x1B8E;
	s24 =	sld [smem:$0x3FFE];
	[sflag:s23] =	ssyncadd.s32 $0xFFFFFFFF  }
0xa5: {  	s26 =	simm.s32 $execute0_lowered;
	[smem:$0x3FD2] =	sst s25  }
0xa6: {  	s5 =	sshll.u32 s26, $0x1;
	_ =	strace $0x8000004C;
	[dreg:$0x1] =	wrdreg $0xFFFFFFFF  }
0xa7: {  	s28 =	simm.s32 $_size_execute0_lowered;
	s3 =	sadd.s32 s3, s5;
	[dreg:$0x0] =	wrdreg $0x0  }
0xa8: {  	s5 =	sshll.u32 s28, $0x1;
	[dreg:$0x2] =	wrdreg s3  }
0xa9: {  	[dreg:$0x3] =	wrdreg s5  }
0xaa: {  	[dreg:$0x4] =	wrdreg $0xC0  }
0xab: {  	_ =	task [dreg:s7], $0x5FFFF  }
0xac: {  	[dreg:$0x1] =	wrdreg $0xFFFFFFFF  }
0xad: {  	[dreg:$0x0] =	wrdreg $0x60  }
0xae: {  	[dreg:$0x2] =	wrdreg s24  }
0xaf: {  	[dreg:$0x3] =	wrdreg s2  }
0xb0: {  	[dreg:$0x4] =	wrdreg $0x82000  }
0xb1: {  	[dreg:$0x5] =	wrdreg $0x9  }
0xb2: {  	_ =	task.clear_ibuf [dreg:s7], $0x6FFFF;
	_ =	strace $0x9000004C  }
0xb3: {  	s29 =	simm.s32 $0x9;
	_ =	strace $0x8000004E  }
0xb4: {  	_ =	swait.ge [sflag:s29], $0x1  }
0xb5: {  	[sflag:s29] =	ssyncadd.s32 $0xFFFFFFFF  }
0xb6: {  	_ =	strace $0x9000004E  }
0xb7: {  	_ =	sfence  }
0xb8: {  	s30 =	sld [smem:$0x0];
	_ =	sdelay $0x2  }
0xb9: {  	s31 =	sshll.u32 s1, $0xD;
	s1 =	sshrl.u32 s1, $0x2  }
0xba: {  	s3 =	sand.u32 $0x4000, s31;
	s1 =	sadd.s32 s1, s30  }
0xbb: {  	s0 =	sor.u32 s3, s0;
	s1 =	sshll.u32 s1, $0x11  }
0xbc: {  	s0 =	sor.u32 s1, s0  }
0xbd: {  	s0 =	sadd.s32 $0x8F2B, s0  }
0xbe: {  	[sflag:s0] =	ssyncadd.remote.s32 $0x1  }
0xbf: {  	_ =	sfence.sel $0xFFFF  }
0xc0: {  	[dreg:$0x0] =	wrdreg $0xFFFFFFFF;
	(pc) =	sbr.abs _section_cstart, $3  }
0xc1: {  	[dreg:$0x1] =	wrdreg $0xFFFFFFFF  }
0xc2: {  	_ =	task.clear_ibuf [dreg:s7], $0x2FFFF;
	_ =	strace $0x9FFFFFFF  }
0xc3: {  	(tm) =	ssettm $0x7FFFFFFF  }
tec
execute0_lowered:
.L_overlay_start_1:
0x0: {  	(tag) =	ssettag $0x1  }
0x1: {  	s1 =	srdreg.scid  }
0x2: {  	s1 =	sand.u32 $0x1, s1  }
0x3: {  	p0 =	seq.s32 s1, $0x1  }
.Ltmp0:
0x4: {  	s9 =	rddreg [dreg:$0x0];
	(pc) =	sbr.rel @p0 .LBB2_4-.Ltmp0, $4  }
0x5: {  	s3 =	rddreg [dreg:$0x1]  }
0x6: {  	s2 =	rddreg [dreg:$0x2];
	s7 =	simm.s32 $0x0  }
0x7: {  	[smem:$0x7FF] =	sst s7  }
0x8: {  	s0 =	rddreg [dreg:$0x3];
	_ =	strace $0x8000004D;
	s1 =	stileid.u32  }
0x9: {  	s4 =	smul.u32 $0x50000, s1;
	_ =	sdelay $0x1  }
0xa: {  	s10 =	smul.u32 $0x2800, s1;
	s5 =	sadd.s32 $0x49A00, s9;
	s4 =	sshrl.u32 s4, $0x2  }
0xb: {  	s6 =	sshll.u32 s1, $0x6;
	s11 =	simm.s32 $0x5;
	s4 =	sadd.s32 s4, s2  }
0xc: {  	s8 =	sadd.s32 s5, s10;
	s5 =	sor.u32 $0x1C05, s6;
	s6 =	sshrl.u32 s4, $0x3  }
0xd: {  	[spmem:s6], [sflag:s5] =	dma.local [hbm:s8], $0x2800  }
0xe: {  	s29 =	smul.u32 $0x9E00, s1;
	_ =	swait.ge [sflag:s11], $0x2800  }
0xf: {  	[sflag:s11] =	ssyncset.done $0x0  }
0x10: {  	s30 =	sadd.s32 $0xDE00, s9;
	s4 =	sshrl.u32 s29, $0x3;
	[sflag:s11] =	ssyncadd.s32 $0xFFFFD800  }
0x11: {  	s4 =	sadd.s32 s30, s4;
	[bflag:$0x0] =	sbarrier.arrive $0xFFFF  }
0x12: {  	[tilespmem:s7], [sflag:$0x5] =	stream.linear.gather [hbm4b:s4+s7], $0x100, $0x38;
	[tilespmem:$0x1C300] =	vst v63  }
0x13: {  	_ =	swait.ge [sflag:s11], $0x100  }
0x14: {  	s13 =	simm.s32 $0x100;
	[sflag:s11] =	ssyncset.done $0x0  }
0x15: {  	s14 =	simm.s32 $0x80;
	s4 =	sadd.s32 $0x20, s4;
	[sflag:s11] =	ssyncadd.s32 $0xFFFFFF00  }
0x16: {  	[tilespmem:s13], [sflag:$0x2] =	stream.linear.gather [hbm4b:s4+s7], $0x100, $0x38;
	[tilespmem:$0x1C300] =	vst v63  }
0x17: {  	s15 =	simm.s32 $0x200;
	s16 =	simm.s32 $0x2;
	s4 =	sadd.s32 $0x21A00, s9  }
0x18: {  	[tilespmem:s15], [sflag:$0x3] =	stream.indirect.gather [hbm4b:s4+s14], $0x80, s7, s14, $0xb8;
	[tilespmem:$0x1C300] =	vst v63  }
0x19: {  	_ =	swait.ge [sflag:s16], $0x100  }
0x1a: {  	[sflag:s16] =	ssyncset.done $0x0  }
0x1b: {  	s17 =	simm.s32 $0x4200;
	s18 =	simm.s32 $0x3;
	[sflag:s16] =	ssyncadd.s32 $0xFFFFFF00  }
0x1c: {  	[tilespmem:s17], [sflag:$0x4] =	stream.indirect.gather [hbm4b:s4+s14], $0x80, s13, s14, $0xb8;
	[tilespmem:$0x1C300] =	vst v63  }
0x1d: {  	_ =	swait.ge [sflag:s18], $0x4000  }
0x1e: {  	[sflag:s18] =	ssyncset.done $0x0  }
0x1f: {  	s12 =	smul.u32 $0x13C0, s1;
	[sflag:s18] =	ssyncadd.s32 $0xFFFFC000  }
0x20: {  	[spmem:s2] =	stream.indirect.scatter.add.f32 [tilespmem:s15], [sflag:$0x5], $0x80, s14, s14, $0xb8;
	[tilespmem:$0x1C300] =	vst v63  }
0x21: {  	s20 =	sadd.s32 s12, s30;
	_ =	swait.ge [sflag:s11], $0x4000  }
0x22: {  	s25 =	sadd.s32 $0xFFFFEC80, s20;
	[sflag:s11] =	ssyncset.done $0x0  }
0x23: {  	s21 =	simm.s32 $0x1;
	s31 =	sadd.s32 $0x13C0, s25;
	[sflag:s11] =	ssyncadd.s32 $0xFFFFC000  }
0x24: {  	[tilespmem:s7], [sflag:$0x1] =	stream.linear.gather [hbm4b:s31+s7], $0x100, $0x38;
	[tilespmem:$0x1C300] =	vst v63  }
0x25: {  	_ =	swait.ge [sflag:s21], $0x100  }
0x26: {  	[sflag:s21] =	ssyncset.done $0x0  }
0x27: {  	s22 =	simm.s32 $0x4;
	[sflag:s21] =	ssyncadd.s32 $0xFFFFFF00  }
0x28: {  	[tilespmem:s15], [sflag:$0x3] =	stream.indirect.gather [hbm4b:s4+s14], $0x80, s7, s14, $0xb8;
	[tilespmem:$0x1C300] =	vst v63  }
0x29: {  	_ =	swait.ge [sflag:s22], $0x4000  }
0x2a: {  	s23 =	simm.s32 $0x180;
	[sflag:s22] =	ssyncset.done $0x0  }
0x2b: {  	s24 =	simm.s32 $0xFFFFECC0;
	s19 =	sadd.s32 s10, s9;
	[sflag:s22] =	ssyncadd.s32 $0xFFFFC000  }
0x2c: {  	[spmem:s2] =	stream.indirect.scatter.add.f32 [tilespmem:s17], [sflag:$0x5], $0x80, s23, s14, $0xb8;
	[tilespmem:$0x1C300] =	vst v63  }
0x2d: {  	s12 =	sadd.s32 $0x3600, s9;
	s10 =	sadd.s32 $0x3E00, s9;
	_ =	swait.ge [sflag:s11], $0x4000  }
0x2e: {  	s19 =	sadd.s32 $0x71A00, s19;
	s25 =	sadd.s32 $0x13E0, s25;
	[sflag:s11] =	ssyncset.done $0x0  }
0x2f: {  	s8 =	sadd.s32 $0x2E00, s9;
	s9 =	sadd.s32 $0x3400, s9;
	[sflag:s11] =	ssyncadd.s32 $0xFFFFC000  }
.LBB2_2:
0x30: {  	[tilespmem:s13], [sflag:$0x2] =	stream.linear.gather [hbm4b:s25+s7], $0x100, $0x38;
	[tilespmem:$0x1C300] =	vst v63  }
0x31: {  	s25 =	smov.u32 s24  }
0x32: {  	p0 =	sne.s32 s24, $0xFFFFFFC0;
	s24 =	sadd.s32 $0x40, s24;
	_ =	swait.ge [sflag:s16], $0x100  }
0x33: {  	[sflag:s16] =	ssyncset.done $0x0  }
0x34: {  	[sflag:s16] =	ssyncadd.s32 $0xFFFFFF00  }
0x35: {  	[tilespmem:s17], [sflag:$0x4] =	stream.indirect.gather [hbm4b:s4+s14], $0x80, s13, s14, $0xb8;
	[tilespmem:$0x1C300] =	vst v63  }
0x36: {  	_ =	swait.ge [sflag:s18], $0x4000  }
0x37: {  	[sflag:s18] =	ssyncset.done $0x0  }
0x38: {  	[sflag:s18] =	ssyncadd.s32 $0xFFFFC000  }
0x39: {  	[spmem:s2] =	stream.indirect.scatter.add.f32 [tilespmem:s15], [sflag:$0x5], $0x80, s14, s14, $0xb8;
	[tilespmem:$0x1C300] =	vst v63  }
0x3a: {  	_ =	swait.ge [sflag:s11], $0x4000  }
0x3b: {  	s25 =	sadd.s32 s25, s20;
	[sflag:s11] =	ssyncset.done $0x0  }
0x3c: {  	s26 =	sadd.s32 $0x13C0, s25;
	[sflag:s11] =	ssyncadd.s32 $0xFFFFC000  }
0x3d: {  	[tilespmem:s7], [sflag:$0x1] =	stream.linear.gather [hbm4b:s26+s7], $0x100, $0x38;
	[tilespmem:$0x1C300] =	vst v63  }
0x3e: {  	_ =	swait.ge [sflag:s21], $0x100  }
0x3f: {  	[sflag:s21] =	ssyncset.done $0x0  }
0x40: {  	[sflag:s21] =	ssyncadd.s32 $0xFFFFFF00  }
0x41: {  	[tilespmem:s15], [sflag:$0x3] =	stream.indirect.gather [hbm4b:s4+s14], $0x80, s7, s14, $0xb8;
	[tilespmem:$0x1C300] =	vst v63  }
0x42: {  	_ =	swait.ge [sflag:s22], $0x4000  }
0x43: {  	[sflag:s22] =	ssyncset.done $0x0  }
.Ltmp1:
0x44: {  	[sflag:s22] =	ssyncadd.s32 $0xFFFFC000;
	(pc) =	sbr.rel @p0 .LBB2_2-.Ltmp1, $4  }
0x45: {  	[spmem:s2] =	stream.indirect.scatter.add.f32 [tilespmem:s17], [sflag:$0x5], $0x80, s23, s14, $0xb8;
	[tilespmem:$0x1C300] =	vst v63  }
0x46: {  	_ =	swait.ge [sflag:s11], $0x4000  }
0x47: {  	[sflag:s11] =	ssyncset.done $0x0  }
0x48: {  	s25 =	sadd.s32 $0x13E0, s25;
	[sflag:s11] =	ssyncadd.s32 $0xFFFFC000  }
0x49: {  	[tilespmem:s13], [sflag:$0x2] =	stream.linear.gather [hbm4b:s25+s7], $0x100, $0x38;
	[tilespmem:$0x1C300] =	vst v63  }
0x4a: {  	s24 =	simm.s32 $0x2  }
0x4b: {  	_ =	swait.ge [sflag:s24], $0x100  }
0x4c: {  	s25 =	simm.s32 $0x80;
	s11 =	simm.s32 $0x100;
	[sflag:s24] =	ssyncset.done $0x0  }
0x4d: {  	s26 =	simm.s32 $0x4200;
	s28 =	simm.s32 $0x3;
	[sflag:s24] =	ssyncadd.s32 $0xFFFFFF00  }
0x4e: {  	[tilespmem:s26], [sflag:$0x4] =	stream.indirect.gather [hbm4b:s4+s25], $0x80, s11, s25, $0xb8;
	[tilespmem:$0x1C300] =	vst v63  }
0x4f: {  	_ =	swait.ge [sflag:s28], $0x4000  }
0x50: {  	[sflag:s28] =	ssyncset.done $0x0  }
0x51: {  	s29 =	simm.s32 $0x200;
	s30 =	simm.s32 $0x5;
	[sflag:s28] =	ssyncadd.s32 $0xFFFFC000  }
0x52: {  	[spmem:s2] =	stream.indirect.scatter.add.f32 [tilespmem:s29], [sflag:$0x5], $0x80, s25, s25, $0xb8;
	[tilespmem:$0x1C300] =	vst v63  }
0x53: {  	_ =	swait.ge [sflag:s30], $0x4000  }
0x54: {  	[sflag:s30] =	ssyncset.done $0x0  }
0x55: {  	s14 =	simm.s32 $0x4;
	[sflag:s30] =	ssyncadd.s32 $0xFFFFC000  }
0x56: {  	_ =	swait.ge [sflag:s14], $0x4000  }
0x57: {  	[sflag:s14] =	ssyncset.done $0x0  }
0x58: {  	s31 =	simm.s32 $0x180;
	[sflag:s14] =	ssyncadd.s32 $0xFFFFC000  }
0x59: {  	[spmem:s2] =	stream.indirect.scatter.add.f32 [tilespmem:s26], [sflag:$0x5], $0x80, s31, s25, $0xb8;
	[tilespmem:$0x1C300] =	vst v63  }
0x5a: {  	_ =	swait.ge [sflag:s30], $0x4000  }
0x5b: {  	[sflag:s30] =	ssyncset.done $0x0  }
0x5c: {  	[sflag:s30] =	ssyncadd.s32 $0xFFFFC000  }
0x5d: {  	[bflag:$0x0] =	sbarrier.arrive $0xFFFF  }
0x5e: {  	[hbm:s19], [sflag:s5] =	dma.local [spmem:s6], $0x2800  }
0x5f: {  	_ =	swait.ge [sflag:s30], $0x2800  }
0x60: {  	p0 =	sne.s32 s1, $0x0;
	[sflag:s30] =	ssyncset.done $0x0  }
0x61: {  	s5 =	simm.s32 @!p0 $0x0;
	s6 =	simm.s32 @!p0 $0x1C200;
	[sflag:s30] =	ssyncadd.s32 $0xFFFFD800  }
0x62: {  	[tilespmem:s6], [sflag:$0x5] =	stream.linear.gather @!p0 [hbm4b:s3+s5], $0x80, $0x38;
	[tilespmem:$0x1C300] =	vst v63  }
0x63: {  	s3 =	simm.s32 @!p0 $0x5  }
0x64: {  	_ =	swait.ge @!p0 [sflag:s3], $0x80  }
0x65: {  	[sflag:s3] =	ssyncset.done @!p0 $0x0  }
0x66: {  	s7 =	simm.s32 @!p0 $0x80;
	s11 =	simm.s32 @!p0 $0x200;
	[sflag:s3] =	ssyncadd.s32 @!p0 $0xFFFFFF80  }
0x67: {  	[tilespmem:s11], [sflag:$0x5] =	stream.indirect.gather @!p0 [spmem:s2], $0x80, s6, s7, $0xb8;
	[tilespmem:$0x1C300] =	vst v63  }
0x68: {  	_ =	swait.ge @!p0 [sflag:s3], $0x4000  }
0x69: {  	[sflag:s3] =	ssyncset.done @!p0 $0x0  }
0x6a: {  	[sflag:s3] =	ssyncadd.s32 @!p0 $0xFFFFC000  }
0x6b: {  	[hbm4b:s12+s5] =	stream.linear.scatter @!p0 [tilespmem:s11], [sflag:$0x5], $0x4000, $0x38;
	[tilespmem:$0x1C300] =	vst v63  }
0x6c: {  	_ =	swait.ge @!p0 [sflag:s3], $0x4000  }
0x6d: {  	[sflag:s3] =	ssyncset.done @!p0 $0x0  }
0x6e: {  	[sflag:s3] =	ssyncadd.s32 @!p0 $0xFFFFC000  }
0x6f: {  	[tilespmem:s11], [sflag:$0x5] =	stream.indirect.gather @!p0 [hbm4b:s4+s7], $0x80, s6, s7, $0xb8;
	[tilespmem:$0x1C300] =	vst v63  }
0x70: {  	_ =	swait.ge @!p0 [sflag:s3], $0x4000  }
0x71: {  	[sflag:s3] =	ssyncset.done @!p0 $0x0  }
0x72: {  	[sflag:s3] =	ssyncadd.s32 @!p0 $0xFFFFC000  }
0x73: {  	[hbm4b:s10+s5] =	stream.linear.scatter @!p0 [tilespmem:s11], [sflag:$0x5], $0x4000, $0x38;
	[tilespmem:$0x1C300] =	vst v63  }
0x74: {  	_ =	swait.ge @!p0 [sflag:s3], $0x4000  }
0x75: {  	[sflag:s3] =	ssyncset.done @!p0 $0x0  }
0x76: {  	s2 =	simm.s32 @!p0 $0x1C280;
	[sflag:s3] =	ssyncadd.s32 @!p0 $0xFFFFC000  }
0x77: {  	[tilespmem:s2], [sflag:$0x5] =	stream.indirect.gather @!p0 [hbm4b:s8+s7], $0x1, s6, s7, $0xb8;
	[tilespmem:$0x1C300] =	vst v63  }
0x78: {  	_ =	swait.ge @!p0 [sflag:s3], $0x80  }
0x79: {  	[sflag:s3] =	ssyncset.done @!p0 $0x0  }
0x7a: {  	[sflag:s3] =	ssyncadd.s32 @!p0 $0xFFFFFF80  }
0x7b: {  	[hbm4b:s9+s5] =	stream.linear.scatter @!p0 [tilespmem:s2], [sflag:$0x5], $0x80, $0x38;
	[tilespmem:$0x1C300] =	vst v63  }
0x7c: {  	_ =	swait.ge @!p0 [sflag:s3], $0x80  }
0x7d: {  	[sflag:s3] =	ssyncset.done @!p0 $0x0  }
0x7e: {  	[sflag:s3] =	ssyncadd.s32 @!p0 $0xFFFFFF80  }
.LBB2_4:
0x7f: {  	_ =	sfence.sel $0x180000  }
0x80: {  	[bflag:$0x0] =	sbarrier.arrive $0xFFFF  }
0x81: {  	p0 =	sne.s32 s1, $0x0;
	_ =	strace $0x9000004D  }
0x82: {  	s0 =	sadd.s32 @!p0 $0x100000, s0;
	[bflag:$0x2] =	sbarrier.arrive $0xFFFF  }
0x83: {  	[sflag:s0] =	ssyncadd.tile.s32 @!p0 $0x1;
	_ =	shalt  }
.Lfunc_end2:
_tile_overlayer_lowered:
.L_overlay_start_2:
0x84: {  	(tag) =	ssettag $0x2  }
0x85: {  	s0 =	rddreg [dreg:$0x0];
	s2 =	stileid.u32  }
0x86: {  	s1 =	rddreg [dreg:$0x1];
	p0 =	sne.s32 s2, $0x0  }
0x87: {  	s3 =	rddreg [dreg:$0x2];
	[bflag:$0x3] =	sbarrier.arrive $0xFFFF;
	s2 =	simm.s32 @!p0 $0x1C05  }
0x88: {  	[timem:s3], [sflag:s2] =	dma.local @!p0 [hbm:s0], s1  }
0x89: {  	s0 =	simm.s32 @!p0 $0x5  }
0x8a: {  	_ =	swait.ge @!p0 [sflag:s0], s1  }
0x8b: {  	s1 =	ssub.s32 @!p0 $0x0, s1;
	[sflag:s0] =	ssyncset.done @!p0 $0x0  }
0x8c: {  	[sflag:s0] =	ssyncadd.s32 @!p0 s1  }
0x8d: {  	[bflag:$0x3] =	sbarrier.arrive $0xFFFF  }
0x8e: {  	_ =	shalt  }

// kernel: kernel.8.cloned.1.call-start
scs
__scs_entry_jumppad:
0x0: {  	(pc) =	sbr.rel $0x88, $3  }
0x1: {  	(tag) =	ssettag $0x0;
	lr =	simm.s32 $0x1  }
0x2: {  	[smem:$0x3F93] =	sst lr;
	_ =	strace $0xD0000000  }
0x3: {  	_ = 	snop  }
0x4: {  	_ = 	snop  }
0x5: {  	_ = 	snop  }
0x6: {  	_ = 	snop  }
0x7: {  	_ = 	snop  }
__scs_overlays_trampoline_lowered:
0x8: {  	[smem:$0x3FA2] =	sst s0  }
0x9: {  	[smem:$0x3FA3] =	sst s1  }
0xa: {  	[smem:$0x3FA4] =	sst s2  }
0xb: {  	[smem:$0x3FA5] =	sst s3  }
0xc: {  	[smem:$0x3FA6] =	sst s4  }
0xd: {  	[smem:$0x3FA7] =	sst s5  }
0xe: {  	[smem:$0x3FA8] =	sst s6  }
0xf: {  	[smem:$0x3FA9] =	sst s7  }
0x10: {  	[smem:$0x3FAA] =	sst s8  }
0x11: {  	[smem:$0x3FAB] =	sst s9;
	s0 =	simm.s32 @!p0 $0x0  }
0x12: {  	s1 =	sld [smem:$0x3F91];
	s0 =	simm.s32 @p0 $0x1  }
0x13: {  	[smem:$0x3FAC] =	sst s0;
	s0 =	simm.s32 @!p1 $0x0  }
0x14: {  	s2 =	sld [smem:$0x3F90];
	s0 =	simm.s32 @p1 $0x1  }
0x15: {  	[smem:$0x3FAD] =	sst s0;
	s0 =	simm.s32 @!p2 $0x0  }
0x16: {  	s3 =	sld [smem:$0x3FDB];
	s0 =	simm.s32 @p2 $0x1  }
0x17: {  	s4 =	simm.s32 $0x1BF5;
	[smem:$0x3FAF] =	sst s0  }
0x18: {  	s0 =	sld [smem:$0x3F92];
	_ =	swait.ge [sflag:s4], $0x0  }
0x19: {  	s7 =	sld [smem:$0x3F93]  }
0x1a: {  	s8 =	sadd.s32 $0xFFFFE003, lr  }
0x1b: {  	s9 =	sadd.s32 $0xFFFFFEF7, lr;
	s5 =	simm.s32 $0xFFFFFFFF;
	p2 =	slt.u32 s8, $0xFFFFF086  }
0x1c: {  	p1 =	slt.u32 s9, $0xF7A;
	s5 =	simm.s32 @!p2 $0x0  }
0x1d: {  	s5 =	simm.s32 @p1 $0x1;
	p0 =	seq.s32 s7, s2  }
0x1e: {  	s7 =	smul.u32 @!p0 $0xF7A, s2;
	p2 =	seq.s32 @!p0 s5, $0x0  }
0x1f: {  	s9 =	smul.u32 $0xF7A, s1;
	s8 =	simm.s32 @!p0 $0x1BF5;
	p2 =	por !p2, p0  }
0x20: {  	[sflag:s8] =	ssyncset.s32 @!p0 $0xFFFFF086;
	s6 =	sadd.s32 @!p0 s3, s7;
	s7 =	simm.s32 @!p0 $0x108  }
0x21: {  	s3 =	sadd.s32 s3, s9;
	s6 =	sadd.s32 @!p0 $0x88, s6;
	s7 =	simm.s32 @p2 $0x1082  }
0x22: {  	[simem:s7], [sflag:s8] =	dma.local @!p0 [hbm:s6], $0xF7A  }
0x23: {  	s9 =	sor.u32 $0xD0000000, s2;
	s6 =	simm.s32 $0x108;
	_ =	swait.ge @!p0 [sflag:s8], $0x0  }
0x24: {  	s3 =	sadd.s32 $0x88, s3;
	s6 =	simm.s32 @!p1 $0x1082;
	[sflag:s4] =	ssyncset.s32 $0xFFFFF086  }
0x25: {  	[simem:s6], [sflag:s4] =	dma.local [hbm:s3], $0xF7A  }
0x26: {  	[smem:$0x3F93] =	sst s1;
	(tag) =	ssettag s2;
	_ =	strace s9  }
0x27: {  	s1 =	sld [smem:$0x3FA3]  }
0x28: {  	s2 =	sld [smem:$0x3FA4]  }
0x29: {  	s4 =	sld [smem:$0x3FA6]  }
0x2a: {  	p0 =	seq.s32 s5, $0x0;
	s5 =	sld [smem:$0x3FA7]  }
0x2b: {  	s6 =	sld [smem:$0x3FA8]  }
0x2c: {  	s7 =	sld [smem:$0x3FA9]  }
0x2d: {  	s3 =	simm.s32 $0x108;
	s8 =	sld [smem:$0x3FAA]  }
0x2e: {  	s3 =	simm.s32 @!p0 $0x1082;
	s9 =	sld [smem:$0x3FAB]  }
0x2f: {  	lr =	sadd.s32 s0, s3;
	s0 =	sld [smem:$0x3FA2]  }
0x30: {  	s3 =	sld [smem:$0x3FA5]  }
0x31: {  	[smem:$0x3FAE] =	sst s10  }
0x32: {  	s10 =	sld [smem:$0x3FAC];
	_ =	sdelay $0x3  }
0x33: {  	p0 =	seq.s32 s10, $0x1;
	s10 =	sld [smem:$0x3FAE];
	_ =	sdelay $0x3  }
0x34: {  	[smem:$0x3FAE] =	sst s10  }
0x35: {  	s10 =	sld [smem:$0x3FAD];
	_ =	sdelay $0x3  }
0x36: {  	p1 =	seq.s32 s10, $0x1;
	s10 =	sld [smem:$0x3FAE];
	_ =	sdelay $0x3  }
0x37: {  	[smem:$0x3FAE] =	sst s10  }
0x38: {  	s10 =	sld [smem:$0x3FAF]  }
0x39: {  	_ = 	snop;
	(pc) =	sbr.ind lr, $3  }
0x3a: {  	_ = 	snop  }
0x3b: {  	_ = 	snop  }
0x3c: {  	p2 =	seq.s32 s10, $0x1;
	s10 =	sld [smem:$0x3FAE]  }
0x3d: {  	_ =	shalt  }
0x3e: {  	_ =	shalt  }
0x3f: {  	_ =	shalt  }
0x40: {  	_ =	shalt  }
0x41: {  	_ =	shalt  }
0x42: {  	_ =	shalt  }
0x43: {  	_ =	shalt  }
0x44: {  	_ =	shalt  }
0x45: {  	_ =	shalt  }
0x46: {  	_ =	shalt  }
0x47: {  	_ =	shalt  }
0x48: {  	_ =	shalt  }
0x49: {  	_ =	shalt  }
0x4a: {  	_ =	shalt  }
0x4b: {  	_ =	shalt  }
0x4c: {  	_ =	shalt  }
0x4d: {  	_ =	shalt  }
0x4e: {  	_ =	shalt  }
0x4f: {  	_ =	shalt  }
0x50: {  	_ =	shalt  }
0x51: {  	_ =	shalt  }
0x52: {  	_ =	shalt  }
0x53: {  	_ =	shalt  }
0x54: {  	_ =	shalt  }
0x55: {  	_ =	shalt  }
0x56: {  	_ =	shalt  }
0x57: {  	_ =	shalt  }
0x58: {  	_ =	shalt  }
0x59: {  	_ =	shalt  }
0x5a: {  	_ =	shalt  }
0x5b: {  	_ =	shalt  }
0x5c: {  	_ =	shalt  }
0x5d: {  	_ =	shalt  }
0x5e: {  	_ =	shalt  }
0x5f: {  	_ =	shalt  }
0x60: {  	_ =	shalt  }
0x61: {  	_ =	shalt  }
0x62: {  	_ =	shalt  }
0x63: {  	_ =	shalt  }
0x64: {  	_ =	shalt  }
0x65: {  	_ =	shalt  }
0x66: {  	_ =	shalt  }
0x67: {  	_ =	shalt  }
0x68: {  	_ =	shalt  }
0x69: {  	_ =	shalt  }
0x6a: {  	_ =	shalt  }
0x6b: {  	_ =	shalt  }
0x6c: {  	_ =	shalt  }
0x6d: {  	_ =	shalt  }
0x6e: {  	_ =	shalt  }
0x6f: {  	_ =	shalt  }
0x70: {  	_ =	shalt  }
0x71: {  	_ =	shalt  }
0x72: {  	_ =	shalt  }
0x73: {  	_ =	shalt  }
0x74: {  	_ =	shalt  }
0x75: {  	_ =	shalt  }
0x76: {  	_ =	shalt  }
0x77: {  	_ =	shalt  }
0x78: {  	_ =	shalt  }
0x79: {  	_ =	shalt  }
0x7a: {  	_ =	shalt  }
0x7b: {  	_ =	shalt  }
0x7c: {  	_ =	shalt  }
0x7d: {  	_ =	shalt  }
0x7e: {  	_ =	shalt  }
0x7f: {  	_ =	shalt  }
0x80: {  	_ =	shalt  }
0x81: {  	_ =	shalt  }
0x82: {  	_ =	shalt  }
0x83: {  	_ =	shalt  }
0x84: {  	_ =	shalt  }
0x85: {  	_ =	shalt  }
0x86: {  	_ =	shalt  }
0x87: {  	_ =	shalt  }
.Lfunc_end0:
.L_simem_size_0:
called_computation_lowered:
.L_overlay_start_0:
0x88: {  	s2 =	sld [smem:$0x3FD9]  }
0x89: {  	s3 =	sld [smem:$0x3FFE];
	_ =	sdelay $0x1  }
0x8a: {  	s1 =	srdreg.scid  }
0x8b: {  	s0 =	sand.u32 $0x1, s1  }
0x8c: {  	s17 =	sshll.u32 s0, $0xA;
	s2 =	sadd.s32 s3, s2  }
0x8d: {  	s2 =	sadd.s32 s2, s17  }
0x8e: {  	[smem:$0x3FBA] =	sst s2  }
0x8f: {  	_ = 	snop  }
0x90: {  	s2 =	sld [smem:$0x3FD0];
	(tm) =	ssettm $0x1  }
0x91: {  	s18 =	sld [smem:$0x3FFB];
	_ =	sdelay $0x3  }
0x92: {  	_ =	strace s18  }
0x93: {  	s3 =	sld [smem:$0x3FFC];
	_ =	sdelay $0x3  }
0x94: {  	_ =	strace s3  }
0x95: {  	s3 =	sld [smem:$0x3FFD];
	_ =	sdelay $0x3  }
0x96: {  	_ =	strace s3  }
0x97: {  	_ =	strace $0x8FFFFFFF  }
0x98: {  	s19 =	sld [smem:$0x3FDB];
	_ =	sdelay $0x1  }
0x99: {  	s4 =	simm.s32 $_scs_section_size  }
0x9a: {  	s5 =	simm.s32 $_size__tile_overlayer_lowered;
	s6 =	simm.s32 $_tile_overlayer_lowered  }
0x9b: {  	s22 =	simm.s32 $0x1BFF;
	s21 =	sshll.u32 s6, $0x1;
	s3 =	sadd.s32 s4, s19  }
0x9c: {  	s7 =	simm.s32 $0x0;
	s20 =	sshll.u32 s5, $0x1;
	s5 =	sadd.s32 s21, s3  }
0x9d: {  	[timem:s7], [sflag:s22] =	dma.local [hbm:s5], s20  }
0x9e: {  	_ =	swait.ge [sflag:s22], s20  }
0x9f: {  	s4 =	ssub.s32 $0x0, s20;
	[sflag:s22] =	ssyncset.done $0x0  }
0xa0: {  	[sflag:s22] =	ssyncadd.s32 s4;
	_ =	sdelay $0x1  }
0xa1: {  	s23 =	simm.s32 $0x1B8B  }
0xa2: {  	_ =	swait.ge [sflag:s23], $0x1  }
0xa3: {  	[sflag:s23] =	ssyncset.done $0x0  }
0xa4: {  	s25 =	simm.s32 $0x1B8E;
	s24 =	sld [smem:$0x3FFE];
	[sflag:s23] =	ssyncadd.s32 $0xFFFFFFFF  }
0xa5: {  	s26 =	simm.s32 $execute0_lowered;
	[smem:$0x3FD2] =	sst s25  }
0xa6: {  	s5 =	sshll.u32 s26, $0x1;
	_ =	strace $0x80000046;
	[dreg:$0x1] =	wrdreg $0xFFFFFFFF  }
0xa7: {  	s28 =	simm.s32 $_size_execute0_lowered;
	s3 =	sadd.s32 s3, s5;
	[dreg:$0x0] =	wrdreg $0x0  }
0xa8: {  	s5 =	sshll.u32 s28, $0x1;
	[dreg:$0x2] =	wrdreg s3  }
0xa9: {  	[dreg:$0x3] =	wrdreg s5  }
0xaa: {  	[dreg:$0x4] =	wrdreg $0xC0  }
0xab: {  	_ =	task [dreg:s7], $0x5FFFF  }
0xac: {  	[dreg:$0x1] =	wrdreg $0xFFFFFFFF  }
0xad: {  	[dreg:$0x0] =	wrdreg $0x60  }
0xae: {  	[dreg:$0x2] =	wrdreg s24  }
0xaf: {  	[dreg:$0x3] =	wrdreg s2  }
0xb0: {  	[dreg:$0x4] =	wrdreg $0x28800  }
0xb1: {  	[dreg:$0x5] =	wrdreg $0x9  }
0xb2: {  	_ =	task.clear_ibuf [dreg:s7], $0x6FFFF;
	_ =	strace $0x90000046  }
0xb3: {  	s29 =	simm.s32 $0x9;
	_ =	strace $0x80000048  }
0xb4: {  	_ =	swait.ge [sflag:s29], $0x1  }
0xb5: {  	[sflag:s29] =	ssyncadd.s32 $0xFFFFFFFF  }
0xb6: {  	_ =	strace $0x90000048  }
0xb7: {  	_ =	sfence  }
0xb8: {  	s30 =	sld [smem:$0x0];
	_ =	sdelay $0x2  }
0xb9: {  	s31 =	sshll.u32 s1, $0xD;
	s1 =	sshrl.u32 s1, $0x2  }
0xba: {  	s3 =	sand.u32 $0x4000, s31;
	s1 =	sadd.s32 s1, s30  }
0xbb: {  	s0 =	sor.u32 s3, s0;
	s1 =	sshll.u32 s1, $0x11  }
0xbc: {  	s0 =	sor.u32 s1, s0  }
0xbd: {  	s0 =	sadd.s32 $0x8F2B, s0  }
0xbe: {  	[sflag:s0] =	ssyncadd.remote.s32 $0x1  }
0xbf: {  	_ =	sfence.sel $0xFFFF  }
0xc0: {  	[dreg:$0x0] =	wrdreg $0xFFFFFFFF;
	(pc) =	sbr.abs _section_cstart, $3  }
0xc1: {  	[dreg:$0x1] =	wrdreg $0xFFFFFFFF  }
0xc2: {  	_ =	task.clear_ibuf [dreg:s7], $0x2FFFF;
	_ =	strace $0x9FFFFFFF  }
0xc3: {  	(tm) =	ssettm $0x7FFFFFFF  }
tec
execute0_lowered:
.L_overlay_start_1:
0x0: {  	(tag) =	ssettag $0x1  }
0x1: {  	s6 =	rddreg [dreg:$0x0]  }
0x2: {  	s0 =	srdreg.scid;
	s2 =	rddreg [dreg:$0x1]  }
0x3: {  	s3 =	rddreg [dreg:$0x2];
	s4 =	simm.s32 $0x0;
	s13 =	simm.s32 $0x80  }
0x4: {  	s14 =	simm.s32 $0x20;
	s5 =	sand.u32 $0x1, s0;
	s0 =	stileid.u32  }
0x5: {  	s15 =	simm.s32 $0x10;
	s16 =	simm.s32 $0x0;
	s8 =	smul.u32 $0x500, s0  }
0x6: {  	[smem:$0x7FF] =	sst s4;
	s1 =	sshll.u32 s5, $0x4;
	s9 =	smul.u32 $0x280, s0  }
0x7: {  	s10 =	sshll.u32 s5, $0x7;
	s5 =	ssub.s32 $0x2, s5;
	s1 =	sor.u32 s0, s1  }
0x8: {  	s31 =	sshll.u32 s0, $0x6;
	s30 =	sshrl.u32 s5, $0x1;
	s7 =	smul.u32 $0x500, s1  }
0x9: {  	s1 =	rddreg [dreg:$0x3];
	_ =	strace $0x80000047;
	s8 =	sor.u32 s10, s8  }
0xa: {  	s29 =	sshrl.u32 s9, $0x3;
	s11 =	ssub.s32 s5, s30;
	s12 =	sadd.s32 s9, s3  }
0xb: {  	s8 =	sshrl.u32 s8, $0x3;
	s10 =	sadd.s32 s29, s6;
	s9 =	smax.u32 s11, $0x1  }
0xc: {  	s11 =	simm.s32 $0x1;
	s7 =	sadd.s32 s7, s6;
	s8 =	sadd.s32 s8, s6  }
0xd: {  	s5 =	sadd.s32 $0xCE00, s10;
	s6 =	sor.u32 $0x1C01, s31;
	s10 =	sshrl.u32 s12, $0x3  }
0xe: {  	s12 =	simm.s32 $0x2800;
	s7 =	sadd.s32 $0x2E00, s7;
	s8 =	sadd.s32 $0xD400, s8  }
.LBB2_1:
0xf: {  	[spmem:s10], [sflag:s6] =	dma.local [hbm:s5], $0x50  }
0x10: {  	_ =	swait.ge [sflag:s11], $0x50  }
0x11: {  	[sflag:s11] =	ssyncset.done $0x0  }
0x12: {  	[sflag:s11] =	ssyncadd.s32 $0xFFFFFFB0  }
0x13: {  	[tilespmem:s12], [sflag:$0x1] =	stream.linear.gather [hbm4b:s2+s4], $0x80, $0x38;
	[tilespmem:$0x2B00] =	vst v63  }
0x14: {  	_ =	swait.ge [sflag:s11], $0x80  }
0x15: {  	[sflag:s11] =	ssyncset.done $0x0  }
0x16: {  	[sflag:s11] =	ssyncadd.s32 $0xFFFFFF80  }
0x17: {  	[tilespmem:s4], [sflag:$0x1] =	stream.linear.gather [hbm4b:s7+s4], $0x2800, $0x38;
	[tilespmem:$0x2B00] =	vst v63  }
0x18: {  	_ =	swait.ge [sflag:s11], $0x2800  }
0x19: {  	[sflag:s11] =	ssyncset.done $0x0  }
0x1a: {  	[sflag:s11] =	ssyncadd.s32 $0xFFFFD800  }
0x1b: {  	s17 =	simm.s32 $0x0;
	[bflag:$0x0] =	sbarrier.arrive $0xFFFF  }
0x1c: {  	[spmem:s3] =	stream.indirect.scatter.add.f32 [tilespmem:s12], [sflag:$0x1], $0x1, s17, s13, $0xb8;
	[tilespmem:$0x2B00] =	vst v63  }
0x1d: {  	_ =	swait.ge [sflag:s11], $0x80  }
0x1e: {  	s17 =	simm.s32 $0x200;
	[sflag:s11] =	ssyncset.done $0x0  }
.LBB2_2:
0x1f: {  	s18 =	sshra.s32 s17, $0x2;
	[sflag:s11] =	ssyncadd.s32 $0xFFFFFF80;
	p0 =	sne.s32 s17, $0x9E00  }
0x20: {  	[spmem:s3] =	stream.indirect.scatter.add.f32 [tilespmem:s12], [sflag:$0x1], $0x1, s18, s13, $0xb8;
	[tilespmem:$0x2B00] =	vst v63  }
.Ltmp0:
0x21: {  	_ = 	snop;
	(pc) =	sbr.rel @p0 .LBB2_2-.Ltmp0, $4  }
0x22: {  	_ = 	snop  }
0x23: {  	s17 =	sadd.s32 $0x200, s17  }
0x24: {  	_ =	swait.ge [sflag:s11], $0x80  }
0x25: {  	[sflag:s11] =	ssyncset.done $0x0  }
0x26: {  	s16 =	sadd.s32 $0x1, s16  }
0x27: {  	[sflag:s11] =	ssyncadd.s32 $0xFFFFFF80;
	p0 =	sne.s32 s16, s9  }
.Ltmp1:
0x28: {  	[bflag:$0x0] =	sbarrier.arrive $0xFFFF;
	(pc) =	sbr.rel @p0 .LBB2_1-.Ltmp1, $4  }
0x29: {  	[hbm:s8@s14], [sflag:s6] =	dma.strided [spmem:s10@s15], $0x50, s11, $0x10   }
0x2a: {  	_ =	swait.ge [sflag:s11], $0x50  }
0x2b: {  	[sflag:s11] =	ssyncset.done $0x0  }
0x2c: {  	[sflag:s11] =	ssyncadd.s32 $0xFFFFFFB0  }
0x2d: {  	_ =	sfence.sel $0x180000  }
0x2e: {  	[bflag:$0x0] =	sbarrier.arrive $0xFFFF  }
0x2f: {  	p0 =	sne.s32 s0, $0x0;
	_ =	strace $0x90000047  }
0x30: {  	s0 =	sadd.s32 @!p0 $0x100000, s1;
	[bflag:$0x2] =	sbarrier.arrive $0xFFFF  }
0x31: {  	[sflag:s0] =	ssyncadd.tile.s32 @!p0 $0x1;
	_ =	shalt  }
.Lfunc_end2:
_tile_overlayer_lowered:
.L_overlay_start_2:
0x32: {  	(tag) =	ssettag $0x2  }
0x33: {  	s0 =	rddreg [dreg:$0x0];
	s2 =	stileid.u32  }
0x34: {  	s1 =	rddreg [dreg:$0x1];
	p0 =	sne.s32 s2, $0x0  }
0x35: {  	s3 =	rddreg [dreg:$0x2];
	[bflag:$0x3] =	sbarrier.arrive $0xFFFF;
	s2 =	simm.s32 @!p0 $0x1C01  }
0x36: {  	[timem:s3], [sflag:s2] =	dma.local @!p0 [hbm:s0], s1  }
0x37: {  	s0 =	simm.s32 @!p0 $0x1  }
0x38: {  	_ =	swait.ge @!p0 [sflag:s0], s1  }
0x39: {  	s1 =	ssub.s32 @!p0 $0x0, s1;
	[sflag:s0] =	ssyncset.done @!p0 $0x0  }
0x3a: {  	[sflag:s0] =	ssyncadd.s32 @!p0 s1  }
0x3b: {  	[bflag:$0x3] =	sbarrier.arrive $0xFFFF  }
0x3c: {  	_ =	shalt  }

</sc_bundles>
